<compile_context>
chip_gen: v7x
topology: tpu7x:2x2x1
jax: 0.10.2.dev20260603
libtpu: 0.0.44.dev20260713+nightly
codegen_flags: <defaults>
</compile_context>

<pallas_src>
import functools

import jax
import jax.numpy as jnp
from jax import lax
from jax.experimental import pallas as pl
from jax.experimental.pallas import tpu as pltpu
from jax.experimental.pallas import tpu_sc as plsc

D_MODEL = 64
_SCALE = 8.0

_NC = 2
_NS = 16
_NW = _NC * _NS
_L = 16

_C = 128
_P = 2
_K = 2


@functools.lru_cache(maxsize=None)
def _build(n_slab: int, vocab: int):
    nunit = n_slab // _P
    nblk = nunit // _K
    assert nblk * _K == nunit
    n1t = n_slab // 8

    mesh = plsc.VectorSubcoreMesh(
        core_axis_name="c", subcore_axis_name="s",
        num_cores=_NC, num_subcores=_NS,
    )

    @functools.partial(
        pl.kernel,
        mesh=mesh,
        out_type=jax.ShapeDtypeStruct((n_slab, 8, _NW, 8, _C), jnp.float32),
        scratch_types=[
            pltpu.VMEM((n1t, 8, _C), jnp.int32),
            [pltpu.VMEM((_P, _C, D_MODEL), jnp.float32) for _ in range(_K)],
            [pltpu.VMEM((_P, 8, 8, _C + 1), jnp.float32) for _ in range(_K)],
            [pltpu.SemaphoreType.DMA for _ in range(_K)],
            [pltpu.SemaphoreType.DMA for _ in range(_K)],
        ],
        compiler_params=pltpu.CompilerParams(
            use_tc_tiling_on_sc=False, needs_layout_passes=False
        ),
    )
    def kern(x_hbm, table_hbm, out_hbm, idx_v, gbufs, tbufs, gsems, osems):
        cid = lax.axis_index("c")
        sid = lax.axis_index("s")
        wid = sid * _NC + cid

        pltpu.sync_copy(x_hbm.at[:, wid], idx_v)

        def start_gather(g, b):
            for h in range(_P):
                a = g * _P + h
                pltpu.async_copy(
                    table_hbm.at[idx_v.at[a // 8, a % 8]],
                    gbufs[b].at[h], gsems[b],
                )

        def wait_gather(b):
            for h in range(_P):
                pltpu.make_async_copy(
                    table_hbm.at[idx_v.at[0, 0]], gbufs[b].at[h], gsems[b]
                ).wait()

        def start_out(g, b):
            pltpu.async_copy(
                tbufs[b].at[:, :, :, pl.ds(0, _C)],
                out_hbm.at[pl.ds(g * _P, _P), :, wid],
                osems[b],
            )

        def wait_out(b):
            pltpu.make_async_copy(
                tbufs[b].at[:, :, :, pl.ds(0, _C)],
                out_hbm.at[pl.ds(0, _P), :, 0],
                osems[b],
            ).wait()

        lane = lax.iota(jnp.int32, _L)
        bbv = [(lane + k * _L) // 8 for k in range(D_MODEL // _L)]
        bsv = [(lane + k * _L) % 8 for k in range(D_MODEL // _L)]

        def transpose_scale(b):
            gbuf = gbufs[b]
            tbuf = tbufs[b]

            @pl.loop(0, _C, unroll=2)
            def _(r):
                rv = jnp.full((_L,), r, jnp.int32)
                for h in range(_P):
                    hv = jnp.full((_L,), h, jnp.int32)
                    vals = [
                        gbuf[h, r, pl.ds(k * _L, _L)] * _SCALE
                        for k in range(D_MODEL // _L)
                    ]
                    for k in range(D_MODEL // _L):
                        plsc.store_scatter(
                            tbuf, [hv, bbv[k], bsv[k], rv], vals[k]
                        )

        def step(g, b, *, first=False, prefetch=True):
            if not first:
                wait_out((b + _K - 1) % _K)
            if prefetch:
                start_gather(g + _K - 1, (b + _K - 1) % _K)
            wait_gather(b)
            transpose_scale(b)
            start_out(g, b)

        for b in range(_K - 1):
            start_gather(b, b)

        step(0, 0, first=True)
        for b in range(1, _K):
            step(b, b)

        @pl.loop(1, nblk - 1)
        def _(i):
            g0 = i * _K
            for b in range(_K):
                step(g0 + b, b)

        g0 = (nblk - 1) * _K
        step(g0, 0)
        for b in range(1, _K):
            step(g0 + b, b, prefetch=False)

        wait_out(_K - 1)

    return kern


def kernel(x, table):
    s0, s1 = x.shape
    vocab = table.shape[0]
    x5 = (
        x.T.reshape(s1 // 8, 8, s0 // _C, _C)
        .transpose(0, 2, 1, 3)
        .astype(jnp.int32)
    )
    out5 = _build(s1, vocab)(x5, table)
    return out5.transpose(2, 4, 0, 1, 3).reshape(s0, s1, D_MODEL)

# --- scband reference (transcript-rebuilt; emitter-appended) ---
"""Pipeline reference for scband-input-embeddings-27702539059552 (READ-ONLY COPY).

The authoritative reference and input builder live on the scoring server;
editing this copy changes nothing except your own understanding.
"""

import jax, jax.numpy as jnp
import numpy as np
import math

VOCAB = 1000000
D_MODEL = 64

def setup_inputs(seed: int = 0) -> dict:
    key = jax.random.key(seed)
    k1, k2 = jax.random.split(key)
    x = jax.random.randint(k1, (4096, 200), 0, VOCAB, dtype=jnp.int64 if jax.config.jax_enable_x64 else jnp.int32)
    table = jax.random.normal(k2, (VOCAB, D_MODEL), dtype=jnp.float32)
    return {"x": x, "table": table}

def reference(x, table):
    # embedding lookup followed by sqrt(d_model) scaling
    emb = jnp.take(table, x, axis=0)
    return emb * math.sqrt(D_MODEL)

if __name__ == "__main__":
    import jax
    _d = setup_inputs()
    print(jax.jit(kernel)(*tuple(_d.values())))

</pallas_src>

<mosaic_0001>
#map = affine_map<(d0, d1) -> (0, 0, 0, 0)>
#map1 = affine_map<(d0, d1) -> (0, 0)>
#map2 = affine_map<(d0, d1) -> (0, 0, 0, 0, 0)>
module attributes {stable_mosaic.version = 14 : i64} {
  func.func @kern(%arg0: i32, %arg1: i32, %arg2: memref<25x32x8x128xi32, #tpu.memory_space<hbm>>, %arg3: memref<1000000x64xf32, #tpu.memory_space<hbm>>, %arg4: memref<200x8x32x8x128xf32, #tpu.memory_space<hbm>>, %arg5: memref<25x8x128xi32, #tpu.memory_space<vmem>>, %arg6: memref<2x128x64xf32, #tpu.memory_space<vmem>>, %arg7: memref<2x128x64xf32, #tpu.memory_space<vmem>>, %arg8: memref<2x8x8x129xf32, #tpu.memory_space<vmem>>, %arg9: memref<2x8x8x129xf32, #tpu.memory_space<vmem>>, %arg10: memref<!tpu.dma_semaphore, #tpu.memory_space<semaphore_mem>>, %arg11: memref<!tpu.dma_semaphore, #tpu.memory_space<semaphore_mem>>, %arg12: memref<!tpu.dma_semaphore, #tpu.memory_space<semaphore_mem>>, %arg13: memref<!tpu.dma_semaphore, #tpu.memory_space<semaphore_mem>>) attributes {dimension_semantics = [#tpu.dimension_semantics<core_parallel>, #tpu.dimension_semantics<subcore_parallel>], iteration_bounds = array<i64: 2, 16>, scalar_prefetch = 0 : i64, scratch_operands = 9 : i64, tpu.core_type = #tpu.core_type<sc_vector_subcore>, window_params = [{transform_indices = #map}, {transform_indices = #map1}, {transform_indices = #map2}]} {
    %mul3A = arith.constant 2 : i32
    %mul3A_0 = arith.muli %arg1, %mul3A : i32
    %add3A = arith.addi %mul3A_0, %arg0 : i32
    "tpu.region"() ({
      %run_scoped3A = tpu.sem_alloc : memref<!tpu.dma_semaphore, #tpu.memory_space<semaphore_mem>>
      %dma_start3A_637 = arith.constant 0 : i32
      %dma_start3A_638 = arith.constant 0 : i32
      %dma_start3A_639 = arith.constant 0 : i32
      %dma_start3A_640 = tpu.memref_slice %arg2[%dma_start3A_637, %add3A, %dma_start3A_638, %dma_start3A_639] : memref<25x32x8x128xi32, #tpu.memory_space<hbm>> -> memref<25x1x8x128xi32, #tpu.memory_space<hbm>>
      %dma_start3A_641 = tpu.memref_squeeze %dma_start3A_640 : memref<25x1x8x128xi32, #tpu.memory_space<hbm>> -> memref<25x8x128xi32, #tpu.memory_space<hbm>>
      %dma_start3A_642 = arith.constant 0 : i32
      %dma_start3A_643 = arith.constant 0 : i32
      %dma_start3A_644 = arith.constant 0 : i32
      %dma_start3A_645 = tpu.memref_slice %arg2[%dma_start3A_642, %add3A, %dma_start3A_643, %dma_start3A_644] : memref<25x32x8x128xi32, #tpu.memory_space<hbm>> -> memref<25x1x8x128xi32, #tpu.memory_space<hbm>>
      %dma_start3A_646 = tpu.memref_squeeze %dma_start3A_645 : memref<25x1x8x128xi32, #tpu.memory_space<hbm>> -> memref<25x8x128xi32, #tpu.memory_space<hbm>>
      tpu.enqueue_dma source(%dma_start3A_646 : memref<25x8x128xi32, #tpu.memory_space<hbm>>) target(%arg5 : memref<25x8x128xi32, #tpu.memory_space<vmem>>) target_semaphore(%run_scoped3A : memref<!tpu.dma_semaphore, #tpu.memory_space<semaphore_mem>>)
      %dma_wait3A_647 = arith.constant 0 : i32
      %dma_wait3A_648 = arith.constant 0 : i32
      %dma_wait3A_649 = arith.constant 0 : i32
      %dma_wait3A_650 = tpu.memref_slice %arg2[%dma_wait3A_647, %add3A, %dma_wait3A_648, %dma_wait3A_649] : memref<25x32x8x128xi32, #tpu.memory_space<hbm>> -> memref<25x1x8x128xi32, #tpu.memory_space<hbm>>
      %dma_wait3A_651 = tpu.memref_squeeze %dma_wait3A_650 : memref<25x1x8x128xi32, #tpu.memory_space<hbm>> -> memref<25x8x128xi32, #tpu.memory_space<hbm>>
      %dma_wait3A_652 = arith.constant 0 : i32
      %dma_wait3A_653 = arith.constant 0 : i32
      %dma_wait3A_654 = arith.constant 0 : i32
      %dma_wait3A_655 = tpu.memref_slice %arg2[%dma_wait3A_652, %add3A, %dma_wait3A_653, %dma_wait3A_654] : memref<25x32x8x128xi32, #tpu.memory_space<hbm>> -> memref<25x1x8x128xi32, #tpu.memory_space<hbm>>
      %dma_wait3A_656 = tpu.memref_squeeze %dma_wait3A_655 : memref<25x1x8x128xi32, #tpu.memory_space<hbm>> -> memref<25x8x128xi32, #tpu.memory_space<hbm>>
      tpu.wait_dma2 semaphore(%run_scoped3A : memref<!tpu.dma_semaphore, #tpu.memory_space<semaphore_mem>>) src(%dma_wait3A_656 : memref<25x8x128xi32, #tpu.memory_space<hbm>>) dst(%arg5 : memref<25x8x128xi32, #tpu.memory_space<vmem>>)
      tpu.yield
    }) : () -> ()
    %iota3A = tpu.iota {dimensions = array<i32: 0>} : vector<16xi32>
    %add3A_1 = arith.constant 0 : i32
    %add3A_2 = vector.broadcast %add3A_1 : i32 to vector<16xi32>
    %add3A_3 = arith.addi %iota3A, %add3A_2 : vector<16xi32>
    %jit3A = arith.constant 8 : i32
    %div3A = vector.broadcast %jit3A : i32 to vector<16xi32>
    %div3A_4 = arith.divsi %add3A_3, %div3A : vector<16xi32>
    %sign3A = arith.constant 0 : i32
    %sign3A_5 = vector.broadcast %sign3A : i32 to vector<16xi32>
    %sign3A_6 = arith.cmpi sgt, %add3A_3, %sign3A_5 : vector<16xi32>
    %sign3A_7 = arith.extui %sign3A_6 : vector<16xi1> to vector<16xi32>
    %sign3A_8 = arith.constant 0 : i32
    %sign3A_9 = vector.broadcast %sign3A_8 : i32 to vector<16xi32>
    %sign3A_10 = arith.cmpi slt, %add3A_3, %sign3A_9 : vector<16xi32>
    %sign3A_11 = arith.extui %sign3A_10 : vector<16xi1> to vector<16xi32>
    %sign3A_12 = arith.subi %sign3A_7, %sign3A_11 : vector<16xi32>
    %sign3A_13 = arith.constant 0 : i32
    %sign3A_14 = arith.cmpi sgt, %jit3A, %sign3A_13 : i32
    %sign3A_15 = arith.extui %sign3A_14 : i1 to i32
    %sign3A_16 = arith.constant 0 : i32
    %sign3A_17 = arith.cmpi slt, %jit3A, %sign3A_16 : i32
    %sign3A_18 = arith.extui %sign3A_17 : i1 to i32
    %sign3A_19 = arith.subi %sign3A_15, %sign3A_18 : i32
    %ne3A = vector.broadcast %sign3A_19 : i32 to vector<16xi32>
    %ne3A_20 = arith.cmpi ne, %sign3A_12, %ne3A : vector<16xi32>
    %rem3A = vector.broadcast %jit3A : i32 to vector<16xi32>
    %rem3A_21 = arith.remsi %add3A_3, %rem3A : vector<16xi32>
    %ne3A_22 = arith.constant 0 : i32
    %ne3A_23 = vector.broadcast %ne3A_22 : i32 to vector<16xi32>
    %ne3A_24 = arith.cmpi ne, %rem3A_21, %ne3A_23 : vector<16xi32>
    %and3A = arith.andi %ne3A_20, %ne3A_24 : vector<16xi1>
    %sub3A = arith.constant 1 : i32
    %sub3A_25 = vector.broadcast %sub3A : i32 to vector<16xi32>
    %sub3A_26 = arith.subi %div3A_4, %sub3A_25 : vector<16xi32>
    %select_n3A = arith.select %and3A, %sub3A_26, %div3A_4 : vector<16xi1>, vector<16xi32>
    %add3A_27 = arith.constant 16 : i32
    %add3A_28 = vector.broadcast %add3A_27 : i32 to vector<16xi32>
    %add3A_29 = arith.addi %iota3A, %add3A_28 : vector<16xi32>
    %jit3A_30 = arith.constant 8 : i32
    %div3A_31 = vector.broadcast %jit3A_30 : i32 to vector<16xi32>
    %div3A_32 = arith.divsi %add3A_29, %div3A_31 : vector<16xi32>
    %sign3A_33 = arith.constant 0 : i32
    %sign3A_34 = vector.broadcast %sign3A_33 : i32 to vector<16xi32>
    %sign3A_35 = arith.cmpi sgt, %add3A_29, %sign3A_34 : vector<16xi32>
    %sign3A_36 = arith.extui %sign3A_35 : vector<16xi1> to vector<16xi32>
    %sign3A_37 = arith.constant 0 : i32
    %sign3A_38 = vector.broadcast %sign3A_37 : i32 to vector<16xi32>
    %sign3A_39 = arith.cmpi slt, %add3A_29, %sign3A_38 : vector<16xi32>
    %sign3A_40 = arith.extui %sign3A_39 : vector<16xi1> to vector<16xi32>
    %sign3A_41 = arith.subi %sign3A_36, %sign3A_40 : vector<16xi32>
    %sign3A_42 = arith.constant 0 : i32
    %sign3A_43 = arith.cmpi sgt, %jit3A_30, %sign3A_42 : i32
    %sign3A_44 = arith.extui %sign3A_43 : i1 to i32
    %sign3A_45 = arith.constant 0 : i32
    %sign3A_46 = arith.cmpi slt, %jit3A_30, %sign3A_45 : i32
    %sign3A_47 = arith.extui %sign3A_46 : i1 to i32
    %sign3A_48 = arith.subi %sign3A_44, %sign3A_47 : i32
    %ne3A_49 = vector.broadcast %sign3A_48 : i32 to vector<16xi32>
    %ne3A_50 = arith.cmpi ne, %sign3A_41, %ne3A_49 : vector<16xi32>
    %rem3A_51 = vector.broadcast %jit3A_30 : i32 to vector<16xi32>
    %rem3A_52 = arith.remsi %add3A_29, %rem3A_51 : vector<16xi32>
    %ne3A_53 = arith.constant 0 : i32
    %ne3A_54 = vector.broadcast %ne3A_53 : i32 to vector<16xi32>
    %ne3A_55 = arith.cmpi ne, %rem3A_52, %ne3A_54 : vector<16xi32>
    %and3A_56 = arith.andi %ne3A_50, %ne3A_55 : vector<16xi1>
    %sub3A_57 = arith.constant 1 : i32
    %sub3A_58 = vector.broadcast %sub3A_57 : i32 to vector<16xi32>
    %sub3A_59 = arith.subi %div3A_32, %sub3A_58 : vector<16xi32>
    %select_n3A_60 = arith.select %and3A_56, %sub3A_59, %div3A_32 : vector<16xi1>, vector<16xi32>
    %add3A_61 = arith.constant 32 : i32
    %add3A_62 = vector.broadcast %add3A_61 : i32 to vector<16xi32>
    %add3A_63 = arith.addi %iota3A, %add3A_62 : vector<16xi32>
    %jit3A_64 = arith.constant 8 : i32
    %div3A_65 = vector.broadcast %jit3A_64 : i32 to vector<16xi32>
    %div3A_66 = arith.divsi %add3A_63, %div3A_65 : vector<16xi32>
    %sign3A_67 = arith.constant 0 : i32
    %sign3A_68 = vector.broadcast %sign3A_67 : i32 to vector<16xi32>
    %sign3A_69 = arith.cmpi sgt, %add3A_63, %sign3A_68 : vector<16xi32>
    %sign3A_70 = arith.extui %sign3A_69 : vector<16xi1> to vector<16xi32>
    %sign3A_71 = arith.constant 0 : i32
    %sign3A_72 = vector.broadcast %sign3A_71 : i32 to vector<16xi32>
    %sign3A_73 = arith.cmpi slt, %add3A_63, %sign3A_72 : vector<16xi32>
    %sign3A_74 = arith.extui %sign3A_73 : vector<16xi1> to vector<16xi32>
    %sign3A_75 = arith.subi %sign3A_70, %sign3A_74 : vector<16xi32>
    %sign3A_76 = arith.constant 0 : i32
    %sign3A_77 = arith.cmpi sgt, %jit3A_64, %sign3A_76 : i32
    %sign3A_78 = arith.extui %sign3A_77 : i1 to i32
    %sign3A_79 = arith.constant 0 : i32
    %sign3A_80 = arith.cmpi slt, %jit3A_64, %sign3A_79 : i32
    %sign3A_81 = arith.extui %sign3A_80 : i1 to i32
    %sign3A_82 = arith.subi %sign3A_78, %sign3A_81 : i32
    %ne3A_83 = vector.broadcast %sign3A_82 : i32 to vector<16xi32>
    %ne3A_84 = arith.cmpi ne, %sign3A_75, %ne3A_83 : vector<16xi32>
    %rem3A_85 = vector.broadcast %jit3A_64 : i32 to vector<16xi32>
    %rem3A_86 = arith.remsi %add3A_63, %rem3A_85 : vector<16xi32>
    %ne3A_87 = arith.constant 0 : i32
    %ne3A_88 = vector.broadcast %ne3A_87 : i32 to vector<16xi32>
    %ne3A_89 = arith.cmpi ne, %rem3A_86, %ne3A_88 : vector<16xi32>
    %and3A_90 = arith.andi %ne3A_84, %ne3A_89 : vector<16xi1>
    %sub3A_91 = arith.constant 1 : i32
    %sub3A_92 = vector.broadcast %sub3A_91 : i32 to vector<16xi32>
    %sub3A_93 = arith.subi %div3A_66, %sub3A_92 : vector<16xi32>
    %select_n3A_94 = arith.select %and3A_90, %sub3A_93, %div3A_66 : vector<16xi1>, vector<16xi32>
    %add3A_95 = arith.constant 48 : i32
    %add3A_96 = vector.broadcast %add3A_95 : i32 to vector<16xi32>
    %add3A_97 = arith.addi %iota3A, %add3A_96 : vector<16xi32>
    %jit3A_98 = arith.constant 8 : i32
    %div3A_99 = vector.broadcast %jit3A_98 : i32 to vector<16xi32>
    %div3A_100 = arith.divsi %add3A_97, %div3A_99 : vector<16xi32>
    %sign3A_101 = arith.constant 0 : i32
    %sign3A_102 = vector.broadcast %sign3A_101 : i32 to vector<16xi32>
    %sign3A_103 = arith.cmpi sgt, %add3A_97, %sign3A_102 : vector<16xi32>
    %sign3A_104 = arith.extui %sign3A_103 : vector<16xi1> to vector<16xi32>
    %sign3A_105 = arith.constant 0 : i32
    %sign3A_106 = vector.broadcast %sign3A_105 : i32 to vector<16xi32>
    %sign3A_107 = arith.cmpi slt, %add3A_97, %sign3A_106 : vector<16xi32>
    %sign3A_108 = arith.extui %sign3A_107 : vector<16xi1> to vector<16xi32>
    %sign3A_109 = arith.subi %sign3A_104, %sign3A_108 : vector<16xi32>
    %sign3A_110 = arith.constant 0 : i32
    %sign3A_111 = arith.cmpi sgt, %jit3A_98, %sign3A_110 : i32
    %sign3A_112 = arith.extui %sign3A_111 : i1 to i32
    %sign3A_113 = arith.constant 0 : i32
    %sign3A_114 = arith.cmpi slt, %jit3A_98, %sign3A_113 : i32
    %sign3A_115 = arith.extui %sign3A_114 : i1 to i32
    %sign3A_116 = arith.subi %sign3A_112, %sign3A_115 : i32
    %ne3A_117 = vector.broadcast %sign3A_116 : i32 to vector<16xi32>
    %ne3A_118 = arith.cmpi ne, %sign3A_109, %ne3A_117 : vector<16xi32>
    %rem3A_119 = vector.broadcast %jit3A_98 : i32 to vector<16xi32>
    %rem3A_120 = arith.remsi %add3A_97, %rem3A_119 : vector<16xi32>
    %ne3A_121 = arith.constant 0 : i32
    %ne3A_122 = vector.broadcast %ne3A_121 : i32 to vector<16xi32>
    %ne3A_123 = arith.cmpi ne, %rem3A_120, %ne3A_122 : vector<16xi32>
    %and3A_124 = arith.andi %ne3A_118, %ne3A_123 : vector<16xi1>
    %sub3A_125 = arith.constant 1 : i32
    %sub3A_126 = vector.broadcast %sub3A_125 : i32 to vector<16xi32>
    %sub3A_127 = arith.subi %div3A_100, %sub3A_126 : vector<16xi32>
    %select_n3A_128 = arith.select %and3A_124, %sub3A_127, %div3A_100 : vector<16xi1>, vector<16xi32>
    %add3A_129 = arith.constant 0 : i32
    %add3A_130 = vector.broadcast %add3A_129 : i32 to vector<16xi32>
    %add3A_131 = arith.addi %iota3A, %add3A_130 : vector<16xi32>
    %jit3A_132 = arith.constant 8 : i32
    %eq3A = arith.constant 0 : i32
    %eq3A_133 = arith.cmpi eq, %jit3A_132, %eq3A : i32
    %jit3A_134 = arith.constant 1 : i32
    %select_n3A_135 = arith.select %eq3A_133, %jit3A_134, %jit3A_132 : i32
    %rem3A_136 = vector.broadcast %select_n3A_135 : i32 to vector<16xi32>
    %rem3A_137 = arith.remsi %add3A_131, %rem3A_136 : vector<16xi32>
    %ne3A_138 = arith.constant 0 : i32
    %ne3A_139 = vector.broadcast %ne3A_138 : i32 to vector<16xi32>
    %ne3A_140 = arith.cmpi ne, %rem3A_137, %ne3A_139 : vector<16xi32>
    %lt3A = arith.constant 0 : i32
    %lt3A_141 = vector.broadcast %lt3A : i32 to vector<16xi32>
    %lt3A_142 = arith.cmpi slt, %rem3A_137, %lt3A_141 : vector<16xi32>
    %lt3A_143 = arith.constant 0 : i32
    %lt3A_144 = arith.cmpi slt, %select_n3A_135, %lt3A_143 : i32
    %ne3A_145 = vector.broadcast %lt3A_144 : i1 to vector<16xi1>
    %ne3A_146 = vector.broadcast %ne3A_145 : vector<16xi1> to vector<16xi1>
    %ne3A_147 = arith.xori %lt3A_142, %ne3A_146 : vector<16xi1>
    %and3A_148 = arith.andi %ne3A_147, %ne3A_140 : vector<16xi1>
    %add3A_149 = vector.broadcast %select_n3A_135 : i32 to vector<16xi32>
    %add3A_150 = arith.addi %rem3A_137, %add3A_149 : vector<16xi32>
    %select_n3A_151 = arith.select %and3A_148, %add3A_150, %rem3A_137 : vector<16xi1>, vector<16xi32>
    %add3A_152 = arith.constant 16 : i32
    %add3A_153 = vector.broadcast %add3A_152 : i32 to vector<16xi32>
    %add3A_154 = arith.addi %iota3A, %add3A_153 : vector<16xi32>
    %jit3A_155 = arith.constant 8 : i32
    %eq3A_156 = arith.constant 0 : i32
    %eq3A_157 = arith.cmpi eq, %jit3A_155, %eq3A_156 : i32
    %jit3A_158 = arith.constant 1 : i32
    %select_n3A_159 = arith.select %eq3A_157, %jit3A_158, %jit3A_155 : i32
    %rem3A_160 = vector.broadcast %select_n3A_159 : i32 to vector<16xi32>
    %rem3A_161 = arith.remsi %add3A_154, %rem3A_160 : vector<16xi32>
    %ne3A_162 = arith.constant 0 : i32
    %ne3A_163 = vector.broadcast %ne3A_162 : i32 to vector<16xi32>
    %ne3A_164 = arith.cmpi ne, %rem3A_161, %ne3A_163 : vector<16xi32>
    %lt3A_165 = arith.constant 0 : i32
    %lt3A_166 = vector.broadcast %lt3A_165 : i32 to vector<16xi32>
    %lt3A_167 = arith.cmpi slt, %rem3A_161, %lt3A_166 : vector<16xi32>
    %lt3A_168 = arith.constant 0 : i32
    %lt3A_169 = arith.cmpi slt, %select_n3A_159, %lt3A_168 : i32
    %ne3A_170 = vector.broadcast %lt3A_169 : i1 to vector<16xi1>
    %ne3A_171 = vector.broadcast %ne3A_170 : vector<16xi1> to vector<16xi1>
    %ne3A_172 = arith.xori %lt3A_167, %ne3A_171 : vector<16xi1>
    %and3A_173 = arith.andi %ne3A_172, %ne3A_164 : vector<16xi1>
    %add3A_174 = vector.broadcast %select_n3A_159 : i32 to vector<16xi32>
    %add3A_175 = arith.addi %rem3A_161, %add3A_174 : vector<16xi32>
    %select_n3A_176 = arith.select %and3A_173, %add3A_175, %rem3A_161 : vector<16xi1>, vector<16xi32>
    %add3A_177 = arith.constant 32 : i32
    %add3A_178 = vector.broadcast %add3A_177 : i32 to vector<16xi32>
    %add3A_179 = arith.addi %iota3A, %add3A_178 : vector<16xi32>
    %jit3A_180 = arith.constant 8 : i32
    %eq3A_181 = arith.constant 0 : i32
    %eq3A_182 = arith.cmpi eq, %jit3A_180, %eq3A_181 : i32
    %jit3A_183 = arith.constant 1 : i32
    %select_n3A_184 = arith.select %eq3A_182, %jit3A_183, %jit3A_180 : i32
    %rem3A_185 = vector.broadcast %select_n3A_184 : i32 to vector<16xi32>
    %rem3A_186 = arith.remsi %add3A_179, %rem3A_185 : vector<16xi32>
    %ne3A_187 = arith.constant 0 : i32
    %ne3A_188 = vector.broadcast %ne3A_187 : i32 to vector<16xi32>
    %ne3A_189 = arith.cmpi ne, %rem3A_186, %ne3A_188 : vector<16xi32>
    %lt3A_190 = arith.constant 0 : i32
    %lt3A_191 = vector.broadcast %lt3A_190 : i32 to vector<16xi32>
    %lt3A_192 = arith.cmpi slt, %rem3A_186, %lt3A_191 : vector<16xi32>
    %lt3A_193 = arith.constant 0 : i32
    %lt3A_194 = arith.cmpi slt, %select_n3A_184, %lt3A_193 : i32
    %ne3A_195 = vector.broadcast %lt3A_194 : i1 to vector<16xi1>
    %ne3A_196 = vector.broadcast %ne3A_195 : vector<16xi1> to vector<16xi1>
    %ne3A_197 = arith.xori %lt3A_192, %ne3A_196 : vector<16xi1>
    %and3A_198 = arith.andi %ne3A_197, %ne3A_189 : vector<16xi1>
    %add3A_199 = vector.broadcast %select_n3A_184 : i32 to vector<16xi32>
    %add3A_200 = arith.addi %rem3A_186, %add3A_199 : vector<16xi32>
    %select_n3A_201 = arith.select %and3A_198, %add3A_200, %rem3A_186 : vector<16xi1>, vector<16xi32>
    %add3A_202 = arith.constant 48 : i32
    %add3A_203 = vector.broadcast %add3A_202 : i32 to vector<16xi32>
    %add3A_204 = arith.addi %iota3A, %add3A_203 : vector<16xi32>
    %jit3A_205 = arith.constant 8 : i32
    %eq3A_206 = arith.constant 0 : i32
    %eq3A_207 = arith.cmpi eq, %jit3A_205, %eq3A_206 : i32
    %jit3A_208 = arith.constant 1 : i32
    %select_n3A_209 = arith.select %eq3A_207, %jit3A_208, %jit3A_205 : i32
    %rem3A_210 = vector.broadcast %select_n3A_209 : i32 to vector<16xi32>
    %rem3A_211 = arith.remsi %add3A_204, %rem3A_210 : vector<16xi32>
    %ne3A_212 = arith.constant 0 : i32
    %ne3A_213 = vector.broadcast %ne3A_212 : i32 to vector<16xi32>
    %ne3A_214 = arith.cmpi ne, %rem3A_211, %ne3A_213 : vector<16xi32>
    %lt3A_215 = arith.constant 0 : i32
    %lt3A_216 = vector.broadcast %lt3A_215 : i32 to vector<16xi32>
    %lt3A_217 = arith.cmpi slt, %rem3A_211, %lt3A_216 : vector<16xi32>
    %lt3A_218 = arith.constant 0 : i32
    %lt3A_219 = arith.cmpi slt, %select_n3A_209, %lt3A_218 : i32
    %ne3A_220 = vector.broadcast %lt3A_219 : i1 to vector<16xi1>
    %ne3A_221 = vector.broadcast %ne3A_220 : vector<16xi1> to vector<16xi1>
    %ne3A_222 = arith.xori %lt3A_217, %ne3A_221 : vector<16xi1>
    %and3A_223 = arith.andi %ne3A_222, %ne3A_214 : vector<16xi1>
    %add3A_224 = vector.broadcast %select_n3A_209 : i32 to vector<16xi32>
    %add3A_225 = arith.addi %rem3A_211, %add3A_224 : vector<16xi32>
    %select_n3A_226 = arith.select %and3A_223, %add3A_225, %rem3A_211 : vector<16xi1>, vector<16xi32>
    %dma_start3A = arith.constant 0 : i32
    %dma_start3A_227 = arith.constant 0 : i32
    %dma_start3A_228 = arith.constant 0 : i32
    %dma_start3A_229 = arith.constant 0 : i32
    %dma_start3A_230 = arith.constant 0 : i32
    %dma_start3A_231 = tpu.memref_slice %arg6[%dma_start3A_228, %dma_start3A_229, %dma_start3A_230] : memref<2x128x64xf32, #tpu.memory_space<vmem>> -> memref<1x128x64xf32, #tpu.memory_space<vmem>>
    %dma_start3A_232 = tpu.memref_squeeze %dma_start3A_231 : memref<1x128x64xf32, #tpu.memory_space<vmem>> -> memref<128x64xf32, #tpu.memory_space<vmem>>
    %dma_start3A_233 = arith.constant 0 : i32
    %dma_start3A_234 = tpu.memref_slice %arg5[%dma_start3A, %dma_start3A_227, %dma_start3A_233] : memref<25x8x128xi32, #tpu.memory_space<vmem>> -> memref<1x1x128xi32, #tpu.memory_space<vmem>>
    %dma_start3A_235 = tpu.memref_squeeze %dma_start3A_234 : memref<1x1x128xi32, #tpu.memory_space<vmem>> -> memref<128xi32, #tpu.memory_space<vmem>>
    %dma_start3A_236 = arith.constant 0 : i32
    %dma_start3A_237 = arith.constant 0 : i32
    %dma_start3A_238 = tpu.memref_slice %arg3[%dma_start3A_236, %dma_start3A_237] : memref<1000000x64xf32, #tpu.memory_space<hbm>> -> memref<1000000x64xf32, #tpu.memory_space<hbm>>
    tpu.enqueue_indirect_dma source(%dma_start3A_238 : memref<1000000x64xf32, #tpu.memory_space<hbm>>) target(%dma_start3A_232 : memref<128x64xf32, #tpu.memory_space<vmem>>) offsets(%dma_start3A_235 : memref<128xi32, #tpu.memory_space<vmem>>) semaphore(%arg10 : memref<!tpu.dma_semaphore, #tpu.memory_space<semaphore_mem>>)
    %dma_start3A_239 = arith.constant 0 : i32
    %dma_start3A_240 = arith.constant 1 : i32
    %dma_start3A_241 = arith.constant 1 : i32
    %dma_start3A_242 = arith.constant 0 : i32
    %dma_start3A_243 = arith.constant 0 : i32
    %dma_start3A_244 = tpu.memref_slice %arg6[%dma_start3A_241, %dma_start3A_242, %dma_start3A_243] : memref<2x128x64xf32, #tpu.memory_space<vmem>> -> memref<1x128x64xf32, #tpu.memory_space<vmem>>
    %dma_start3A_245 = tpu.memref_squeeze %dma_start3A_244 : memref<1x128x64xf32, #tpu.memory_space<vmem>> -> memref<128x64xf32, #tpu.memory_space<vmem>>
    %dma_start3A_246 = arith.constant 0 : i32
    %dma_start3A_247 = tpu.memref_slice %arg5[%dma_start3A_239, %dma_start3A_240, %dma_start3A_246] : memref<25x8x128xi32, #tpu.memory_space<vmem>> -> memref<1x1x128xi32, #tpu.memory_space<vmem>>
    %dma_start3A_248 = tpu.memref_squeeze %dma_start3A_247 : memref<1x1x128xi32, #tpu.memory_space<vmem>> -> memref<128xi32, #tpu.memory_space<vmem>>
    %dma_start3A_249 = arith.constant 0 : i32
    %dma_start3A_250 = arith.constant 0 : i32
    %dma_start3A_251 = tpu.memref_slice %arg3[%dma_start3A_249, %dma_start3A_250] : memref<1000000x64xf32, #tpu.memory_space<hbm>> -> memref<1000000x64xf32, #tpu.memory_space<hbm>>
    tpu.enqueue_indirect_dma source(%dma_start3A_251 : memref<1000000x64xf32, #tpu.memory_space<hbm>>) target(%dma_start3A_245 : memref<128x64xf32, #tpu.memory_space<vmem>>) offsets(%dma_start3A_248 : memref<128xi32, #tpu.memory_space<vmem>>) semaphore(%arg10 : memref<!tpu.dma_semaphore, #tpu.memory_space<semaphore_mem>>)
    %dma_start3A_252 = arith.constant 0 : i32
    %dma_start3A_253 = arith.constant 2 : i32
    %dma_start3A_254 = arith.constant 0 : i32
    %dma_start3A_255 = arith.constant 0 : i32
    %dma_start3A_256 = arith.constant 0 : i32
    %dma_start3A_257 = tpu.memref_slice %arg7[%dma_start3A_254, %dma_start3A_255, %dma_start3A_256] : memref<2x128x64xf32, #tpu.memory_space<vmem>> -> memref<1x128x64xf32, #tpu.memory_space<vmem>>
    %dma_start3A_258 = tpu.memref_squeeze %dma_start3A_257 : memref<1x128x64xf32, #tpu.memory_space<vmem>> -> memref<128x64xf32, #tpu.memory_space<vmem>>
    %dma_start3A_259 = arith.constant 0 : i32
    %dma_start3A_260 = tpu.memref_slice %arg5[%dma_start3A_252, %dma_start3A_253, %dma_start3A_259] : memref<25x8x128xi32, #tpu.memory_space<vmem>> -> memref<1x1x128xi32, #tpu.memory_space<vmem>>
    %dma_start3A_261 = tpu.memref_squeeze %dma_start3A_260 : memref<1x1x128xi32, #tpu.memory_space<vmem>> -> memref<128xi32, #tpu.memory_space<vmem>>
    %dma_start3A_262 = arith.constant 0 : i32
    %dma_start3A_263 = arith.constant 0 : i32
    %dma_start3A_264 = tpu.memref_slice %arg3[%dma_start3A_262, %dma_start3A_263] : memref<1000000x64xf32, #tpu.memory_space<hbm>> -> memref<1000000x64xf32, #tpu.memory_space<hbm>>
    tpu.enqueue_indirect_dma source(%dma_start3A_264 : memref<1000000x64xf32, #tpu.memory_space<hbm>>) target(%dma_start3A_258 : memref<128x64xf32, #tpu.memory_space<vmem>>) offsets(%dma_start3A_261 : memref<128xi32, #tpu.memory_space<vmem>>) semaphore(%arg11 : memref<!tpu.dma_semaphore, #tpu.memory_space<semaphore_mem>>)
    %dma_start3A_265 = arith.constant 0 : i32
    %dma_start3A_266 = arith.constant 3 : i32
    %dma_start3A_267 = arith.constant 1 : i32
    %dma_start3A_268 = arith.constant 0 : i32
    %dma_start3A_269 = arith.constant 0 : i32
    %dma_start3A_270 = tpu.memref_slice %arg7[%dma_start3A_267, %dma_start3A_268, %dma_start3A_269] : memref<2x128x64xf32, #tpu.memory_space<vmem>> -> memref<1x128x64xf32, #tpu.memory_space<vmem>>
    %dma_start3A_271 = tpu.memref_squeeze %dma_start3A_270 : memref<1x128x64xf32, #tpu.memory_space<vmem>> -> memref<128x64xf32, #tpu.memory_space<vmem>>
    %dma_start3A_272 = arith.constant 0 : i32
    %dma_start3A_273 = tpu.memref_slice %arg5[%dma_start3A_265, %dma_start3A_266, %dma_start3A_272] : memref<25x8x128xi32, #tpu.memory_space<vmem>> -> memref<1x1x128xi32, #tpu.memory_space<vmem>>
    %dma_start3A_274 = tpu.memref_squeeze %dma_start3A_273 : memref<1x1x128xi32, #tpu.memory_space<vmem>> -> memref<128xi32, #tpu.memory_space<vmem>>
    %dma_start3A_275 = arith.constant 0 : i32
    %dma_start3A_276 = arith.constant 0 : i32
    %dma_start3A_277 = tpu.memref_slice %arg3[%dma_start3A_275, %dma_start3A_276] : memref<1000000x64xf32, #tpu.memory_space<hbm>> -> memref<1000000x64xf32, #tpu.memory_space<hbm>>
    tpu.enqueue_indirect_dma source(%dma_start3A_277 : memref<1000000x64xf32, #tpu.memory_space<hbm>>) target(%dma_start3A_271 : memref<128x64xf32, #tpu.memory_space<vmem>>) offsets(%dma_start3A_274 : memref<128xi32, #tpu.memory_space<vmem>>) semaphore(%arg11 : memref<!tpu.dma_semaphore, #tpu.memory_space<semaphore_mem>>)
    %dma_wait3A = arith.constant 0 : i32
    %dma_wait3A_278 = arith.constant 0 : i32
    %dma_wait3A_279 = arith.constant 0 : i32
    %dma_wait3A_280 = arith.constant 0 : i32
    %dma_wait3A_281 = arith.constant 0 : i32
    %dma_wait3A_282 = tpu.memref_slice %arg6[%dma_wait3A_279, %dma_wait3A_280, %dma_wait3A_281] : memref<2x128x64xf32, #tpu.memory_space<vmem>> -> memref<1x128x64xf32, #tpu.memory_space<vmem>>
    %dma_wait3A_283 = tpu.memref_squeeze %dma_wait3A_282 : memref<1x128x64xf32, #tpu.memory_space<vmem>> -> memref<128x64xf32, #tpu.memory_space<vmem>>
    %dma_wait3A_284 = arith.constant 0 : i32
    %dma_wait3A_285 = tpu.memref_slice %arg5[%dma_wait3A, %dma_wait3A_278, %dma_wait3A_284] : memref<25x8x128xi32, #tpu.memory_space<vmem>> -> memref<1x1x128xi32, #tpu.memory_space<vmem>>
    %dma_wait3A_286 = tpu.memref_squeeze %dma_wait3A_285 : memref<1x1x128xi32, #tpu.memory_space<vmem>> -> memref<128xi32, #tpu.memory_space<vmem>>
    %dma_wait3A_287 = arith.constant 0 : i32
    %dma_wait3A_288 = arith.constant 0 : i32
    %dma_wait3A_289 = tpu.memref_slice %arg3[%dma_wait3A_287, %dma_wait3A_288] : memref<1000000x64xf32, #tpu.memory_space<hbm>> -> memref<1000000x64xf32, #tpu.memory_space<hbm>>
    tpu.wait_indirect_dma semaphore(%arg10 : memref<!tpu.dma_semaphore, #tpu.memory_space<semaphore_mem>>) src(%dma_wait3A_289 : memref<1000000x64xf32, #tpu.memory_space<hbm>>) dst(%dma_wait3A_283 : memref<128x64xf32, #tpu.memory_space<vmem>>)
    %dma_wait3A_290 = arith.constant 0 : i32
    %dma_wait3A_291 = arith.constant 0 : i32
    %dma_wait3A_292 = arith.constant 1 : i32
    %dma_wait3A_293 = arith.constant 0 : i32
    %dma_wait3A_294 = arith.constant 0 : i32
    %dma_wait3A_295 = tpu.memref_slice %arg6[%dma_wait3A_292, %dma_wait3A_293, %dma_wait3A_294] : memref<2x128x64xf32, #tpu.memory_space<vmem>> -> memref<1x128x64xf32, #tpu.memory_space<vmem>>
    %dma_wait3A_296 = tpu.memref_squeeze %dma_wait3A_295 : memref<1x128x64xf32, #tpu.memory_space<vmem>> -> memref<128x64xf32, #tpu.memory_space<vmem>>
    %dma_wait3A_297 = arith.constant 0 : i32
    %dma_wait3A_298 = tpu.memref_slice %arg5[%dma_wait3A_290, %dma_wait3A_291, %dma_wait3A_297] : memref<25x8x128xi32, #tpu.memory_space<vmem>> -> memref<1x1x128xi32, #tpu.memory_space<vmem>>
    %dma_wait3A_299 = tpu.memref_squeeze %dma_wait3A_298 : memref<1x1x128xi32, #tpu.memory_space<vmem>> -> memref<128xi32, #tpu.memory_space<vmem>>
    %dma_wait3A_300 = arith.constant 0 : i32
    %dma_wait3A_301 = arith.constant 0 : i32
    %dma_wait3A_302 = tpu.memref_slice %arg3[%dma_wait3A_300, %dma_wait3A_301] : memref<1000000x64xf32, #tpu.memory_space<hbm>> -> memref<1000000x64xf32, #tpu.memory_space<hbm>>
    tpu.wait_indirect_dma semaphore(%arg10 : memref<!tpu.dma_semaphore, #tpu.memory_space<semaphore_mem>>) src(%dma_wait3A_302 : memref<1000000x64xf32, #tpu.memory_space<hbm>>) dst(%dma_wait3A_296 : memref<128x64xf32, #tpu.memory_space<vmem>>)
    %scan3A = arith.constant 0 : i32
    %scan3A_303 = arith.constant 128 : i32
    %scan3A_304 = arith.addi %scan3A, %scan3A_303 : i32
    %scan3A_305 = arith.constant 2 : i32
    scf.for %scan3A_637 = %scan3A to %scan3A_304 step %scan3A_305  : i32 {
      %mul3A_638 = arith.constant 1 : i32
      %mul3A_639 = arith.muli %scan3A_637, %mul3A_638 : i32
      %add3A_640 = arith.constant 0 : i32
      %add3A_641 = arith.addi %add3A_640, %mul3A_639 : i32
      %broadcast_in_dim3A = vector.broadcast %add3A_641 : i32 to vector<16xi32>
      %broadcast_in_dim3A_642 = arith.constant 0 : i32
      %broadcast_in_dim3A_643 = vector.broadcast %broadcast_in_dim3A_642 : i32 to vector<16xi32>
      %get3A = arith.constant 0 : i32
      %get3A_644 = arith.index_cast %get3A : i32 to index
      %get3A_645 = arith.index_cast %add3A_641 : i32 to index
      %get3A_646 = arith.constant 0 : index
      %get3A_647 = tpu.vector_load %arg6[%get3A_644, %get3A_645, %get3A_646] {strides = array<i32>} : memref<2x128x64xf32, #tpu.memory_space<vmem>>, vector<16xf32>,
      %mul3A_648 = arith.constant 8.000000e+00 : f32
      %mul3A_649 = vector.broadcast %mul3A_648 : f32 to vector<16xf32>
      %mul3A_650 = arith.mulf %get3A_647, %mul3A_649 : vector<16xf32>
      %get3A_651 = arith.constant 0 : i32
      %get3A_652 = arith.index_cast %get3A_651 : i32 to index
      %get3A_653 = arith.index_cast %add3A_641 : i32 to index
      %get3A_654 = arith.constant 16 : index
      %get3A_655 = tpu.vector_load %arg6[%get3A_652, %get3A_653, %get3A_654] {strides = array<i32>} : memref<2x128x64xf32, #tpu.memory_space<vmem>>, vector<16xf32>,
      %mul3A_656 = arith.constant 8.000000e+00 : f32
      %mul3A_657 = vector.broadcast %mul3A_656 : f32 to vector<16xf32>
      %mul3A_658 = arith.mulf %get3A_655, %mul3A_657 : vector<16xf32>
      %get3A_659 = arith.constant 0 : i32
      %get3A_660 = arith.index_cast %get3A_659 : i32 to index
      %get3A_661 = arith.index_cast %add3A_641 : i32 to index
      %get3A_662 = arith.constant 32 : index
      %get3A_663 = tpu.vector_load %arg6[%get3A_660, %get3A_661, %get3A_662] {strides = array<i32>} : memref<2x128x64xf32, #tpu.memory_space<vmem>>, vector<16xf32>,
      %mul3A_664 = arith.constant 8.000000e+00 : f32
      %mul3A_665 = vector.broadcast %mul3A_664 : f32 to vector<16xf32>
      %mul3A_666 = arith.mulf %get3A_663, %mul3A_665 : vector<16xf32>
      %get3A_667 = arith.constant 0 : i32
      %get3A_668 = arith.index_cast %get3A_667 : i32 to index
      %get3A_669 = arith.index_cast %add3A_641 : i32 to index
      %get3A_670 = arith.constant 48 : index
      %get3A_671 = tpu.vector_load %arg6[%get3A_668, %get3A_669, %get3A_670] {strides = array<i32>} : memref<2x128x64xf32, #tpu.memory_space<vmem>>, vector<16xf32>,
      %mul3A_672 = arith.constant 8.000000e+00 : f32
      %mul3A_673 = vector.broadcast %mul3A_672 : f32 to vector<16xf32>
      %mul3A_674 = arith.mulf %get3A_671, %mul3A_673 : vector<16xf32>
      tpu.vector_store_idx %arg8[%broadcast_in_dim3A_643, %select_n3A, %select_n3A_151, %broadcast_in_dim3A], %mul3A_650 : memref<2x8x8x129xf32, #tpu.memory_space<vmem>>[vector<16xi32>, vector<16xi32>, vector<16xi32>, vector<16xi32>], vector<16xf32>,
      tpu.vector_store_idx %arg8[%broadcast_in_dim3A_643, %select_n3A_60, %select_n3A_176, %broadcast_in_dim3A], %mul3A_658 : memref<2x8x8x129xf32, #tpu.memory_space<vmem>>[vector<16xi32>, vector<16xi32>, vector<16xi32>, vector<16xi32>], vector<16xf32>,
      tpu.vector_store_idx %arg8[%broadcast_in_dim3A_643, %select_n3A_94, %select_n3A_201, %broadcast_in_dim3A], %mul3A_666 : memref<2x8x8x129xf32, #tpu.memory_space<vmem>>[vector<16xi32>, vector<16xi32>, vector<16xi32>, vector<16xi32>], vector<16xf32>,
      tpu.vector_store_idx %arg8[%broadcast_in_dim3A_643, %select_n3A_128, %select_n3A_226, %broadcast_in_dim3A], %mul3A_674 : memref<2x8x8x129xf32, #tpu.memory_space<vmem>>[vector<16xi32>, vector<16xi32>, vector<16xi32>, vector<16xi32>], vector<16xf32>,
      %broadcast_in_dim3A_675 = arith.constant 1 : i32
      %broadcast_in_dim3A_676 = vector.broadcast %broadcast_in_dim3A_675 : i32 to vector<16xi32>
      %get3A_677 = arith.constant 1 : i32
      %get3A_678 = arith.index_cast %get3A_677 : i32 to index
      %get3A_679 = arith.index_cast %add3A_641 : i32 to index
      %get3A_680 = arith.constant 0 : index
      %get3A_681 = tpu.vector_load %arg6[%get3A_678, %get3A_679, %get3A_680] {strides = array<i32>} : memref<2x128x64xf32, #tpu.memory_space<vmem>>, vector<16xf32>,
      %mul3A_682 = arith.constant 8.000000e+00 : f32
      %mul3A_683 = vector.broadcast %mul3A_682 : f32 to vector<16xf32>
      %mul3A_684 = arith.mulf %get3A_681, %mul3A_683 : vector<16xf32>
      %get3A_685 = arith.constant 1 : i32
      %get3A_686 = arith.index_cast %get3A_685 : i32 to index
      %get3A_687 = arith.index_cast %add3A_641 : i32 to index
      %get3A_688 = arith.constant 16 : index
      %get3A_689 = tpu.vector_load %arg6[%get3A_686, %get3A_687, %get3A_688] {strides = array<i32>} : memref<2x128x64xf32, #tpu.memory_space<vmem>>, vector<16xf32>,
      %mul3A_690 = arith.constant 8.000000e+00 : f32
      %mul3A_691 = vector.broadcast %mul3A_690 : f32 to vector<16xf32>
      %mul3A_692 = arith.mulf %get3A_689, %mul3A_691 : vector<16xf32>
      %get3A_693 = arith.constant 1 : i32
      %get3A_694 = arith.index_cast %get3A_693 : i32 to index
      %get3A_695 = arith.index_cast %add3A_641 : i32 to index
      %get3A_696 = arith.constant 32 : index
      %get3A_697 = tpu.vector_load %arg6[%get3A_694, %get3A_695, %get3A_696] {strides = array<i32>} : memref<2x128x64xf32, #tpu.memory_space<vmem>>, vector<16xf32>,
      %mul3A_698 = arith.constant 8.000000e+00 : f32
      %mul3A_699 = vector.broadcast %mul3A_698 : f32 to vector<16xf32>
      %mul3A_700 = arith.mulf %get3A_697, %mul3A_699 : vector<16xf32>
      %get3A_701 = arith.constant 1 : i32
      %get3A_702 = arith.index_cast %get3A_701 : i32 to index
      %get3A_703 = arith.index_cast %add3A_641 : i32 to index
      %get3A_704 = arith.constant 48 : index
      %get3A_705 = tpu.vector_load %arg6[%get3A_702, %get3A_703, %get3A_704] {strides = array<i32>} : memref<2x128x64xf32, #tpu.memory_space<vmem>>, vector<16xf32>,
      %mul3A_706 = arith.constant 8.000000e+00 : f32
      %mul3A_707 = vector.broadcast %mul3A_706 : f32 to vector<16xf32>
      %mul3A_708 = arith.mulf %get3A_705, %mul3A_707 : vector<16xf32>
      tpu.vector_store_idx %arg8[%broadcast_in_dim3A_676, %select_n3A, %select_n3A_151, %broadcast_in_dim3A], %mul3A_684 : memref<2x8x8x129xf32, #tpu.memory_space<vmem>>[vector<16xi32>, vector<16xi32>, vector<16xi32>, vector<16xi32>], vector<16xf32>,
      tpu.vector_store_idx %arg8[%broadcast_in_dim3A_676, %select_n3A_60, %select_n3A_176, %broadcast_in_dim3A], %mul3A_692 : memref<2x8x8x129xf32, #tpu.memory_space<vmem>>[vector<16xi32>, vector<16xi32>, vector<16xi32>, vector<16xi32>], vector<16xf32>,
      tpu.vector_store_idx %arg8[%broadcast_in_dim3A_676, %select_n3A_94, %select_n3A_201, %broadcast_in_dim3A], %mul3A_700 : memref<2x8x8x129xf32, #tpu.memory_space<vmem>>[vector<16xi32>, vector<16xi32>, vector<16xi32>, vector<16xi32>], vector<16xf32>,
      tpu.vector_store_idx %arg8[%broadcast_in_dim3A_676, %select_n3A_128, %select_n3A_226, %broadcast_in_dim3A], %mul3A_708 : memref<2x8x8x129xf32, #tpu.memory_space<vmem>>[vector<16xi32>, vector<16xi32>, vector<16xi32>, vector<16xi32>], vector<16xf32>,
      %scan3A_709 = arith.constant 1 : i32
      %scan3A_710 = arith.addi %scan3A_637, %scan3A_709 : i32
      %mul3A_711 = arith.constant 1 : i32
      %mul3A_712 = arith.muli %scan3A_710, %mul3A_711 : i32
      %add3A_713 = arith.constant 0 : i32
      %add3A_714 = arith.addi %add3A_713, %mul3A_712 : i32
      %broadcast_in_dim3A_715 = vector.broadcast %add3A_714 : i32 to vector<16xi32>
      %broadcast_in_dim3A_716 = arith.constant 0 : i32
      %broadcast_in_dim3A_717 = vector.broadcast %broadcast_in_dim3A_716 : i32 to vector<16xi32>
      %get3A_718 = arith.constant 0 : i32
      %get3A_719 = arith.index_cast %get3A_718 : i32 to index
      %get3A_720 = arith.index_cast %add3A_714 : i32 to index
      %get3A_721 = arith.constant 0 : index
      %get3A_722 = tpu.vector_load %arg6[%get3A_719, %get3A_720, %get3A_721] {strides = array<i32>} : memref<2x128x64xf32, #tpu.memory_space<vmem>>, vector<16xf32>,
      %mul3A_723 = arith.constant 8.000000e+00 : f32
      %mul3A_724 = vector.broadcast %mul3A_723 : f32 to vector<16xf32>
      %mul3A_725 = arith.mulf %get3A_722, %mul3A_724 : vector<16xf32>
      %get3A_726 = arith.constant 0 : i32
      %get3A_727 = arith.index_cast %get3A_726 : i32 to index
      %get3A_728 = arith.index_cast %add3A_714 : i32 to index
      %get3A_729 = arith.constant 16 : index
      %get3A_730 = tpu.vector_load %arg6[%get3A_727, %get3A_728, %get3A_729] {strides = array<i32>} : memref<2x128x64xf32, #tpu.memory_space<vmem>>, vector<16xf32>,
      %mul3A_731 = arith.constant 8.000000e+00 : f32
      %mul3A_732 = vector.broadcast %mul3A_731 : f32 to vector<16xf32>
      %mul3A_733 = arith.mulf %get3A_730, %mul3A_732 : vector<16xf32>
      %get3A_734 = arith.constant 0 : i32
      %get3A_735 = arith.index_cast %get3A_734 : i32 to index
      %get3A_736 = arith.index_cast %add3A_714 : i32 to index
      %get3A_737 = arith.constant 32 : index
      %get3A_738 = tpu.vector_load %arg6[%get3A_735, %get3A_736, %get3A_737] {strides = array<i32>} : memref<2x128x64xf32, #tpu.memory_space<vmem>>, vector<16xf32>,
      %mul3A_739 = arith.constant 8.000000e+00 : f32
      %mul3A_740 = vector.broadcast %mul3A_739 : f32 to vector<16xf32>
      %mul3A_741 = arith.mulf %get3A_738, %mul3A_740 : vector<16xf32>
      %get3A_742 = arith.constant 0 : i32
      %get3A_743 = arith.index_cast %get3A_742 : i32 to index
      %get3A_744 = arith.index_cast %add3A_714 : i32 to index
      %get3A_745 = arith.constant 48 : index
      %get3A_746 = tpu.vector_load %arg6[%get3A_743, %get3A_744, %get3A_745] {strides = array<i32>} : memref<2x128x64xf32, #tpu.memory_space<vmem>>, vector<16xf32>,
      %mul3A_747 = arith.constant 8.000000e+00 : f32
      %mul3A_748 = vector.broadcast %mul3A_747 : f32 to vector<16xf32>
      %mul3A_749 = arith.mulf %get3A_746, %mul3A_748 : vector<16xf32>
      tpu.vector_store_idx %arg8[%broadcast_in_dim3A_717, %select_n3A, %select_n3A_151, %broadcast_in_dim3A_715], %mul3A_725 : memref<2x8x8x129xf32, #tpu.memory_space<vmem>>[vector<16xi32>, vector<16xi32>, vector<16xi32>, vector<16xi32>], vector<16xf32>,
      tpu.vector_store_idx %arg8[%broadcast_in_dim3A_717, %select_n3A_60, %select_n3A_176, %broadcast_in_dim3A_715], %mul3A_733 : memref<2x8x8x129xf32, #tpu.memory_space<vmem>>[vector<16xi32>, vector<16xi32>, vector<16xi32>, vector<16xi32>], vector<16xf32>,
      tpu.vector_store_idx %arg8[%broadcast_in_dim3A_717, %select_n3A_94, %select_n3A_201, %broadcast_in_dim3A_715], %mul3A_741 : memref<2x8x8x129xf32, #tpu.memory_space<vmem>>[vector<16xi32>, vector<16xi32>, vector<16xi32>, vector<16xi32>], vector<16xf32>,
      tpu.vector_store_idx %arg8[%broadcast_in_dim3A_717, %select_n3A_128, %select_n3A_226, %broadcast_in_dim3A_715], %mul3A_749 : memref<2x8x8x129xf32, #tpu.memory_space<vmem>>[vector<16xi32>, vector<16xi32>, vector<16xi32>, vector<16xi32>], vector<16xf32>,
      %broadcast_in_dim3A_750 = arith.constant 1 : i32
      %broadcast_in_dim3A_751 = vector.broadcast %broadcast_in_dim3A_750 : i32 to vector<16xi32>
      %get3A_752 = arith.constant 1 : i32
      %get3A_753 = arith.index_cast %get3A_752 : i32 to index
      %get3A_754 = arith.index_cast %add3A_714 : i32 to index
      %get3A_755 = arith.constant 0 : index
      %get3A_756 = tpu.vector_load %arg6[%get3A_753, %get3A_754, %get3A_755] {strides = array<i32>} : memref<2x128x64xf32, #tpu.memory_space<vmem>>, vector<16xf32>,
      %mul3A_757 = arith.constant 8.000000e+00 : f32
      %mul3A_758 = vector.broadcast %mul3A_757 : f32 to vector<16xf32>
      %mul3A_759 = arith.mulf %get3A_756, %mul3A_758 : vector<16xf32>
      %get3A_760 = arith.constant 1 : i32
      %get3A_761 = arith.index_cast %get3A_760 : i32 to index
      %get3A_762 = arith.index_cast %add3A_714 : i32 to index
      %get3A_763 = arith.constant 16 : index
      %get3A_764 = tpu.vector_load %arg6[%get3A_761, %get3A_762, %get3A_763] {strides = array<i32>} : memref<2x128x64xf32, #tpu.memory_space<vmem>>, vector<16xf32>,
      %mul3A_765 = arith.constant 8.000000e+00 : f32
      %mul3A_766 = vector.broadcast %mul3A_765 : f32 to vector<16xf32>
      %mul3A_767 = arith.mulf %get3A_764, %mul3A_766 : vector<16xf32>
      %get3A_768 = arith.constant 1 : i32
      %get3A_769 = arith.index_cast %get3A_768 : i32 to index
      %get3A_770 = arith.index_cast %add3A_714 : i32 to index
      %get3A_771 = arith.constant 32 : index
      %get3A_772 = tpu.vector_load %arg6[%get3A_769, %get3A_770, %get3A_771] {strides = array<i32>} : memref<2x128x64xf32, #tpu.memory_space<vmem>>, vector<16xf32>,
      %mul3A_773 = arith.constant 8.000000e+00 : f32
      %mul3A_774 = vector.broadcast %mul3A_773 : f32 to vector<16xf32>
      %mul3A_775 = arith.mulf %get3A_772, %mul3A_774 : vector<16xf32>
      %get3A_776 = arith.constant 1 : i32
      %get3A_777 = arith.index_cast %get3A_776 : i32 to index
      %get3A_778 = arith.index_cast %add3A_714 : i32 to index
      %get3A_779 = arith.constant 48 : index
      %get3A_780 = tpu.vector_load %arg6[%get3A_777, %get3A_778, %get3A_779] {strides = array<i32>} : memref<2x128x64xf32, #tpu.memory_space<vmem>>, vector<16xf32>,
      %mul3A_781 = arith.constant 8.000000e+00 : f32
      %mul3A_782 = vector.broadcast %mul3A_781 : f32 to vector<16xf32>
      %mul3A_783 = arith.mulf %get3A_780, %mul3A_782 : vector<16xf32>
      tpu.vector_store_idx %arg8[%broadcast_in_dim3A_751, %select_n3A, %select_n3A_151, %broadcast_in_dim3A_715], %mul3A_759 : memref<2x8x8x129xf32, #tpu.memory_space<vmem>>[vector<16xi32>, vector<16xi32>, vector<16xi32>, vector<16xi32>], vector<16xf32>,
      tpu.vector_store_idx %arg8[%broadcast_in_dim3A_751, %select_n3A_60, %select_n3A_176, %broadcast_in_dim3A_715], %mul3A_767 : memref<2x8x8x129xf32, #tpu.memory_space<vmem>>[vector<16xi32>, vector<16xi32>, vector<16xi32>, vector<16xi32>], vector<16xf32>,
      tpu.vector_store_idx %arg8[%broadcast_in_dim3A_751, %select_n3A_94, %select_n3A_201, %broadcast_in_dim3A_715], %mul3A_775 : memref<2x8x8x129xf32, #tpu.memory_space<vmem>>[vector<16xi32>, vector<16xi32>, vector<16xi32>, vector<16xi32>], vector<16xf32>,
      tpu.vector_store_idx %arg8[%broadcast_in_dim3A_751, %select_n3A_128, %select_n3A_226, %broadcast_in_dim3A_715], %mul3A_783 : memref<2x8x8x129xf32, #tpu.memory_space<vmem>>[vector<16xi32>, vector<16xi32>, vector<16xi32>, vector<16xi32>], vector<16xf32>,
    }
    %scan3A_306 = arith.constant 128 : i32
    %dma_start3A_307 = arith.constant 0 : i32
    %dma_start3A_308 = arith.constant 0 : i32
    %dma_start3A_309 = arith.constant 0 : i32
    %dma_start3A_310 = arith.constant 0 : i32
    %dma_start3A_311 = tpu.memref_slice %arg8[%dma_start3A_307, %dma_start3A_308, %dma_start3A_309, %dma_start3A_310] : memref<2x8x8x129xf32, #tpu.memory_space<vmem>> -> memref<2x8x8x128xf32, #tpu.memory_space<vmem>>
    %dma_start3A_312 = arith.constant 0 : i32
    %dma_start3A_313 = arith.constant 0 : i32
    %dma_start3A_314 = arith.constant 0 : i32
    %dma_start3A_315 = arith.constant 0 : i32
    %dma_start3A_316 = tpu.memref_slice %arg4[%dma_start3A_312, %dma_start3A_313, %add3A, %dma_start3A_314, %dma_start3A_315] : memref<200x8x32x8x128xf32, #tpu.memory_space<hbm>> -> memref<2x8x1x8x128xf32, #tpu.memory_space<hbm>>
    %dma_start3A_317 = tpu.memref_squeeze %dma_start3A_316 : memref<2x8x1x8x128xf32, #tpu.memory_space<hbm>> -> memref<2x8x8x128xf32, #tpu.memory_space<hbm>>
    %dma_start3A_318 = arith.constant 0 : i32
    %dma_start3A_319 = arith.constant 0 : i32
    %dma_start3A_320 = arith.constant 0 : i32
    %dma_start3A_321 = arith.constant 0 : i32
    %dma_start3A_322 = tpu.memref_slice %arg4[%dma_start3A_318, %dma_start3A_319, %add3A, %dma_start3A_320, %dma_start3A_321] : memref<200x8x32x8x128xf32, #tpu.memory_space<hbm>> -> memref<2x8x1x8x128xf32, #tpu.memory_space<hbm>>
    %dma_start3A_323 = tpu.memref_squeeze %dma_start3A_322 : memref<2x8x1x8x128xf32, #tpu.memory_space<hbm>> -> memref<2x8x8x128xf32, #tpu.memory_space<hbm>>
    %dma_start3A_324 = arith.constant 0 : i32
    %dma_start3A_325 = arith.constant 0 : i32
    %dma_start3A_326 = arith.constant 0 : i32
    %dma_start3A_327 = arith.constant 0 : i32
    %dma_start3A_328 = tpu.memref_slice %arg8[%dma_start3A_324, %dma_start3A_325, %dma_start3A_326, %dma_start3A_327] : memref<2x8x8x129xf32, #tpu.memory_space<vmem>> -> memref<2x8x8x128xf32, #tpu.memory_space<vmem>>
    tpu.enqueue_dma source(%dma_start3A_328 : memref<2x8x8x128xf32, #tpu.memory_space<vmem>>) target(%dma_start3A_323 : memref<2x8x8x128xf32, #tpu.memory_space<hbm>>) target_semaphore(%arg12 : memref<!tpu.dma_semaphore, #tpu.memory_space<semaphore_mem>>)
    %dma_wait3A_329 = arith.constant 0 : i32
    %dma_wait3A_330 = arith.constant 0 : i32
    %dma_wait3A_331 = arith.constant 0 : i32
    %dma_wait3A_332 = arith.constant 0 : i32
    %dma_wait3A_333 = arith.constant 0 : i32
    %dma_wait3A_334 = tpu.memref_slice %arg8[%dma_wait3A_330, %dma_wait3A_331, %dma_wait3A_332, %dma_wait3A_333] : memref<2x8x8x129xf32, #tpu.memory_space<vmem>> -> memref<2x8x8x128xf32, #tpu.memory_space<vmem>>
    %dma_wait3A_335 = arith.constant 0 : i32
    %dma_wait3A_336 = arith.constant 0 : i32
    %dma_wait3A_337 = arith.constant 0 : i32
    %dma_wait3A_338 = arith.constant 0 : i32
    %dma_wait3A_339 = tpu.memref_slice %arg4[%dma_wait3A_335, %dma_wait3A_336, %dma_wait3A_329, %dma_wait3A_337, %dma_wait3A_338] : memref<200x8x32x8x128xf32, #tpu.memory_space<hbm>> -> memref<2x8x1x8x128xf32, #tpu.memory_space<hbm>>
    %dma_wait3A_340 = tpu.memref_squeeze %dma_wait3A_339 : memref<2x8x1x8x128xf32, #tpu.memory_space<hbm>> -> memref<2x8x8x128xf32, #tpu.memory_space<hbm>>
    %dma_wait3A_341 = arith.constant 0 : i32
    %dma_wait3A_342 = arith.constant 0 : i32
    %dma_wait3A_343 = arith.constant 0 : i32
    %dma_wait3A_344 = arith.constant 0 : i32
    %dma_wait3A_345 = tpu.memref_slice %arg4[%dma_wait3A_341, %dma_wait3A_342, %dma_wait3A_329, %dma_wait3A_343, %dma_wait3A_344] : memref<200x8x32x8x128xf32, #tpu.memory_space<hbm>> -> memref<2x8x1x8x128xf32, #tpu.memory_space<hbm>>
    %dma_wait3A_346 = tpu.memref_squeeze %dma_wait3A_345 : memref<2x8x1x8x128xf32, #tpu.memory_space<hbm>> -> memref<2x8x8x128xf32, #tpu.memory_space<hbm>>
    %dma_wait3A_347 = arith.constant 0 : i32
    %dma_wait3A_348 = arith.constant 0 : i32
    %dma_wait3A_349 = arith.constant 0 : i32
    %dma_wait3A_350 = arith.constant 0 : i32
    %dma_wait3A_351 = tpu.memref_slice %arg8[%dma_wait3A_347, %dma_wait3A_348, %dma_wait3A_349, %dma_wait3A_350] : memref<2x8x8x129xf32, #tpu.memory_space<vmem>> -> memref<2x8x8x128xf32, #tpu.memory_space<vmem>>
    tpu.wait_dma2 semaphore(%arg12 : memref<!tpu.dma_semaphore, #tpu.memory_space<semaphore_mem>>) src(%dma_wait3A_351 : memref<2x8x8x128xf32, #tpu.memory_space<vmem>>) dst(%dma_wait3A_346 : memref<2x8x8x128xf32, #tpu.memory_space<hbm>>)
    %dma_start3A_352 = arith.constant 0 : i32
    %dma_start3A_353 = arith.constant 4 : i32
    %dma_start3A_354 = arith.constant 0 : i32
    %dma_start3A_355 = arith.constant 0 : i32
    %dma_start3A_356 = arith.constant 0 : i32
    %dma_start3A_357 = tpu.memref_slice %arg6[%dma_start3A_354, %dma_start3A_355, %dma_start3A_356] : memref<2x128x64xf32, #tpu.memory_space<vmem>> -> memref<1x128x64xf32, #tpu.memory_space<vmem>>
    %dma_start3A_358 = tpu.memref_squeeze %dma_start3A_357 : memref<1x128x64xf32, #tpu.memory_space<vmem>> -> memref<128x64xf32, #tpu.memory_space<vmem>>
    %dma_start3A_359 = arith.constant 0 : i32
    %dma_start3A_360 = tpu.memref_slice %arg5[%dma_start3A_352, %dma_start3A_353, %dma_start3A_359] : memref<25x8x128xi32, #tpu.memory_space<vmem>> -> memref<1x1x128xi32, #tpu.memory_space<vmem>>
    %dma_start3A_361 = tpu.memref_squeeze %dma_start3A_360 : memref<1x1x128xi32, #tpu.memory_space<vmem>> -> memref<128xi32, #tpu.memory_space<vmem>>
    %dma_start3A_362 = arith.constant 0 : i32
    %dma_start3A_363 = arith.constant 0 : i32
    %dma_start3A_364 = tpu.memref_slice %arg3[%dma_start3A_362, %dma_start3A_363] : memref<1000000x64xf32, #tpu.memory_space<hbm>> -> memref<1000000x64xf32, #tpu.memory_space<hbm>>
    tpu.enqueue_indirect_dma source(%dma_start3A_364 : memref<1000000x64xf32, #tpu.memory_space<hbm>>) target(%dma_start3A_358 : memref<128x64xf32, #tpu.memory_space<vmem>>) offsets(%dma_start3A_361 : memref<128xi32, #tpu.memory_space<vmem>>) semaphore(%arg10 : memref<!tpu.dma_semaphore, #tpu.memory_space<semaphore_mem>>)
    %dma_start3A_365 = arith.constant 0 : i32
    %dma_start3A_366 = arith.constant 5 : i32
    %dma_start3A_367 = arith.constant 1 : i32
    %dma_start3A_368 = arith.constant 0 : i32
    %dma_start3A_369 = arith.constant 0 : i32
    %dma_start3A_370 = tpu.memref_slice %arg6[%dma_start3A_367, %dma_start3A_368, %dma_start3A_369] : memref<2x128x64xf32, #tpu.memory_space<vmem>> -> memref<1x128x64xf32, #tpu.memory_space<vmem>>
    %dma_start3A_371 = tpu.memref_squeeze %dma_start3A_370 : memref<1x128x64xf32, #tpu.memory_space<vmem>> -> memref<128x64xf32, #tpu.memory_space<vmem>>
    %dma_start3A_372 = arith.constant 0 : i32
    %dma_start3A_373 = tpu.memref_slice %arg5[%dma_start3A_365, %dma_start3A_366, %dma_start3A_372] : memref<25x8x128xi32, #tpu.memory_space<vmem>> -> memref<1x1x128xi32, #tpu.memory_space<vmem>>
    %dma_start3A_374 = tpu.memref_squeeze %dma_start3A_373 : memref<1x1x128xi32, #tpu.memory_space<vmem>> -> memref<128xi32, #tpu.memory_space<vmem>>
    %dma_start3A_375 = arith.constant 0 : i32
    %dma_start3A_376 = arith.constant 0 : i32
    %dma_start3A_377 = tpu.memref_slice %arg3[%dma_start3A_375, %dma_start3A_376] : memref<1000000x64xf32, #tpu.memory_space<hbm>> -> memref<1000000x64xf32, #tpu.memory_space<hbm>>
    tpu.enqueue_indirect_dma source(%dma_start3A_377 : memref<1000000x64xf32, #tpu.memory_space<hbm>>) target(%dma_start3A_371 : memref<128x64xf32, #tpu.memory_space<vmem>>) offsets(%dma_start3A_374 : memref<128xi32, #tpu.memory_space<vmem>>) semaphore(%arg10 : memref<!tpu.dma_semaphore, #tpu.memory_space<semaphore_mem>>)
    %dma_wait3A_378 = arith.constant 0 : i32
    %dma_wait3A_379 = arith.constant 0 : i32
    %dma_wait3A_380 = arith.constant 0 : i32
    %dma_wait3A_381 = arith.constant 0 : i32
    %dma_wait3A_382 = arith.constant 0 : i32
    %dma_wait3A_383 = tpu.memref_slice %arg7[%dma_wait3A_380, %dma_wait3A_381, %dma_wait3A_382] : memref<2x128x64xf32, #tpu.memory_space<vmem>> -> memref<1x128x64xf32, #tpu.memory_space<vmem>>
    %dma_wait3A_384 = tpu.memref_squeeze %dma_wait3A_383 : memref<1x128x64xf32, #tpu.memory_space<vmem>> -> memref<128x64xf32, #tpu.memory_space<vmem>>
    %dma_wait3A_385 = arith.constant 0 : i32
    %dma_wait3A_386 = tpu.memref_slice %arg5[%dma_wait3A_378, %dma_wait3A_379, %dma_wait3A_385] : memref<25x8x128xi32, #tpu.memory_space<vmem>> -> memref<1x1x128xi32, #tpu.memory_space<vmem>>
    %dma_wait3A_387 = tpu.memref_squeeze %dma_wait3A_386 : memref<1x1x128xi32, #tpu.memory_space<vmem>> -> memref<128xi32, #tpu.memory_space<vmem>>
    %dma_wait3A_388 = arith.constant 0 : i32
    %dma_wait3A_389 = arith.constant 0 : i32
    %dma_wait3A_390 = tpu.memref_slice %arg3[%dma_wait3A_388, %dma_wait3A_389] : memref<1000000x64xf32, #tpu.memory_space<hbm>> -> memref<1000000x64xf32, #tpu.memory_space<hbm>>
    tpu.wait_indirect_dma semaphore(%arg11 : memref<!tpu.dma_semaphore, #tpu.memory_space<semaphore_mem>>) src(%dma_wait3A_390 : memref<1000000x64xf32, #tpu.memory_space<hbm>>) dst(%dma_wait3A_384 : memref<128x64xf32, #tpu.memory_space<vmem>>)
    %dma_wait3A_391 = arith.constant 0 : i32
    %dma_wait3A_392 = arith.constant 0 : i32
    %dma_wait3A_393 = arith.constant 1 : i32
    %dma_wait3A_394 = arith.constant 0 : i32
    %dma_wait3A_395 = arith.constant 0 : i32
    %dma_wait3A_396 = tpu.memref_slice %arg7[%dma_wait3A_393, %dma_wait3A_394, %dma_wait3A_395] : memref<2x128x64xf32, #tpu.memory_space<vmem>> -> memref<1x128x64xf32, #tpu.memory_space<vmem>>
    %dma_wait3A_397 = tpu.memref_squeeze %dma_wait3A_396 : memref<1x128x64xf32, #tpu.memory_space<vmem>> -> memref<128x64xf32, #tpu.memory_space<vmem>>
    %dma_wait3A_398 = arith.constant 0 : i32
    %dma_wait3A_399 = tpu.memref_slice %arg5[%dma_wait3A_391, %dma_wait3A_392, %dma_wait3A_398] : memref<25x8x128xi32, #tpu.memory_space<vmem>> -> memref<1x1x128xi32, #tpu.memory_space<vmem>>
    %dma_wait3A_400 = tpu.memref_squeeze %dma_wait3A_399 : memref<1x1x128xi32, #tpu.memory_space<vmem>> -> memref<128xi32, #tpu.memory_space<vmem>>
    %dma_wait3A_401 = arith.constant 0 : i32
    %dma_wait3A_402 = arith.constant 0 : i32
    %dma_wait3A_403 = tpu.memref_slice %arg3[%dma_wait3A_401, %dma_wait3A_402] : memref<1000000x64xf32, #tpu.memory_space<hbm>> -> memref<1000000x64xf32, #tpu.memory_space<hbm>>
    tpu.wait_indirect_dma semaphore(%arg11 : memref<!tpu.dma_semaphore, #tpu.memory_space<semaphore_mem>>) src(%dma_wait3A_403 : memref<1000000x64xf32, #tpu.memory_space<hbm>>) dst(%dma_wait3A_397 : memref<128x64xf32, #tpu.memory_space<vmem>>)
    %scan3A_404 = arith.constant 0 : i32
    %scan3A_405 = arith.constant 128 : i32
    %scan3A_406 = arith.addi %scan3A_404, %scan3A_405 : i32
    %scan3A_407 = arith.constant 2 : i32
    scf.for %scan3A_637 = %scan3A_404 to %scan3A_406 step %scan3A_407  : i32 {
      %mul3A_638 = arith.constant 1 : i32
      %mul3A_639 = arith.muli %scan3A_637, %mul3A_638 : i32
      %add3A_640 = arith.constant 0 : i32
      %add3A_641 = arith.addi %add3A_640, %mul3A_639 : i32
      %broadcast_in_dim3A = vector.broadcast %add3A_641 : i32 to vector<16xi32>
      %broadcast_in_dim3A_642 = arith.constant 0 : i32
      %broadcast_in_dim3A_643 = vector.broadcast %broadcast_in_dim3A_642 : i32 to vector<16xi32>
      %get3A = arith.constant 0 : i32
      %get3A_644 = arith.index_cast %get3A : i32 to index
      %get3A_645 = arith.index_cast %add3A_641 : i32 to index
      %get3A_646 = arith.constant 0 : index
      %get3A_647 = tpu.vector_load %arg7[%get3A_644, %get3A_645, %get3A_646] {strides = array<i32>} : memref<2x128x64xf32, #tpu.memory_space<vmem>>, vector<16xf32>,
      %mul3A_648 = arith.constant 8.000000e+00 : f32
      %mul3A_649 = vector.broadcast %mul3A_648 : f32 to vector<16xf32>
      %mul3A_650 = arith.mulf %get3A_647, %mul3A_649 : vector<16xf32>
      %get3A_651 = arith.constant 0 : i32
      %get3A_652 = arith.index_cast %get3A_651 : i32 to index
      %get3A_653 = arith.index_cast %add3A_641 : i32 to index
      %get3A_654 = arith.constant 16 : index
      %get3A_655 = tpu.vector_load %arg7[%get3A_652, %get3A_653, %get3A_654] {strides = array<i32>} : memref<2x128x64xf32, #tpu.memory_space<vmem>>, vector<16xf32>,
      %mul3A_656 = arith.constant 8.000000e+00 : f32
      %mul3A_657 = vector.broadcast %mul3A_656 : f32 to vector<16xf32>
      %mul3A_658 = arith.mulf %get3A_655, %mul3A_657 : vector<16xf32>
      %get3A_659 = arith.constant 0 : i32
      %get3A_660 = arith.index_cast %get3A_659 : i32 to index
      %get3A_661 = arith.index_cast %add3A_641 : i32 to index
      %get3A_662 = arith.constant 32 : index
      %get3A_663 = tpu.vector_load %arg7[%get3A_660, %get3A_661, %get3A_662] {strides = array<i32>} : memref<2x128x64xf32, #tpu.memory_space<vmem>>, vector<16xf32>,
      %mul3A_664 = arith.constant 8.000000e+00 : f32
      %mul3A_665 = vector.broadcast %mul3A_664 : f32 to vector<16xf32>
      %mul3A_666 = arith.mulf %get3A_663, %mul3A_665 : vector<16xf32>
      %get3A_667 = arith.constant 0 : i32
      %get3A_668 = arith.index_cast %get3A_667 : i32 to index
      %get3A_669 = arith.index_cast %add3A_641 : i32 to index
      %get3A_670 = arith.constant 48 : index
      %get3A_671 = tpu.vector_load %arg7[%get3A_668, %get3A_669, %get3A_670] {strides = array<i32>} : memref<2x128x64xf32, #tpu.memory_space<vmem>>, vector<16xf32>,
      %mul3A_672 = arith.constant 8.000000e+00 : f32
      %mul3A_673 = vector.broadcast %mul3A_672 : f32 to vector<16xf32>
      %mul3A_674 = arith.mulf %get3A_671, %mul3A_673 : vector<16xf32>
      tpu.vector_store_idx %arg9[%broadcast_in_dim3A_643, %select_n3A, %select_n3A_151, %broadcast_in_dim3A], %mul3A_650 : memref<2x8x8x129xf32, #tpu.memory_space<vmem>>[vector<16xi32>, vector<16xi32>, vector<16xi32>, vector<16xi32>], vector<16xf32>,
      tpu.vector_store_idx %arg9[%broadcast_in_dim3A_643, %select_n3A_60, %select_n3A_176, %broadcast_in_dim3A], %mul3A_658 : memref<2x8x8x129xf32, #tpu.memory_space<vmem>>[vector<16xi32>, vector<16xi32>, vector<16xi32>, vector<16xi32>], vector<16xf32>,
      tpu.vector_store_idx %arg9[%broadcast_in_dim3A_643, %select_n3A_94, %select_n3A_201, %broadcast_in_dim3A], %mul3A_666 : memref<2x8x8x129xf32, #tpu.memory_space<vmem>>[vector<16xi32>, vector<16xi32>, vector<16xi32>, vector<16xi32>], vector<16xf32>,
      tpu.vector_store_idx %arg9[%broadcast_in_dim3A_643, %select_n3A_128, %select_n3A_226, %broadcast_in_dim3A], %mul3A_674 : memref<2x8x8x129xf32, #tpu.memory_space<vmem>>[vector<16xi32>, vector<16xi32>, vector<16xi32>, vector<16xi32>], vector<16xf32>,
      %broadcast_in_dim3A_675 = arith.constant 1 : i32
      %broadcast_in_dim3A_676 = vector.broadcast %broadcast_in_dim3A_675 : i32 to vector<16xi32>
      %get3A_677 = arith.constant 1 : i32
      %get3A_678 = arith.index_cast %get3A_677 : i32 to index
      %get3A_679 = arith.index_cast %add3A_641 : i32 to index
      %get3A_680 = arith.constant 0 : index
      %get3A_681 = tpu.vector_load %arg7[%get3A_678, %get3A_679, %get3A_680] {strides = array<i32>} : memref<2x128x64xf32, #tpu.memory_space<vmem>>, vector<16xf32>,
      %mul3A_682 = arith.constant 8.000000e+00 : f32
      %mul3A_683 = vector.broadcast %mul3A_682 : f32 to vector<16xf32>
      %mul3A_684 = arith.mulf %get3A_681, %mul3A_683 : vector<16xf32>
      %get3A_685 = arith.constant 1 : i32
      %get3A_686 = arith.index_cast %get3A_685 : i32 to index
      %get3A_687 = arith.index_cast %add3A_641 : i32 to index
      %get3A_688 = arith.constant 16 : index
      %get3A_689 = tpu.vector_load %arg7[%get3A_686, %get3A_687, %get3A_688] {strides = array<i32>} : memref<2x128x64xf32, #tpu.memory_space<vmem>>, vector<16xf32>,
      %mul3A_690 = arith.constant 8.000000e+00 : f32
      %mul3A_691 = vector.broadcast %mul3A_690 : f32 to vector<16xf32>
      %mul3A_692 = arith.mulf %get3A_689, %mul3A_691 : vector<16xf32>
      %get3A_693 = arith.constant 1 : i32
      %get3A_694 = arith.index_cast %get3A_693 : i32 to index
      %get3A_695 = arith.index_cast %add3A_641 : i32 to index
      %get3A_696 = arith.constant 32 : index
      %get3A_697 = tpu.vector_load %arg7[%get3A_694, %get3A_695, %get3A_696] {strides = array<i32>} : memref<2x128x64xf32, #tpu.memory_space<vmem>>, vector<16xf32>,
      %mul3A_698 = arith.constant 8.000000e+00 : f32
      %mul3A_699 = vector.broadcast %mul3A_698 : f32 to vector<16xf32>
      %mul3A_700 = arith.mulf %get3A_697, %mul3A_699 : vector<16xf32>
      %get3A_701 = arith.constant 1 : i32
      %get3A_702 = arith.index_cast %get3A_701 : i32 to index
      %get3A_703 = arith.index_cast %add3A_641 : i32 to index
      %get3A_704 = arith.constant 48 : index
      %get3A_705 = tpu.vector_load %arg7[%get3A_702, %get3A_703, %get3A_704] {strides = array<i32>} : memref<2x128x64xf32, #tpu.memory_space<vmem>>, vector<16xf32>,
      %mul3A_706 = arith.constant 8.000000e+00 : f32
      %mul3A_707 = vector.broadcast %mul3A_706 : f32 to vector<16xf32>
      %mul3A_708 = arith.mulf %get3A_705, %mul3A_707 : vector<16xf32>
      tpu.vector_store_idx %arg9[%broadcast_in_dim3A_676, %select_n3A, %select_n3A_151, %broadcast_in_dim3A], %mul3A_684 : memref<2x8x8x129xf32, #tpu.memory_space<vmem>>[vector<16xi32>, vector<16xi32>, vector<16xi32>, vector<16xi32>], vector<16xf32>,
      tpu.vector_store_idx %arg9[%broadcast_in_dim3A_676, %select_n3A_60, %select_n3A_176, %broadcast_in_dim3A], %mul3A_692 : memref<2x8x8x129xf32, #tpu.memory_space<vmem>>[vector<16xi32>, vector<16xi32>, vector<16xi32>, vector<16xi32>], vector<16xf32>,
      tpu.vector_store_idx %arg9[%broadcast_in_dim3A_676, %select_n3A_94, %select_n3A_201, %broadcast_in_dim3A], %mul3A_700 : memref<2x8x8x129xf32, #tpu.memory_space<vmem>>[vector<16xi32>, vector<16xi32>, vector<16xi32>, vector<16xi32>], vector<16xf32>,
      tpu.vector_store_idx %arg9[%broadcast_in_dim3A_676, %select_n3A_128, %select_n3A_226, %broadcast_in_dim3A], %mul3A_708 : memref<2x8x8x129xf32, #tpu.memory_space<vmem>>[vector<16xi32>, vector<16xi32>, vector<16xi32>, vector<16xi32>], vector<16xf32>,
      %scan3A_709 = arith.constant 1 : i32
      %scan3A_710 = arith.addi %scan3A_637, %scan3A_709 : i32
      %mul3A_711 = arith.constant 1 : i32
      %mul3A_712 = arith.muli %scan3A_710, %mul3A_711 : i32
      %add3A_713 = arith.constant 0 : i32
      %add3A_714 = arith.addi %add3A_713, %mul3A_712 : i32
      %broadcast_in_dim3A_715 = vector.broadcast %add3A_714 : i32 to vector<16xi32>
      %broadcast_in_dim3A_716 = arith.constant 0 : i32
      %broadcast_in_dim3A_717 = vector.broadcast %broadcast_in_dim3A_716 : i32 to vector<16xi32>
      %get3A_718 = arith.constant 0 : i32
      %get3A_719 = arith.index_cast %get3A_718 : i32 to index
      %get3A_720 = arith.index_cast %add3A_714 : i32 to index
      %get3A_721 = arith.constant 0 : index
      %get3A_722 = tpu.vector_load %arg7[%get3A_719, %get3A_720, %get3A_721] {strides = array<i32>} : memref<2x128x64xf32, #tpu.memory_space<vmem>>, vector<16xf32>,
      %mul3A_723 = arith.constant 8.000000e+00 : f32
      %mul3A_724 = vector.broadcast %mul3A_723 : f32 to vector<16xf32>
      %mul3A_725 = arith.mulf %get3A_722, %mul3A_724 : vector<16xf32>
      %get3A_726 = arith.constant 0 : i32
      %get3A_727 = arith.index_cast %get3A_726 : i32 to index
      %get3A_728 = arith.index_cast %add3A_714 : i32 to index
      %get3A_729 = arith.constant 16 : index
      %get3A_730 = tpu.vector_load %arg7[%get3A_727, %get3A_728, %get3A_729] {strides = array<i32>} : memref<2x128x64xf32, #tpu.memory_space<vmem>>, vector<16xf32>,
      %mul3A_731 = arith.constant 8.000000e+00 : f32
      %mul3A_732 = vector.broadcast %mul3A_731 : f32 to vector<16xf32>
      %mul3A_733 = arith.mulf %get3A_730, %mul3A_732 : vector<16xf32>
      %get3A_734 = arith.constant 0 : i32
      %get3A_735 = arith.index_cast %get3A_734 : i32 to index
      %get3A_736 = arith.index_cast %add3A_714 : i32 to index
      %get3A_737 = arith.constant 32 : index
      %get3A_738 = tpu.vector_load %arg7[%get3A_735, %get3A_736, %get3A_737] {strides = array<i32>} : memref<2x128x64xf32, #tpu.memory_space<vmem>>, vector<16xf32>,
      %mul3A_739 = arith.constant 8.000000e+00 : f32
      %mul3A_740 = vector.broadcast %mul3A_739 : f32 to vector<16xf32>
      %mul3A_741 = arith.mulf %get3A_738, %mul3A_740 : vector<16xf32>
      %get3A_742 = arith.constant 0 : i32
      %get3A_743 = arith.index_cast %get3A_742 : i32 to index
      %get3A_744 = arith.index_cast %add3A_714 : i32 to index
      %get3A_745 = arith.constant 48 : index
      %get3A_746 = tpu.vector_load %arg7[%get3A_743, %get3A_744, %get3A_745] {strides = array<i32>} : memref<2x128x64xf32, #tpu.memory_space<vmem>>, vector<16xf32>,
      %mul3A_747 = arith.constant 8.000000e+00 : f32
      %mul3A_748 = vector.broadcast %mul3A_747 : f32 to vector<16xf32>
      %mul3A_749 = arith.mulf %get3A_746, %mul3A_748 : vector<16xf32>
      tpu.vector_store_idx %arg9[%broadcast_in_dim3A_717, %select_n3A, %select_n3A_151, %broadcast_in_dim3A_715], %mul3A_725 : memref<2x8x8x129xf32, #tpu.memory_space<vmem>>[vector<16xi32>, vector<16xi32>, vector<16xi32>, vector<16xi32>], vector<16xf32>,
      tpu.vector_store_idx %arg9[%broadcast_in_dim3A_717, %select_n3A_60, %select_n3A_176, %broadcast_in_dim3A_715], %mul3A_733 : memref<2x8x8x129xf32, #tpu.memory_space<vmem>>[vector<16xi32>, vector<16xi32>, vector<16xi32>, vector<16xi32>], vector<16xf32>,
      tpu.vector_store_idx %arg9[%broadcast_in_dim3A_717, %select_n3A_94, %select_n3A_201, %broadcast_in_dim3A_715], %mul3A_741 : memref<2x8x8x129xf32, #tpu.memory_space<vmem>>[vector<16xi32>, vector<16xi32>, vector<16xi32>, vector<16xi32>], vector<16xf32>,
      tpu.vector_store_idx %arg9[%broadcast_in_dim3A_717, %select_n3A_128, %select_n3A_226, %broadcast_in_dim3A_715], %mul3A_749 : memref<2x8x8x129xf32, #tpu.memory_space<vmem>>[vector<16xi32>, vector<16xi32>, vector<16xi32>, vector<16xi32>], vector<16xf32>,
      %broadcast_in_dim3A_750 = arith.constant 1 : i32
      %broadcast_in_dim3A_751 = vector.broadcast %broadcast_in_dim3A_750 : i32 to vector<16xi32>
      %get3A_752 = arith.constant 1 : i32
      %get3A_753 = arith.index_cast %get3A_752 : i32 to index
      %get3A_754 = arith.index_cast %add3A_714 : i32 to index
      %get3A_755 = arith.constant 0 : index
      %get3A_756 = tpu.vector_load %arg7[%get3A_753, %get3A_754, %get3A_755] {strides = array<i32>} : memref<2x128x64xf32, #tpu.memory_space<vmem>>, vector<16xf32>,
      %mul3A_757 = arith.constant 8.000000e+00 : f32
      %mul3A_758 = vector.broadcast %mul3A_757 : f32 to vector<16xf32>
      %mul3A_759 = arith.mulf %get3A_756, %mul3A_758 : vector<16xf32>
      %get3A_760 = arith.constant 1 : i32
      %get3A_761 = arith.index_cast %get3A_760 : i32 to index
      %get3A_762 = arith.index_cast %add3A_714 : i32 to index
      %get3A_763 = arith.constant 16 : index
      %get3A_764 = tpu.vector_load %arg7[%get3A_761, %get3A_762, %get3A_763] {strides = array<i32>} : memref<2x128x64xf32, #tpu.memory_space<vmem>>, vector<16xf32>,
      %mul3A_765 = arith.constant 8.000000e+00 : f32
      %mul3A_766 = vector.broadcast %mul3A_765 : f32 to vector<16xf32>
      %mul3A_767 = arith.mulf %get3A_764, %mul3A_766 : vector<16xf32>
      %get3A_768 = arith.constant 1 : i32
      %get3A_769 = arith.index_cast %get3A_768 : i32 to index
      %get3A_770 = arith.index_cast %add3A_714 : i32 to index
      %get3A_771 = arith.constant 32 : index
      %get3A_772 = tpu.vector_load %arg7[%get3A_769, %get3A_770, %get3A_771] {strides = array<i32>} : memref<2x128x64xf32, #tpu.memory_space<vmem>>, vector<16xf32>,
      %mul3A_773 = arith.constant 8.000000e+00 : f32
      %mul3A_774 = vector.broadcast %mul3A_773 : f32 to vector<16xf32>
      %mul3A_775 = arith.mulf %get3A_772, %mul3A_774 : vector<16xf32>
      %get3A_776 = arith.constant 1 : i32
      %get3A_777 = arith.index_cast %get3A_776 : i32 to index
      %get3A_778 = arith.index_cast %add3A_714 : i32 to index
      %get3A_779 = arith.constant 48 : index
      %get3A_780 = tpu.vector_load %arg7[%get3A_777, %get3A_778, %get3A_779] {strides = array<i32>} : memref<2x128x64xf32, #tpu.memory_space<vmem>>, vector<16xf32>,
      %mul3A_781 = arith.constant 8.000000e+00 : f32
      %mul3A_782 = vector.broadcast %mul3A_781 : f32 to vector<16xf32>
      %mul3A_783 = arith.mulf %get3A_780, %mul3A_782 : vector<16xf32>
      tpu.vector_store_idx %arg9[%broadcast_in_dim3A_751, %select_n3A, %select_n3A_151, %broadcast_in_dim3A_715], %mul3A_759 : memref<2x8x8x129xf32, #tpu.memory_space<vmem>>[vector<16xi32>, vector<16xi32>, vector<16xi32>, vector<16xi32>], vector<16xf32>,
      tpu.vector_store_idx %arg9[%broadcast_in_dim3A_751, %select_n3A_60, %select_n3A_176, %broadcast_in_dim3A_715], %mul3A_767 : memref<2x8x8x129xf32, #tpu.memory_space<vmem>>[vector<16xi32>, vector<16xi32>, vector<16xi32>, vector<16xi32>], vector<16xf32>,
      tpu.vector_store_idx %arg9[%broadcast_in_dim3A_751, %select_n3A_94, %select_n3A_201, %broadcast_in_dim3A_715], %mul3A_775 : memref<2x8x8x129xf32, #tpu.memory_space<vmem>>[vector<16xi32>, vector<16xi32>, vector<16xi32>, vector<16xi32>], vector<16xf32>,
      tpu.vector_store_idx %arg9[%broadcast_in_dim3A_751, %select_n3A_128, %select_n3A_226, %broadcast_in_dim3A_715], %mul3A_783 : memref<2x8x8x129xf32, #tpu.memory_space<vmem>>[vector<16xi32>, vector<16xi32>, vector<16xi32>, vector<16xi32>], vector<16xf32>,
    }
    %scan3A_408 = arith.constant 128 : i32
    %dma_start3A_409 = arith.constant 0 : i32
    %dma_start3A_410 = arith.constant 0 : i32
    %dma_start3A_411 = arith.constant 0 : i32
    %dma_start3A_412 = arith.constant 0 : i32
    %dma_start3A_413 = tpu.memref_slice %arg9[%dma_start3A_409, %dma_start3A_410, %dma_start3A_411, %dma_start3A_412] : memref<2x8x8x129xf32, #tpu.memory_space<vmem>> -> memref<2x8x8x128xf32, #tpu.memory_space<vmem>>
    %dma_start3A_414 = arith.constant 2 : i32
    %dma_start3A_415 = arith.constant 0 : i32
    %dma_start3A_416 = arith.constant 0 : i32
    %dma_start3A_417 = arith.constant 0 : i32
    %dma_start3A_418 = tpu.memref_slice %arg4[%dma_start3A_414, %dma_start3A_415, %add3A, %dma_start3A_416, %dma_start3A_417] : memref<200x8x32x8x128xf32, #tpu.memory_space<hbm>> -> memref<2x8x1x8x128xf32, #tpu.memory_space<hbm>>
    %dma_start3A_419 = tpu.memref_squeeze %dma_start3A_418 : memref<2x8x1x8x128xf32, #tpu.memory_space<hbm>> -> memref<2x8x8x128xf32, #tpu.memory_space<hbm>>
    %dma_start3A_420 = arith.constant 2 : i32
    %dma_start3A_421 = arith.constant 0 : i32
    %dma_start3A_422 = arith.constant 0 : i32
    %dma_start3A_423 = arith.constant 0 : i32
    %dma_start3A_424 = tpu.memref_slice %arg4[%dma_start3A_420, %dma_start3A_421, %add3A, %dma_start3A_422, %dma_start3A_423] : memref<200x8x32x8x128xf32, #tpu.memory_space<hbm>> -> memref<2x8x1x8x128xf32, #tpu.memory_space<hbm>>
    %dma_start3A_425 = tpu.memref_squeeze %dma_start3A_424 : memref<2x8x1x8x128xf32, #tpu.memory_space<hbm>> -> memref<2x8x8x128xf32, #tpu.memory_space<hbm>>
    %dma_start3A_426 = arith.constant 0 : i32
    %dma_start3A_427 = arith.constant 0 : i32
    %dma_start3A_428 = arith.constant 0 : i32
    %dma_start3A_429 = arith.constant 0 : i32
    %dma_start3A_430 = tpu.memref_slice %arg9[%dma_start3A_426, %dma_start3A_427, %dma_start3A_428, %dma_start3A_429] : memref<2x8x8x129xf32, #tpu.memory_space<vmem>> -> memref<2x8x8x128xf32, #tpu.memory_space<vmem>>
    tpu.enqueue_dma source(%dma_start3A_430 : memref<2x8x8x128xf32, #tpu.memory_space<vmem>>) target(%dma_start3A_425 : memref<2x8x8x128xf32, #tpu.memory_space<hbm>>) target_semaphore(%arg13 : memref<!tpu.dma_semaphore, #tpu.memory_space<semaphore_mem>>)
    %scan3A_431 = arith.constant 0 : i32
    %scan3A_432 = arith.constant 48 : i32
    %scan3A_433 = arith.addi %scan3A_431, %scan3A_432 : i32
    %scan3A_434 = arith.constant 1 : i32
    scf.for %scan3A_637 = %scan3A_431 to %scan3A_433 step %scan3A_434  : i32 {
      %mul3A_638 = arith.constant 1 : i32
      %mul3A_639 = arith.muli %scan3A_637, %mul3A_638 : i32
      %add3A_640 = arith.constant 1 : i32
      %add3A_641 = arith.addi %add3A_640, %mul3A_639 : i32
      %mul3A_642 = arith.constant 2 : i32
      %mul3A_643 = arith.muli %add3A_641, %mul3A_642 : i32
      %add3A_644 = arith.constant 0 : i32
      %add3A_645 = arith.addi %mul3A_643, %add3A_644 : i32
      %dma_wait3A_646 = arith.constant 0 : i32
      %dma_wait3A_647 = arith.constant 0 : i32
      %dma_wait3A_648 = arith.constant 0 : i32
      %dma_wait3A_649 = arith.constant 0 : i32
      %dma_wait3A_650 = arith.constant 0 : i32
      %dma_wait3A_651 = tpu.memref_slice %arg9[%dma_wait3A_647, %dma_wait3A_648, %dma_wait3A_649, %dma_wait3A_650] : memref<2x8x8x129xf32, #tpu.memory_space<vmem>> -> memref<2x8x8x128xf32, #tpu.memory_space<vmem>>
      %dma_wait3A_652 = arith.constant 0 : i32
      %dma_wait3A_653 = arith.constant 0 : i32
      %dma_wait3A_654 = arith.constant 0 : i32
      %dma_wait3A_655 = arith.constant 0 : i32
      %dma_wait3A_656 = tpu.memref_slice %arg4[%dma_wait3A_652, %dma_wait3A_653, %dma_wait3A_646, %dma_wait3A_654, %dma_wait3A_655] : memref<200x8x32x8x128xf32, #tpu.memory_space<hbm>> -> memref<2x8x1x8x128xf32, #tpu.memory_space<hbm>>
      %dma_wait3A_657 = tpu.memref_squeeze %dma_wait3A_656 : memref<2x8x1x8x128xf32, #tpu.memory_space<hbm>> -> memref<2x8x8x128xf32, #tpu.memory_space<hbm>>
      %dma_wait3A_658 = arith.constant 0 : i32
      %dma_wait3A_659 = arith.constant 0 : i32
      %dma_wait3A_660 = arith.constant 0 : i32
      %dma_wait3A_661 = arith.constant 0 : i32
      %dma_wait3A_662 = tpu.memref_slice %arg4[%dma_wait3A_658, %dma_wait3A_659, %dma_wait3A_646, %dma_wait3A_660, %dma_wait3A_661] : memref<200x8x32x8x128xf32, #tpu.memory_space<hbm>> -> memref<2x8x1x8x128xf32, #tpu.memory_space<hbm>>
      %dma_wait3A_663 = tpu.memref_squeeze %dma_wait3A_662 : memref<2x8x1x8x128xf32, #tpu.memory_space<hbm>> -> memref<2x8x8x128xf32, #tpu.memory_space<hbm>>
      %dma_wait3A_664 = arith.constant 0 : i32
      %dma_wait3A_665 = arith.constant 0 : i32
      %dma_wait3A_666 = arith.constant 0 : i32
      %dma_wait3A_667 = arith.constant 0 : i32
      %dma_wait3A_668 = tpu.memref_slice %arg9[%dma_wait3A_664, %dma_wait3A_665, %dma_wait3A_666, %dma_wait3A_667] : memref<2x8x8x129xf32, #tpu.memory_space<vmem>> -> memref<2x8x8x128xf32, #tpu.memory_space<vmem>>
      tpu.wait_dma2 semaphore(%arg13 : memref<!tpu.dma_semaphore, #tpu.memory_space<semaphore_mem>>) src(%dma_wait3A_668 : memref<2x8x8x128xf32, #tpu.memory_space<vmem>>) dst(%dma_wait3A_663 : memref<2x8x8x128xf32, #tpu.memory_space<hbm>>)
      %add3A_669 = arith.constant 2 : i32
      %add3A_670 = arith.addi %add3A_645, %add3A_669 : i32
      %sub3A_671 = arith.constant 1 : i32
      %sub3A_672 = arith.subi %add3A_670, %sub3A_671 : i32
      %mul3A_673 = arith.constant 2 : i32
      %mul3A_674 = arith.muli %sub3A_672, %mul3A_673 : i32
      %add3A_675 = arith.constant 0 : i32
      %add3A_676 = arith.addi %mul3A_674, %add3A_675 : i32
      %jit3A_677 = arith.constant 8 : i32
      %div3A_678 = arith.divsi %add3A_676, %jit3A_677 : i32
      %sign3A_679 = arith.constant 0 : i32
      %sign3A_680 = arith.cmpi sgt, %add3A_676, %sign3A_679 : i32
      %sign3A_681 = arith.extui %sign3A_680 : i1 to i32
      %sign3A_682 = arith.constant 0 : i32
      %sign3A_683 = arith.cmpi slt, %add3A_676, %sign3A_682 : i32
      %sign3A_684 = arith.extui %sign3A_683 : i1 to i32
      %sign3A_685 = arith.subi %sign3A_681, %sign3A_684 : i32
      %sign3A_686 = arith.constant 0 : i32
      %sign3A_687 = arith.cmpi sgt, %jit3A_677, %sign3A_686 : i32
      %sign3A_688 = arith.extui %sign3A_687 : i1 to i32
      %sign3A_689 = arith.constant 0 : i32
      %sign3A_690 = arith.cmpi slt, %jit3A_677, %sign3A_689 : i32
      %sign3A_691 = arith.extui %sign3A_690 : i1 to i32
      %sign3A_692 = arith.subi %sign3A_688, %sign3A_691 : i32
      %ne3A_693 = arith.cmpi ne, %sign3A_685, %sign3A_692 : i32
      %rem3A_694 = arith.remsi %add3A_676, %jit3A_677 : i32
      %ne3A_695 = arith.constant 0 : i32
      %ne3A_696 = arith.cmpi ne, %rem3A_694, %ne3A_695 : i32
      %and3A_697 = arith.andi %ne3A_693, %ne3A_696 : i1
      %sub3A_698 = arith.constant 1 : i32
      %sub3A_699 = arith.subi %div3A_678, %sub3A_698 : i32
      %select_n3A_700 = arith.select %and3A_697, %sub3A_699, %div3A_678 : i32
      %jit3A_701 = arith.constant 8 : i32
      %eq3A_702 = arith.constant 0 : i32
      %eq3A_703 = arith.cmpi eq, %jit3A_701, %eq3A_702 : i32
      %jit3A_704 = arith.constant 1 : i32
      %select_n3A_705 = arith.select %eq3A_703, %jit3A_704, %jit3A_701 : i32
      %rem3A_706 = arith.remsi %add3A_676, %select_n3A_705 : i32
      %ne3A_707 = arith.constant 0 : i32
      %ne3A_708 = arith.cmpi ne, %rem3A_706, %ne3A_707 : i32
      %lt3A_709 = arith.constant 0 : i32
      %lt3A_710 = arith.cmpi slt, %rem3A_706, %lt3A_709 : i32
      %lt3A_711 = arith.constant 0 : i32
      %lt3A_712 = arith.cmpi slt, %select_n3A_705, %lt3A_711 : i32
      %ne3A_713 = arith.xori %lt3A_710, %lt3A_712 : i1
      %and3A_714 = arith.andi %ne3A_713, %ne3A_708 : i1
      %add3A_715 = arith.addi %rem3A_706, %select_n3A_705 : i32
      %select_n3A_716 = arith.select %and3A_714, %add3A_715, %rem3A_706 : i32
      %dma_start3A_717 = arith.constant 0 : i32
      %dma_start3A_718 = arith.constant 0 : i32
      %dma_start3A_719 = arith.constant 0 : i32
      %dma_start3A_720 = tpu.memref_slice %arg7[%dma_start3A_717, %dma_start3A_718, %dma_start3A_719] : memref<2x128x64xf32, #tpu.memory_space<vmem>> -> memref<1x128x64xf32, #tpu.memory_space<vmem>>
      %dma_start3A_721 = tpu.memref_squeeze %dma_start3A_720 : memref<1x128x64xf32, #tpu.memory_space<vmem>> -> memref<128x64xf32, #tpu.memory_space<vmem>>
      %dma_start3A_722 = arith.constant 0 : i32
      %dma_start3A_723 = tpu.memref_slice %arg5[%select_n3A_700, %select_n3A_716, %dma_start3A_722] : memref<25x8x128xi32, #tpu.memory_space<vmem>> -> memref<1x1x128xi32, #tpu.memory_space<vmem>>
      %dma_start3A_724 = tpu.memref_squeeze %dma_start3A_723 : memref<1x1x128xi32, #tpu.memory_space<vmem>> -> memref<128xi32, #tpu.memory_space<vmem>>
      %dma_start3A_725 = arith.constant 0 : i32
      %dma_start3A_726 = arith.constant 0 : i32
      %dma_start3A_727 = tpu.memref_slice %arg3[%dma_start3A_725, %dma_start3A_726] : memref<1000000x64xf32, #tpu.memory_space<hbm>> -> memref<1000000x64xf32, #tpu.memory_space<hbm>>
      tpu.enqueue_indirect_dma source(%dma_start3A_727 : memref<1000000x64xf32, #tpu.memory_space<hbm>>) target(%dma_start3A_721 : memref<128x64xf32, #tpu.memory_space<vmem>>) offsets(%dma_start3A_724 : memref<128xi32, #tpu.memory_space<vmem>>) semaphore(%arg11 : memref<!tpu.dma_semaphore, #tpu.memory_space<semaphore_mem>>)
      %mul3A_728 = arith.constant 2 : i32
      %mul3A_729 = arith.muli %sub3A_672, %mul3A_728 : i32
      %add3A_730 = arith.constant 1 : i32
      %add3A_731 = arith.addi %mul3A_729, %add3A_730 : i32
      %jit3A_732 = arith.constant 8 : i32
      %div3A_733 = arith.divsi %add3A_731, %jit3A_732 : i32
      %sign3A_734 = arith.constant 0 : i32
      %sign3A_735 = arith.cmpi sgt, %add3A_731, %sign3A_734 : i32
      %sign3A_736 = arith.extui %sign3A_735 : i1 to i32
      %sign3A_737 = arith.constant 0 : i32
      %sign3A_738 = arith.cmpi slt, %add3A_731, %sign3A_737 : i32
      %sign3A_739 = arith.extui %sign3A_738 : i1 to i32
      %sign3A_740 = arith.subi %sign3A_736, %sign3A_739 : i32
      %sign3A_741 = arith.constant 0 : i32
      %sign3A_742 = arith.cmpi sgt, %jit3A_732, %sign3A_741 : i32
      %sign3A_743 = arith.extui %sign3A_742 : i1 to i32
      %sign3A_744 = arith.constant 0 : i32
      %sign3A_745 = arith.cmpi slt, %jit3A_732, %sign3A_744 : i32
      %sign3A_746 = arith.extui %sign3A_745 : i1 to i32
      %sign3A_747 = arith.subi %sign3A_743, %sign3A_746 : i32
      %ne3A_748 = arith.cmpi ne, %sign3A_740, %sign3A_747 : i32
      %rem3A_749 = arith.remsi %add3A_731, %jit3A_732 : i32
      %ne3A_750 = arith.constant 0 : i32
      %ne3A_751 = arith.cmpi ne, %rem3A_749, %ne3A_750 : i32
      %and3A_752 = arith.andi %ne3A_748, %ne3A_751 : i1
      %sub3A_753 = arith.constant 1 : i32
      %sub3A_754 = arith.subi %div3A_733, %sub3A_753 : i32
      %select_n3A_755 = arith.select %and3A_752, %sub3A_754, %div3A_733 : i32
      %jit3A_756 = arith.constant 8 : i32
      %eq3A_757 = arith.constant 0 : i32
      %eq3A_758 = arith.cmpi eq, %jit3A_756, %eq3A_757 : i32
      %jit3A_759 = arith.constant 1 : i32
      %select_n3A_760 = arith.select %eq3A_758, %jit3A_759, %jit3A_756 : i32
      %rem3A_761 = arith.remsi %add3A_731, %select_n3A_760 : i32
      %ne3A_762 = arith.constant 0 : i32
      %ne3A_763 = arith.cmpi ne, %rem3A_761, %ne3A_762 : i32
      %lt3A_764 = arith.constant 0 : i32
      %lt3A_765 = arith.cmpi slt, %rem3A_761, %lt3A_764 : i32
      %lt3A_766 = arith.constant 0 : i32
      %lt3A_767 = arith.cmpi slt, %select_n3A_760, %lt3A_766 : i32
      %ne3A_768 = arith.xori %lt3A_765, %lt3A_767 : i1
      %and3A_769 = arith.andi %ne3A_768, %ne3A_763 : i1
      %add3A_770 = arith.addi %rem3A_761, %select_n3A_760 : i32
      %select_n3A_771 = arith.select %and3A_769, %add3A_770, %rem3A_761 : i32
      %dma_start3A_772 = arith.constant 1 : i32
      %dma_start3A_773 = arith.constant 0 : i32
      %dma_start3A_774 = arith.constant 0 : i32
      %dma_start3A_775 = tpu.memref_slice %arg7[%dma_start3A_772, %dma_start3A_773, %dma_start3A_774] : memref<2x128x64xf32, #tpu.memory_space<vmem>> -> memref<1x128x64xf32, #tpu.memory_space<vmem>>
      %dma_start3A_776 = tpu.memref_squeeze %dma_start3A_775 : memref<1x128x64xf32, #tpu.memory_space<vmem>> -> memref<128x64xf32, #tpu.memory_space<vmem>>
      %dma_start3A_777 = arith.constant 0 : i32
      %dma_start3A_778 = tpu.memref_slice %arg5[%select_n3A_755, %select_n3A_771, %dma_start3A_777] : memref<25x8x128xi32, #tpu.memory_space<vmem>> -> memref<1x1x128xi32, #tpu.memory_space<vmem>>
      %dma_start3A_779 = tpu.memref_squeeze %dma_start3A_778 : memref<1x1x128xi32, #tpu.memory_space<vmem>> -> memref<128xi32, #tpu.memory_space<vmem>>
      %dma_start3A_780 = arith.constant 0 : i32
      %dma_start3A_781 = arith.constant 0 : i32
      %dma_start3A_782 = tpu.memref_slice %arg3[%dma_start3A_780, %dma_start3A_781] : memref<1000000x64xf32, #tpu.memory_space<hbm>> -> memref<1000000x64xf32, #tpu.memory_space<hbm>>
      tpu.enqueue_indirect_dma source(%dma_start3A_782 : memref<1000000x64xf32, #tpu.memory_space<hbm>>) target(%dma_start3A_776 : memref<128x64xf32, #tpu.memory_space<vmem>>) offsets(%dma_start3A_779 : memref<128xi32, #tpu.memory_space<vmem>>) semaphore(%arg11 : memref<!tpu.dma_semaphore, #tpu.memory_space<semaphore_mem>>)
      %dma_wait3A_783 = arith.constant 0 : i32
      %dma_wait3A_784 = arith.constant 0 : i32
      %dma_wait3A_785 = arith.constant 0 : i32
      %dma_wait3A_786 = arith.constant 0 : i32
      %dma_wait3A_787 = arith.constant 0 : i32
      %dma_wait3A_788 = tpu.memref_slice %arg6[%dma_wait3A_785, %dma_wait3A_786, %dma_wait3A_787] : memref<2x128x64xf32, #tpu.memory_space<vmem>> -> memref<1x128x64xf32, #tpu.memory_space<vmem>>
      %dma_wait3A_789 = tpu.memref_squeeze %dma_wait3A_788 : memref<1x128x64xf32, #tpu.memory_space<vmem>> -> memref<128x64xf32, #tpu.memory_space<vmem>>
      %dma_wait3A_790 = arith.constant 0 : i32
      %dma_wait3A_791 = tpu.memref_slice %arg5[%dma_wait3A_783, %dma_wait3A_784, %dma_wait3A_790] : memref<25x8x128xi32, #tpu.memory_space<vmem>> -> memref<1x1x128xi32, #tpu.memory_space<vmem>>
      %dma_wait3A_792 = tpu.memref_squeeze %dma_wait3A_791 : memref<1x1x128xi32, #tpu.memory_space<vmem>> -> memref<128xi32, #tpu.memory_space<vmem>>
      %dma_wait3A_793 = arith.constant 0 : i32
      %dma_wait3A_794 = arith.constant 0 : i32
      %dma_wait3A_795 = tpu.memref_slice %arg3[%dma_wait3A_793, %dma_wait3A_794] : memref<1000000x64xf32, #tpu.memory_space<hbm>> -> memref<1000000x64xf32, #tpu.memory_space<hbm>>
      tpu.wait_indirect_dma semaphore(%arg10 : memref<!tpu.dma_semaphore, #tpu.memory_space<semaphore_mem>>) src(%dma_wait3A_795 : memref<1000000x64xf32, #tpu.memory_space<hbm>>) dst(%dma_wait3A_789 : memref<128x64xf32, #tpu.memory_space<vmem>>)
      %dma_wait3A_796 = arith.constant 0 : i32
      %dma_wait3A_797 = arith.constant 0 : i32
      %dma_wait3A_798 = arith.constant 1 : i32
      %dma_wait3A_799 = arith.constant 0 : i32
      %dma_wait3A_800 = arith.constant 0 : i32
      %dma_wait3A_801 = tpu.memref_slice %arg6[%dma_wait3A_798, %dma_wait3A_799, %dma_wait3A_800] : memref<2x128x64xf32, #tpu.memory_space<vmem>> -> memref<1x128x64xf32, #tpu.memory_space<vmem>>
      %dma_wait3A_802 = tpu.memref_squeeze %dma_wait3A_801 : memref<1x128x64xf32, #tpu.memory_space<vmem>> -> memref<128x64xf32, #tpu.memory_space<vmem>>
      %dma_wait3A_803 = arith.constant 0 : i32
      %dma_wait3A_804 = tpu.memref_slice %arg5[%dma_wait3A_796, %dma_wait3A_797, %dma_wait3A_803] : memref<25x8x128xi32, #tpu.memory_space<vmem>> -> memref<1x1x128xi32, #tpu.memory_space<vmem>>
      %dma_wait3A_805 = tpu.memref_squeeze %dma_wait3A_804 : memref<1x1x128xi32, #tpu.memory_space<vmem>> -> memref<128xi32, #tpu.memory_space<vmem>>
      %dma_wait3A_806 = arith.constant 0 : i32
      %dma_wait3A_807 = arith.constant 0 : i32
      %dma_wait3A_808 = tpu.memref_slice %arg3[%dma_wait3A_806, %dma_wait3A_807] : memref<1000000x64xf32, #tpu.memory_space<hbm>> -> memref<1000000x64xf32, #tpu.memory_space<hbm>>
      tpu.wait_indirect_dma semaphore(%arg10 : memref<!tpu.dma_semaphore, #tpu.memory_space<semaphore_mem>>) src(%dma_wait3A_808 : memref<1000000x64xf32, #tpu.memory_space<hbm>>) dst(%dma_wait3A_802 : memref<128x64xf32, #tpu.memory_space<vmem>>)
      %scan3A_809 = arith.constant 0 : i32
      %scan3A_810 = arith.constant 128 : i32
      %scan3A_811 = arith.addi %scan3A_809, %scan3A_810 : i32
      %scan3A_812 = arith.constant 2 : i32
      scf.for %scan3A_1028 = %scan3A_809 to %scan3A_811 step %scan3A_812  : i32 {
        %mul3A_1029 = arith.constant 1 : i32
        %mul3A_1030 = arith.muli %scan3A_1028, %mul3A_1029 : i32
        %add3A_1031 = arith.constant 0 : i32
        %add3A_1032 = arith.addi %add3A_1031, %mul3A_1030 : i32
        %broadcast_in_dim3A = vector.broadcast %add3A_1032 : i32 to vector<16xi32>
        %broadcast_in_dim3A_1033 = arith.constant 0 : i32
        %broadcast_in_dim3A_1034 = vector.broadcast %broadcast_in_dim3A_1033 : i32 to vector<16xi32>
        %get3A = arith.constant 0 : i32
        %get3A_1035 = arith.index_cast %get3A : i32 to index
        %get3A_1036 = arith.index_cast %add3A_1032 : i32 to index
        %get3A_1037 = arith.constant 0 : index
        %get3A_1038 = tpu.vector_load %arg6[%get3A_1035, %get3A_1036, %get3A_1037] {strides = array<i32>} : memref<2x128x64xf32, #tpu.memory_space<vmem>>, vector<16xf32>,
        %mul3A_1039 = arith.constant 8.000000e+00 : f32
        %mul3A_1040 = vector.broadcast %mul3A_1039 : f32 to vector<16xf32>
        %mul3A_1041 = arith.mulf %get3A_1038, %mul3A_1040 : vector<16xf32>
        %get3A_1042 = arith.constant 0 : i32
        %get3A_1043 = arith.index_cast %get3A_1042 : i32 to index
        %get3A_1044 = arith.index_cast %add3A_1032 : i32 to index
        %get3A_1045 = arith.constant 16 : index
        %get3A_1046 = tpu.vector_load %arg6[%get3A_1043, %get3A_1044, %get3A_1045] {strides = array<i32>} : memref<2x128x64xf32, #tpu.memory_space<vmem>>, vector<16xf32>,
        %mul3A_1047 = arith.constant 8.000000e+00 : f32
        %mul3A_1048 = vector.broadcast %mul3A_1047 : f32 to vector<16xf32>
        %mul3A_1049 = arith.mulf %get3A_1046, %mul3A_1048 : vector<16xf32>
        %get3A_1050 = arith.constant 0 : i32
        %get3A_1051 = arith.index_cast %get3A_1050 : i32 to index
        %get3A_1052 = arith.index_cast %add3A_1032 : i32 to index
        %get3A_1053 = arith.constant 32 : index
        %get3A_1054 = tpu.vector_load %arg6[%get3A_1051, %get3A_1052, %get3A_1053] {strides = array<i32>} : memref<2x128x64xf32, #tpu.memory_space<vmem>>, vector<16xf32>,
        %mul3A_1055 = arith.constant 8.000000e+00 : f32
        %mul3A_1056 = vector.broadcast %mul3A_1055 : f32 to vector<16xf32>
        %mul3A_1057 = arith.mulf %get3A_1054, %mul3A_1056 : vector<16xf32>
        %get3A_1058 = arith.constant 0 : i32
        %get3A_1059 = arith.index_cast %get3A_1058 : i32 to index
        %get3A_1060 = arith.index_cast %add3A_1032 : i32 to index
        %get3A_1061 = arith.constant 48 : index
        %get3A_1062 = tpu.vector_load %arg6[%get3A_1059, %get3A_1060, %get3A_1061] {strides = array<i32>} : memref<2x128x64xf32, #tpu.memory_space<vmem>>, vector<16xf32>,
        %mul3A_1063 = arith.constant 8.000000e+00 : f32
        %mul3A_1064 = vector.broadcast %mul3A_1063 : f32 to vector<16xf32>
        %mul3A_1065 = arith.mulf %get3A_1062, %mul3A_1064 : vector<16xf32>
        tpu.vector_store_idx %arg8[%broadcast_in_dim3A_1034, %select_n3A, %select_n3A_151, %broadcast_in_dim3A], %mul3A_1041 : memref<2x8x8x129xf32, #tpu.memory_space<vmem>>[vector<16xi32>, vector<16xi32>, vector<16xi32>, vector<16xi32>], vector<16xf32>,
        tpu.vector_store_idx %arg8[%broadcast_in_dim3A_1034, %select_n3A_60, %select_n3A_176, %broadcast_in_dim3A], %mul3A_1049 : memref<2x8x8x129xf32, #tpu.memory_space<vmem>>[vector<16xi32>, vector<16xi32>, vector<16xi32>, vector<16xi32>], vector<16xf32>,
        tpu.vector_store_idx %arg8[%broadcast_in_dim3A_1034, %select_n3A_94, %select_n3A_201, %broadcast_in_dim3A], %mul3A_1057 : memref<2x8x8x129xf32, #tpu.memory_space<vmem>>[vector<16xi32>, vector<16xi32>, vector<16xi32>, vector<16xi32>], vector<16xf32>,
        tpu.vector_store_idx %arg8[%broadcast_in_dim3A_1034, %select_n3A_128, %select_n3A_226, %broadcast_in_dim3A], %mul3A_1065 : memref<2x8x8x129xf32, #tpu.memory_space<vmem>>[vector<16xi32>, vector<16xi32>, vector<16xi32>, vector<16xi32>], vector<16xf32>,
        %broadcast_in_dim3A_1066 = arith.constant 1 : i32
        %broadcast_in_dim3A_1067 = vector.broadcast %broadcast_in_dim3A_1066 : i32 to vector<16xi32>
        %get3A_1068 = arith.constant 1 : i32
        %get3A_1069 = arith.index_cast %get3A_1068 : i32 to index
        %get3A_1070 = arith.index_cast %add3A_1032 : i32 to index
        %get3A_1071 = arith.constant 0 : index
        %get3A_1072 = tpu.vector_load %arg6[%get3A_1069, %get3A_1070, %get3A_1071] {strides = array<i32>} : memref<2x128x64xf32, #tpu.memory_space<vmem>>, vector<16xf32>,
        %mul3A_1073 = arith.constant 8.000000e+00 : f32
        %mul3A_1074 = vector.broadcast %mul3A_1073 : f32 to vector<16xf32>
        %mul3A_1075 = arith.mulf %get3A_1072, %mul3A_1074 : vector<16xf32>
        %get3A_1076 = arith.constant 1 : i32
        %get3A_1077 = arith.index_cast %get3A_1076 : i32 to index
        %get3A_1078 = arith.index_cast %add3A_1032 : i32 to index
        %get3A_1079 = arith.constant 16 : index
        %get3A_1080 = tpu.vector_load %arg6[%get3A_1077, %get3A_1078, %get3A_1079] {strides = array<i32>} : memref<2x128x64xf32, #tpu.memory_space<vmem>>, vector<16xf32>,
        %mul3A_1081 = arith.constant 8.000000e+00 : f32
        %mul3A_1082 = vector.broadcast %mul3A_1081 : f32 to vector<16xf32>
        %mul3A_1083 = arith.mulf %get3A_1080, %mul3A_1082 : vector<16xf32>
        %get3A_1084 = arith.constant 1 : i32
        %get3A_1085 = arith.index_cast %get3A_1084 : i32 to index
        %get3A_1086 = arith.index_cast %add3A_1032 : i32 to index
        %get3A_1087 = arith.constant 32 : index
        %get3A_1088 = tpu.vector_load %arg6[%get3A_1085, %get3A_1086, %get3A_1087] {strides = array<i32>} : memref<2x128x64xf32, #tpu.memory_space<vmem>>, vector<16xf32>,
        %mul3A_1089 = arith.constant 8.000000e+00 : f32
        %mul3A_1090 = vector.broadcast %mul3A_1089 : f32 to vector<16xf32>
        %mul3A_1091 = arith.mulf %get3A_1088, %mul3A_1090 : vector<16xf32>
        %get3A_1092 = arith.constant 1 : i32
        %get3A_1093 = arith.index_cast %get3A_1092 : i32 to index
        %get3A_1094 = arith.index_cast %add3A_1032 : i32 to index
        %get3A_1095 = arith.constant 48 : index
        %get3A_1096 = tpu.vector_load %arg6[%get3A_1093, %get3A_1094, %get3A_1095] {strides = array<i32>} : memref<2x128x64xf32, #tpu.memory_space<vmem>>, vector<16xf32>,
        %mul3A_1097 = arith.constant 8.000000e+00 : f32
        %mul3A_1098 = vector.broadcast %mul3A_1097 : f32 to vector<16xf32>
        %mul3A_1099 = arith.mulf %get3A_1096, %mul3A_1098 : vector<16xf32>
        tpu.vector_store_idx %arg8[%broadcast_in_dim3A_1067, %select_n3A, %select_n3A_151, %broadcast_in_dim3A], %mul3A_1075 : memref<2x8x8x129xf32, #tpu.memory_space<vmem>>[vector<16xi32>, vector<16xi32>, vector<16xi32>, vector<16xi32>], vector<16xf32>,
        tpu.vector_store_idx %arg8[%broadcast_in_dim3A_1067, %select_n3A_60, %select_n3A_176, %broadcast_in_dim3A], %mul3A_1083 : memref<2x8x8x129xf32, #tpu.memory_space<vmem>>[vector<16xi32>, vector<16xi32>, vector<16xi32>, vector<16xi32>], vector<16xf32>,
        tpu.vector_store_idx %arg8[%broadcast_in_dim3A_1067, %select_n3A_94, %select_n3A_201, %broadcast_in_dim3A], %mul3A_1091 : memref<2x8x8x129xf32, #tpu.memory_space<vmem>>[vector<16xi32>, vector<16xi32>, vector<16xi32>, vector<16xi32>], vector<16xf32>,
        tpu.vector_store_idx %arg8[%broadcast_in_dim3A_1067, %select_n3A_128, %select_n3A_226, %broadcast_in_dim3A], %mul3A_1099 : memref<2x8x8x129xf32, #tpu.memory_space<vmem>>[vector<16xi32>, vector<16xi32>, vector<16xi32>, vector<16xi32>], vector<16xf32>,
        %scan3A_1100 = arith.constant 1 : i32
        %scan3A_1101 = arith.addi %scan3A_1028, %scan3A_1100 : i32
        %mul3A_1102 = arith.constant 1 : i32
        %mul3A_1103 = arith.muli %scan3A_1101, %mul3A_1102 : i32
        %add3A_1104 = arith.constant 0 : i32
        %add3A_1105 = arith.addi %add3A_1104, %mul3A_1103 : i32
        %broadcast_in_dim3A_1106 = vector.broadcast %add3A_1105 : i32 to vector<16xi32>
        %broadcast_in_dim3A_1107 = arith.constant 0 : i32
        %broadcast_in_dim3A_1108 = vector.broadcast %broadcast_in_dim3A_1107 : i32 to vector<16xi32>
        %get3A_1109 = arith.constant 0 : i32
        %get3A_1110 = arith.index_cast %get3A_1109 : i32 to index
        %get3A_1111 = arith.index_cast %add3A_1105 : i32 to index
        %get3A_1112 = arith.constant 0 : index
        %get3A_1113 = tpu.vector_load %arg6[%get3A_1110, %get3A_1111, %get3A_1112] {strides = array<i32>} : memref<2x128x64xf32, #tpu.memory_space<vmem>>, vector<16xf32>,
        %mul3A_1114 = arith.constant 8.000000e+00 : f32
        %mul3A_1115 = vector.broadcast %mul3A_1114 : f32 to vector<16xf32>
        %mul3A_1116 = arith.mulf %get3A_1113, %mul3A_1115 : vector<16xf32>
        %get3A_1117 = arith.constant 0 : i32
        %get3A_1118 = arith.index_cast %get3A_1117 : i32 to index
        %get3A_1119 = arith.index_cast %add3A_1105 : i32 to index
        %get3A_1120 = arith.constant 16 : index
        %get3A_1121 = tpu.vector_load %arg6[%get3A_1118, %get3A_1119, %get3A_1120] {strides = array<i32>} : memref<2x128x64xf32, #tpu.memory_space<vmem>>, vector<16xf32>,
        %mul3A_1122 = arith.constant 8.000000e+00 : f32
        %mul3A_1123 = vector.broadcast %mul3A_1122 : f32 to vector<16xf32>
        %mul3A_1124 = arith.mulf %get3A_1121, %mul3A_1123 : vector<16xf32>
        %get3A_1125 = arith.constant 0 : i32
        %get3A_1126 = arith.index_cast %get3A_1125 : i32 to index
        %get3A_1127 = arith.index_cast %add3A_1105 : i32 to index
        %get3A_1128 = arith.constant 32 : index
        %get3A_1129 = tpu.vector_load %arg6[%get3A_1126, %get3A_1127, %get3A_1128] {strides = array<i32>} : memref<2x128x64xf32, #tpu.memory_space<vmem>>, vector<16xf32>,
        %mul3A_1130 = arith.constant 8.000000e+00 : f32
        %mul3A_1131 = vector.broadcast %mul3A_1130 : f32 to vector<16xf32>
        %mul3A_1132 = arith.mulf %get3A_1129, %mul3A_1131 : vector<16xf32>
        %get3A_1133 = arith.constant 0 : i32
        %get3A_1134 = arith.index_cast %get3A_1133 : i32 to index
        %get3A_1135 = arith.index_cast %add3A_1105 : i32 to index
        %get3A_1136 = arith.constant 48 : index
        %get3A_1137 = tpu.vector_load %arg6[%get3A_1134, %get3A_1135, %get3A_1136] {strides = array<i32>} : memref<2x128x64xf32, #tpu.memory_space<vmem>>, vector<16xf32>,
        %mul3A_1138 = arith.constant 8.000000e+00 : f32
        %mul3A_1139 = vector.broadcast %mul3A_1138 : f32 to vector<16xf32>
        %mul3A_1140 = arith.mulf %get3A_1137, %mul3A_1139 : vector<16xf32>
        tpu.vector_store_idx %arg8[%broadcast_in_dim3A_1108, %select_n3A, %select_n3A_151, %broadcast_in_dim3A_1106], %mul3A_1116 : memref<2x8x8x129xf32, #tpu.memory_space<vmem>>[vector<16xi32>, vector<16xi32>, vector<16xi32>, vector<16xi32>], vector<16xf32>,
        tpu.vector_store_idx %arg8[%broadcast_in_dim3A_1108, %select_n3A_60, %select_n3A_176, %broadcast_in_dim3A_1106], %mul3A_1124 : memref<2x8x8x129xf32, #tpu.memory_space<vmem>>[vector<16xi32>, vector<16xi32>, vector<16xi32>, vector<16xi32>], vector<16xf32>,
        tpu.vector_store_idx %arg8[%broadcast_in_dim3A_1108, %select_n3A_94, %select_n3A_201, %broadcast_in_dim3A_1106], %mul3A_1132 : memref<2x8x8x129xf32, #tpu.memory_space<vmem>>[vector<16xi32>, vector<16xi32>, vector<16xi32>, vector<16xi32>], vector<16xf32>,
        tpu.vector_store_idx %arg8[%broadcast_in_dim3A_1108, %select_n3A_128, %select_n3A_226, %broadcast_in_dim3A_1106], %mul3A_1140 : memref<2x8x8x129xf32, #tpu.memory_space<vmem>>[vector<16xi32>, vector<16xi32>, vector<16xi32>, vector<16xi32>], vector<16xf32>,
        %broadcast_in_dim3A_1141 = arith.constant 1 : i32
        %broadcast_in_dim3A_1142 = vector.broadcast %broadcast_in_dim3A_1141 : i32 to vector<16xi32>
        %get3A_1143 = arith.constant 1 : i32
        %get3A_1144 = arith.index_cast %get3A_1143 : i32 to index
        %get3A_1145 = arith.index_cast %add3A_1105 : i32 to index
        %get3A_1146 = arith.constant 0 : index
        %get3A_1147 = tpu.vector_load %arg6[%get3A_1144, %get3A_1145, %get3A_1146] {strides = array<i32>} : memref<2x128x64xf32, #tpu.memory_space<vmem>>, vector<16xf32>,
        %mul3A_1148 = arith.constant 8.000000e+00 : f32
        %mul3A_1149 = vector.broadcast %mul3A_1148 : f32 to vector<16xf32>
        %mul3A_1150 = arith.mulf %get3A_1147, %mul3A_1149 : vector<16xf32>
        %get3A_1151 = arith.constant 1 : i32
        %get3A_1152 = arith.index_cast %get3A_1151 : i32 to index
        %get3A_1153 = arith.index_cast %add3A_1105 : i32 to index
        %get3A_1154 = arith.constant 16 : index
        %get3A_1155 = tpu.vector_load %arg6[%get3A_1152, %get3A_1153, %get3A_1154] {strides = array<i32>} : memref<2x128x64xf32, #tpu.memory_space<vmem>>, vector<16xf32>,
        %mul3A_1156 = arith.constant 8.000000e+00 : f32
        %mul3A_1157 = vector.broadcast %mul3A_1156 : f32 to vector<16xf32>
        %mul3A_1158 = arith.mulf %get3A_1155, %mul3A_1157 : vector<16xf32>
        %get3A_1159 = arith.constant 1 : i32
        %get3A_1160 = arith.index_cast %get3A_1159 : i32 to index
        %get3A_1161 = arith.index_cast %add3A_1105 : i32 to index
        %get3A_1162 = arith.constant 32 : index
        %get3A_1163 = tpu.vector_load %arg6[%get3A_1160, %get3A_1161, %get3A_1162] {strides = array<i32>} : memref<2x128x64xf32, #tpu.memory_space<vmem>>, vector<16xf32>,
        %mul3A_1164 = arith.constant 8.000000e+00 : f32
        %mul3A_1165 = vector.broadcast %mul3A_1164 : f32 to vector<16xf32>
        %mul3A_1166 = arith.mulf %get3A_1163, %mul3A_1165 : vector<16xf32>
        %get3A_1167 = arith.constant 1 : i32
        %get3A_1168 = arith.index_cast %get3A_1167 : i32 to index
        %get3A_1169 = arith.index_cast %add3A_1105 : i32 to index
        %get3A_1170 = arith.constant 48 : index
        %get3A_1171 = tpu.vector_load %arg6[%get3A_1168, %get3A_1169, %get3A_1170] {strides = array<i32>} : memref<2x128x64xf32, #tpu.memory_space<vmem>>, vector<16xf32>,
        %mul3A_1172 = arith.constant 8.000000e+00 : f32
        %mul3A_1173 = vector.broadcast %mul3A_1172 : f32 to vector<16xf32>
        %mul3A_1174 = arith.mulf %get3A_1171, %mul3A_1173 : vector<16xf32>
        tpu.vector_store_idx %arg8[%broadcast_in_dim3A_1142, %select_n3A, %select_n3A_151, %broadcast_in_dim3A_1106], %mul3A_1150 : memref<2x8x8x129xf32, #tpu.memory_space<vmem>>[vector<16xi32>, vector<16xi32>, vector<16xi32>, vector<16xi32>], vector<16xf32>,
        tpu.vector_store_idx %arg8[%broadcast_in_dim3A_1142, %select_n3A_60, %select_n3A_176, %broadcast_in_dim3A_1106], %mul3A_1158 : memref<2x8x8x129xf32, #tpu.memory_space<vmem>>[vector<16xi32>, vector<16xi32>, vector<16xi32>, vector<16xi32>], vector<16xf32>,
        tpu.vector_store_idx %arg8[%broadcast_in_dim3A_1142, %select_n3A_94, %select_n3A_201, %broadcast_in_dim3A_1106], %mul3A_1166 : memref<2x8x8x129xf32, #tpu.memory_space<vmem>>[vector<16xi32>, vector<16xi32>, vector<16xi32>, vector<16xi32>], vector<16xf32>,
        tpu.vector_store_idx %arg8[%broadcast_in_dim3A_1142, %select_n3A_128, %select_n3A_226, %broadcast_in_dim3A_1106], %mul3A_1174 : memref<2x8x8x129xf32, #tpu.memory_space<vmem>>[vector<16xi32>, vector<16xi32>, vector<16xi32>, vector<16xi32>], vector<16xf32>,
      }
      %scan3A_813 = arith.constant 128 : i32
      %mul3A_814 = arith.constant 2 : i32
      %mul3A_815 = arith.muli %add3A_645, %mul3A_814 : i32
      %dma_start3A_816 = arith.constant 0 : i32
      %dma_start3A_817 = arith.constant 0 : i32
      %dma_start3A_818 = arith.constant 0 : i32
      %dma_start3A_819 = arith.constant 0 : i32
      %dma_start3A_820 = tpu.memref_slice %arg8[%dma_start3A_816, %dma_start3A_817, %dma_start3A_818, %dma_start3A_819] : memref<2x8x8x129xf32, #tpu.memory_space<vmem>> -> memref<2x8x8x128xf32, #tpu.memory_space<vmem>>
      %dma_start3A_821 = arith.constant 0 : i32
      %dma_start3A_822 = arith.constant 0 : i32
      %dma_start3A_823 = arith.constant 0 : i32
      %dma_start3A_824 = tpu.memref_slice %arg4[%mul3A_815, %dma_start3A_821, %add3A, %dma_start3A_822, %dma_start3A_823] : memref<200x8x32x8x128xf32, #tpu.memory_space<hbm>> -> memref<2x8x1x8x128xf32, #tpu.memory_space<hbm>>
      %dma_start3A_825 = tpu.memref_squeeze %dma_start3A_824 : memref<2x8x1x8x128xf32, #tpu.memory_space<hbm>> -> memref<2x8x8x128xf32, #tpu.memory_space<hbm>>
      %dma_start3A_826 = arith.constant 0 : i32
      %dma_start3A_827 = arith.constant 0 : i32
      %dma_start3A_828 = arith.constant 0 : i32
      %dma_start3A_829 = tpu.memref_slice %arg4[%mul3A_815, %dma_start3A_826, %add3A, %dma_start3A_827, %dma_start3A_828] : memref<200x8x32x8x128xf32, #tpu.memory_space<hbm>> -> memref<2x8x1x8x128xf32, #tpu.memory_space<hbm>>
      %dma_start3A_830 = tpu.memref_squeeze %dma_start3A_829 : memref<2x8x1x8x128xf32, #tpu.memory_space<hbm>> -> memref<2x8x8x128xf32, #tpu.memory_space<hbm>>
      %dma_start3A_831 = arith.constant 0 : i32
      %dma_start3A_832 = arith.constant 0 : i32
      %dma_start3A_833 = arith.constant 0 : i32
      %dma_start3A_834 = arith.constant 0 : i32
      %dma_start3A_835 = tpu.memref_slice %arg8[%dma_start3A_831, %dma_start3A_832, %dma_start3A_833, %dma_start3A_834] : memref<2x8x8x129xf32, #tpu.memory_space<vmem>> -> memref<2x8x8x128xf32, #tpu.memory_space<vmem>>
      tpu.enqueue_dma source(%dma_start3A_835 : memref<2x8x8x128xf32, #tpu.memory_space<vmem>>) target(%dma_start3A_830 : memref<2x8x8x128xf32, #tpu.memory_space<hbm>>) target_semaphore(%arg12 : memref<!tpu.dma_semaphore, #tpu.memory_space<semaphore_mem>>)
      %add3A_836 = arith.constant 1 : i32
      %add3A_837 = arith.addi %mul3A_643, %add3A_836 : i32
      %dma_wait3A_838 = arith.constant 0 : i32
      %dma_wait3A_839 = arith.constant 0 : i32
      %dma_wait3A_840 = arith.constant 0 : i32
      %dma_wait3A_841 = arith.constant 0 : i32
      %dma_wait3A_842 = arith.constant 0 : i32
      %dma_wait3A_843 = tpu.memref_slice %arg8[%dma_wait3A_839, %dma_wait3A_840, %dma_wait3A_841, %dma_wait3A_842] : memref<2x8x8x129xf32, #tpu.memory_space<vmem>> -> memref<2x8x8x128xf32, #tpu.memory_space<vmem>>
      %dma_wait3A_844 = arith.constant 0 : i32
      %dma_wait3A_845 = arith.constant 0 : i32
      %dma_wait3A_846 = arith.constant 0 : i32
      %dma_wait3A_847 = arith.constant 0 : i32
      %dma_wait3A_848 = tpu.memref_slice %arg4[%dma_wait3A_844, %dma_wait3A_845, %dma_wait3A_838, %dma_wait3A_846, %dma_wait3A_847] : memref<200x8x32x8x128xf32, #tpu.memory_space<hbm>> -> memref<2x8x1x8x128xf32, #tpu.memory_space<hbm>>
      %dma_wait3A_849 = tpu.memref_squeeze %dma_wait3A_848 : memref<2x8x1x8x128xf32, #tpu.memory_space<hbm>> -> memref<2x8x8x128xf32, #tpu.memory_space<hbm>>
      %dma_wait3A_850 = arith.constant 0 : i32
      %dma_wait3A_851 = arith.constant 0 : i32
      %dma_wait3A_852 = arith.constant 0 : i32
      %dma_wait3A_853 = arith.constant 0 : i32
      %dma_wait3A_854 = tpu.memref_slice %arg4[%dma_wait3A_850, %dma_wait3A_851, %dma_wait3A_838, %dma_wait3A_852, %dma_wait3A_853] : memref<200x8x32x8x128xf32, #tpu.memory_space<hbm>> -> memref<2x8x1x8x128xf32, #tpu.memory_space<hbm>>
      %dma_wait3A_855 = tpu.memref_squeeze %dma_wait3A_854 : memref<2x8x1x8x128xf32, #tpu.memory_space<hbm>> -> memref<2x8x8x128xf32, #tpu.memory_space<hbm>>
      %dma_wait3A_856 = arith.constant 0 : i32
      %dma_wait3A_857 = arith.constant 0 : i32
      %dma_wait3A_858 = arith.constant 0 : i32
      %dma_wait3A_859 = arith.constant 0 : i32
      %dma_wait3A_860 = tpu.memref_slice %arg8[%dma_wait3A_856, %dma_wait3A_857, %dma_wait3A_858, %dma_wait3A_859] : memref<2x8x8x129xf32, #tpu.memory_space<vmem>> -> memref<2x8x8x128xf32, #tpu.memory_space<vmem>>
      tpu.wait_dma2 semaphore(%arg12 : memref<!tpu.dma_semaphore, #tpu.memory_space<semaphore_mem>>) src(%dma_wait3A_860 : memref<2x8x8x128xf32, #tpu.memory_space<vmem>>) dst(%dma_wait3A_855 : memref<2x8x8x128xf32, #tpu.memory_space<hbm>>)
      %add3A_861 = arith.constant 2 : i32
      %add3A_862 = arith.addi %add3A_837, %add3A_861 : i32
      %sub3A_863 = arith.constant 1 : i32
      %sub3A_864 = arith.subi %add3A_862, %sub3A_863 : i32
      %mul3A_865 = arith.constant 2 : i32
      %mul3A_866 = arith.muli %sub3A_864, %mul3A_865 : i32
      %add3A_867 = arith.constant 0 : i32
      %add3A_868 = arith.addi %mul3A_866, %add3A_867 : i32
      %jit3A_869 = arith.constant 8 : i32
      %div3A_870 = arith.divsi %add3A_868, %jit3A_869 : i32
      %sign3A_871 = arith.constant 0 : i32
      %sign3A_872 = arith.cmpi sgt, %add3A_868, %sign3A_871 : i32
      %sign3A_873 = arith.extui %sign3A_872 : i1 to i32
      %sign3A_874 = arith.constant 0 : i32
      %sign3A_875 = arith.cmpi slt, %add3A_868, %sign3A_874 : i32
      %sign3A_876 = arith.extui %sign3A_875 : i1 to i32
      %sign3A_877 = arith.subi %sign3A_873, %sign3A_876 : i32
      %sign3A_878 = arith.constant 0 : i32
      %sign3A_879 = arith.cmpi sgt, %jit3A_869, %sign3A_878 : i32
      %sign3A_880 = arith.extui %sign3A_879 : i1 to i32
      %sign3A_881 = arith.constant 0 : i32
      %sign3A_882 = arith.cmpi slt, %jit3A_869, %sign3A_881 : i32
      %sign3A_883 = arith.extui %sign3A_882 : i1 to i32
      %sign3A_884 = arith.subi %sign3A_880, %sign3A_883 : i32
      %ne3A_885 = arith.cmpi ne, %sign3A_877, %sign3A_884 : i32
      %rem3A_886 = arith.remsi %add3A_868, %jit3A_869 : i32
      %ne3A_887 = arith.constant 0 : i32
      %ne3A_888 = arith.cmpi ne, %rem3A_886, %ne3A_887 : i32
      %and3A_889 = arith.andi %ne3A_885, %ne3A_888 : i1
      %sub3A_890 = arith.constant 1 : i32
      %sub3A_891 = arith.subi %div3A_870, %sub3A_890 : i32
      %select_n3A_892 = arith.select %and3A_889, %sub3A_891, %div3A_870 : i32
      %jit3A_893 = arith.constant 8 : i32
      %eq3A_894 = arith.constant 0 : i32
      %eq3A_895 = arith.cmpi eq, %jit3A_893, %eq3A_894 : i32
      %jit3A_896 = arith.constant 1 : i32
      %select_n3A_897 = arith.select %eq3A_895, %jit3A_896, %jit3A_893 : i32
      %rem3A_898 = arith.remsi %add3A_868, %select_n3A_897 : i32
      %ne3A_899 = arith.constant 0 : i32
      %ne3A_900 = arith.cmpi ne, %rem3A_898, %ne3A_899 : i32
      %lt3A_901 = arith.constant 0 : i32
      %lt3A_902 = arith.cmpi slt, %rem3A_898, %lt3A_901 : i32
      %lt3A_903 = arith.constant 0 : i32
      %lt3A_904 = arith.cmpi slt, %select_n3A_897, %lt3A_903 : i32
      %ne3A_905 = arith.xori %lt3A_902, %lt3A_904 : i1
      %and3A_906 = arith.andi %ne3A_905, %ne3A_900 : i1
      %add3A_907 = arith.addi %rem3A_898, %select_n3A_897 : i32
      %select_n3A_908 = arith.select %and3A_906, %add3A_907, %rem3A_898 : i32
      %dma_start3A_909 = arith.constant 0 : i32
      %dma_start3A_910 = arith.constant 0 : i32
      %dma_start3A_911 = arith.constant 0 : i32
      %dma_start3A_912 = tpu.memref_slice %arg6[%dma_start3A_909, %dma_start3A_910, %dma_start3A_911] : memref<2x128x64xf32, #tpu.memory_space<vmem>> -> memref<1x128x64xf32, #tpu.memory_space<vmem>>
      %dma_start3A_913 = tpu.memref_squeeze %dma_start3A_912 : memref<1x128x64xf32, #tpu.memory_space<vmem>> -> memref<128x64xf32, #tpu.memory_space<vmem>>
      %dma_start3A_914 = arith.constant 0 : i32
      %dma_start3A_915 = tpu.memref_slice %arg5[%select_n3A_892, %select_n3A_908, %dma_start3A_914] : memref<25x8x128xi32, #tpu.memory_space<vmem>> -> memref<1x1x128xi32, #tpu.memory_space<vmem>>
      %dma_start3A_916 = tpu.memref_squeeze %dma_start3A_915 : memref<1x1x128xi32, #tpu.memory_space<vmem>> -> memref<128xi32, #tpu.memory_space<vmem>>
      %dma_start3A_917 = arith.constant 0 : i32
      %dma_start3A_918 = arith.constant 0 : i32
      %dma_start3A_919 = tpu.memref_slice %arg3[%dma_start3A_917, %dma_start3A_918] : memref<1000000x64xf32, #tpu.memory_space<hbm>> -> memref<1000000x64xf32, #tpu.memory_space<hbm>>
      tpu.enqueue_indirect_dma source(%dma_start3A_919 : memref<1000000x64xf32, #tpu.memory_space<hbm>>) target(%dma_start3A_913 : memref<128x64xf32, #tpu.memory_space<vmem>>) offsets(%dma_start3A_916 : memref<128xi32, #tpu.memory_space<vmem>>) semaphore(%arg10 : memref<!tpu.dma_semaphore, #tpu.memory_space<semaphore_mem>>)
      %mul3A_920 = arith.constant 2 : i32
      %mul3A_921 = arith.muli %sub3A_864, %mul3A_920 : i32
      %add3A_922 = arith.constant 1 : i32
      %add3A_923 = arith.addi %mul3A_921, %add3A_922 : i32
      %jit3A_924 = arith.constant 8 : i32
      %div3A_925 = arith.divsi %add3A_923, %jit3A_924 : i32
      %sign3A_926 = arith.constant 0 : i32
      %sign3A_927 = arith.cmpi sgt, %add3A_923, %sign3A_926 : i32
      %sign3A_928 = arith.extui %sign3A_927 : i1 to i32
      %sign3A_929 = arith.constant 0 : i32
      %sign3A_930 = arith.cmpi slt, %add3A_923, %sign3A_929 : i32
      %sign3A_931 = arith.extui %sign3A_930 : i1 to i32
      %sign3A_932 = arith.subi %sign3A_928, %sign3A_931 : i32
      %sign3A_933 = arith.constant 0 : i32
      %sign3A_934 = arith.cmpi sgt, %jit3A_924, %sign3A_933 : i32
      %sign3A_935 = arith.extui %sign3A_934 : i1 to i32
      %sign3A_936 = arith.constant 0 : i32
      %sign3A_937 = arith.cmpi slt, %jit3A_924, %sign3A_936 : i32
      %sign3A_938 = arith.extui %sign3A_937 : i1 to i32
      %sign3A_939 = arith.subi %sign3A_935, %sign3A_938 : i32
      %ne3A_940 = arith.cmpi ne, %sign3A_932, %sign3A_939 : i32
      %rem3A_941 = arith.remsi %add3A_923, %jit3A_924 : i32
      %ne3A_942 = arith.constant 0 : i32
      %ne3A_943 = arith.cmpi ne, %rem3A_941, %ne3A_942 : i32
      %and3A_944 = arith.andi %ne3A_940, %ne3A_943 : i1
      %sub3A_945 = arith.constant 1 : i32
      %sub3A_946 = arith.subi %div3A_925, %sub3A_945 : i32
      %select_n3A_947 = arith.select %and3A_944, %sub3A_946, %div3A_925 : i32
      %jit3A_948 = arith.constant 8 : i32
      %eq3A_949 = arith.constant 0 : i32
      %eq3A_950 = arith.cmpi eq, %jit3A_948, %eq3A_949 : i32
      %jit3A_951 = arith.constant 1 : i32
      %select_n3A_952 = arith.select %eq3A_950, %jit3A_951, %jit3A_948 : i32
      %rem3A_953 = arith.remsi %add3A_923, %select_n3A_952 : i32
      %ne3A_954 = arith.constant 0 : i32
      %ne3A_955 = arith.cmpi ne, %rem3A_953, %ne3A_954 : i32
      %lt3A_956 = arith.constant 0 : i32
      %lt3A_957 = arith.cmpi slt, %rem3A_953, %lt3A_956 : i32
      %lt3A_958 = arith.constant 0 : i32
      %lt3A_959 = arith.cmpi slt, %select_n3A_952, %lt3A_958 : i32
      %ne3A_960 = arith.xori %lt3A_957, %lt3A_959 : i1
      %and3A_961 = arith.andi %ne3A_960, %ne3A_955 : i1
      %add3A_962 = arith.addi %rem3A_953, %select_n3A_952 : i32
      %select_n3A_963 = arith.select %and3A_961, %add3A_962, %rem3A_953 : i32
      %dma_start3A_964 = arith.constant 1 : i32
      %dma_start3A_965 = arith.constant 0 : i32
      %dma_start3A_966 = arith.constant 0 : i32
      %dma_start3A_967 = tpu.memref_slice %arg6[%dma_start3A_964, %dma_start3A_965, %dma_start3A_966] : memref<2x128x64xf32, #tpu.memory_space<vmem>> -> memref<1x128x64xf32, #tpu.memory_space<vmem>>
      %dma_start3A_968 = tpu.memref_squeeze %dma_start3A_967 : memref<1x128x64xf32, #tpu.memory_space<vmem>> -> memref<128x64xf32, #tpu.memory_space<vmem>>
      %dma_start3A_969 = arith.constant 0 : i32
      %dma_start3A_970 = tpu.memref_slice %arg5[%select_n3A_947, %select_n3A_963, %dma_start3A_969] : memref<25x8x128xi32, #tpu.memory_space<vmem>> -> memref<1x1x128xi32, #tpu.memory_space<vmem>>
      %dma_start3A_971 = tpu.memref_squeeze %dma_start3A_970 : memref<1x1x128xi32, #tpu.memory_space<vmem>> -> memref<128xi32, #tpu.memory_space<vmem>>
      %dma_start3A_972 = arith.constant 0 : i32
      %dma_start3A_973 = arith.constant 0 : i32
      %dma_start3A_974 = tpu.memref_slice %arg3[%dma_start3A_972, %dma_start3A_973] : memref<1000000x64xf32, #tpu.memory_space<hbm>> -> memref<1000000x64xf32, #tpu.memory_space<hbm>>
      tpu.enqueue_indirect_dma source(%dma_start3A_974 : memref<1000000x64xf32, #tpu.memory_space<hbm>>) target(%dma_start3A_968 : memref<128x64xf32, #tpu.memory_space<vmem>>) offsets(%dma_start3A_971 : memref<128xi32, #tpu.memory_space<vmem>>) semaphore(%arg10 : memref<!tpu.dma_semaphore, #tpu.memory_space<semaphore_mem>>)
      %dma_wait3A_975 = arith.constant 0 : i32
      %dma_wait3A_976 = arith.constant 0 : i32
      %dma_wait3A_977 = arith.constant 0 : i32
      %dma_wait3A_978 = arith.constant 0 : i32
      %dma_wait3A_979 = arith.constant 0 : i32
      %dma_wait3A_980 = tpu.memref_slice %arg7[%dma_wait3A_977, %dma_wait3A_978, %dma_wait3A_979] : memref<2x128x64xf32, #tpu.memory_space<vmem>> -> memref<1x128x64xf32, #tpu.memory_space<vmem>>
      %dma_wait3A_981 = tpu.memref_squeeze %dma_wait3A_980 : memref<1x128x64xf32, #tpu.memory_space<vmem>> -> memref<128x64xf32, #tpu.memory_space<vmem>>
      %dma_wait3A_982 = arith.constant 0 : i32
      %dma_wait3A_983 = tpu.memref_slice %arg5[%dma_wait3A_975, %dma_wait3A_976, %dma_wait3A_982] : memref<25x8x128xi32, #tpu.memory_space<vmem>> -> memref<1x1x128xi32, #tpu.memory_space<vmem>>
      %dma_wait3A_984 = tpu.memref_squeeze %dma_wait3A_983 : memref<1x1x128xi32, #tpu.memory_space<vmem>> -> memref<128xi32, #tpu.memory_space<vmem>>
      %dma_wait3A_985 = arith.constant 0 : i32
      %dma_wait3A_986 = arith.constant 0 : i32
      %dma_wait3A_987 = tpu.memref_slice %arg3[%dma_wait3A_985, %dma_wait3A_986] : memref<1000000x64xf32, #tpu.memory_space<hbm>> -> memref<1000000x64xf32, #tpu.memory_space<hbm>>
      tpu.wait_indirect_dma semaphore(%arg11 : memref<!tpu.dma_semaphore, #tpu.memory_space<semaphore_mem>>) src(%dma_wait3A_987 : memref<1000000x64xf32, #tpu.memory_space<hbm>>) dst(%dma_wait3A_981 : memref<128x64xf32, #tpu.memory_space<vmem>>)
      %dma_wait3A_988 = arith.constant 0 : i32
      %dma_wait3A_989 = arith.constant 0 : i32
      %dma_wait3A_990 = arith.constant 1 : i32
      %dma_wait3A_991 = arith.constant 0 : i32
      %dma_wait3A_992 = arith.constant 0 : i32
      %dma_wait3A_993 = tpu.memref_slice %arg7[%dma_wait3A_990, %dma_wait3A_991, %dma_wait3A_992] : memref<2x128x64xf32, #tpu.memory_space<vmem>> -> memref<1x128x64xf32, #tpu.memory_space<vmem>>
      %dma_wait3A_994 = tpu.memref_squeeze %dma_wait3A_993 : memref<1x128x64xf32, #tpu.memory_space<vmem>> -> memref<128x64xf32, #tpu.memory_space<vmem>>
      %dma_wait3A_995 = arith.constant 0 : i32
      %dma_wait3A_996 = tpu.memref_slice %arg5[%dma_wait3A_988, %dma_wait3A_989, %dma_wait3A_995] : memref<25x8x128xi32, #tpu.memory_space<vmem>> -> memref<1x1x128xi32, #tpu.memory_space<vmem>>
      %dma_wait3A_997 = tpu.memref_squeeze %dma_wait3A_996 : memref<1x1x128xi32, #tpu.memory_space<vmem>> -> memref<128xi32, #tpu.memory_space<vmem>>
      %dma_wait3A_998 = arith.constant 0 : i32
      %dma_wait3A_999 = arith.constant 0 : i32
      %dma_wait3A_1000 = tpu.memref_slice %arg3[%dma_wait3A_998, %dma_wait3A_999] : memref<1000000x64xf32, #tpu.memory_space<hbm>> -> memref<1000000x64xf32, #tpu.memory_space<hbm>>
      tpu.wait_indirect_dma semaphore(%arg11 : memref<!tpu.dma_semaphore, #tpu.memory_space<semaphore_mem>>) src(%dma_wait3A_1000 : memref<1000000x64xf32, #tpu.memory_space<hbm>>) dst(%dma_wait3A_994 : memref<128x64xf32, #tpu.memory_space<vmem>>)
      %scan3A_1001 = arith.constant 0 : i32
      %scan3A_1002 = arith.constant 128 : i32
      %scan3A_1003 = arith.addi %scan3A_1001, %scan3A_1002 : i32
      %scan3A_1004 = arith.constant 2 : i32
      scf.for %scan3A_1028 = %scan3A_1001 to %scan3A_1003 step %scan3A_1004  : i32 {
        %mul3A_1029 = arith.constant 1 : i32
        %mul3A_1030 = arith.muli %scan3A_1028, %mul3A_1029 : i32
        %add3A_1031 = arith.constant 0 : i32
        %add3A_1032 = arith.addi %add3A_1031, %mul3A_1030 : i32
        %broadcast_in_dim3A = vector.broadcast %add3A_1032 : i32 to vector<16xi32>
        %broadcast_in_dim3A_1033 = arith.constant 0 : i32
        %broadcast_in_dim3A_1034 = vector.broadcast %broadcast_in_dim3A_1033 : i32 to vector<16xi32>
        %get3A = arith.constant 0 : i32
        %get3A_1035 = arith.index_cast %get3A : i32 to index
        %get3A_1036 = arith.index_cast %add3A_1032 : i32 to index
        %get3A_1037 = arith.constant 0 : index
        %get3A_1038 = tpu.vector_load %arg7[%get3A_1035, %get3A_1036, %get3A_1037] {strides = array<i32>} : memref<2x128x64xf32, #tpu.memory_space<vmem>>, vector<16xf32>,
        %mul3A_1039 = arith.constant 8.000000e+00 : f32
        %mul3A_1040 = vector.broadcast %mul3A_1039 : f32 to vector<16xf32>
        %mul3A_1041 = arith.mulf %get3A_1038, %mul3A_1040 : vector<16xf32>
        %get3A_1042 = arith.constant 0 : i32
        %get3A_1043 = arith.index_cast %get3A_1042 : i32 to index
        %get3A_1044 = arith.index_cast %add3A_1032 : i32 to index
        %get3A_1045 = arith.constant 16 : index
        %get3A_1046 = tpu.vector_load %arg7[%get3A_1043, %get3A_1044, %get3A_1045] {strides = array<i32>} : memref<2x128x64xf32, #tpu.memory_space<vmem>>, vector<16xf32>,
        %mul3A_1047 = arith.constant 8.000000e+00 : f32
        %mul3A_1048 = vector.broadcast %mul3A_1047 : f32 to vector<16xf32>
        %mul3A_1049 = arith.mulf %get3A_1046, %mul3A_1048 : vector<16xf32>
        %get3A_1050 = arith.constant 0 : i32
        %get3A_1051 = arith.index_cast %get3A_1050 : i32 to index
        %get3A_1052 = arith.index_cast %add3A_1032 : i32 to index
        %get3A_1053 = arith.constant 32 : index
        %get3A_1054 = tpu.vector_load %arg7[%get3A_1051, %get3A_1052, %get3A_1053] {strides = array<i32>} : memref<2x128x64xf32, #tpu.memory_space<vmem>>, vector<16xf32>,
        %mul3A_1055 = arith.constant 8.000000e+00 : f32
        %mul3A_1056 = vector.broadcast %mul3A_1055 : f32 to vector<16xf32>
        %mul3A_1057 = arith.mulf %get3A_1054, %mul3A_1056 : vector<16xf32>
        %get3A_1058 = arith.constant 0 : i32
        %get3A_1059 = arith.index_cast %get3A_1058 : i32 to index
        %get3A_1060 = arith.index_cast %add3A_1032 : i32 to index
        %get3A_1061 = arith.constant 48 : index
        %get3A_1062 = tpu.vector_load %arg7[%get3A_1059, %get3A_1060, %get3A_1061] {strides = array<i32>} : memref<2x128x64xf32, #tpu.memory_space<vmem>>, vector<16xf32>,
        %mul3A_1063 = arith.constant 8.000000e+00 : f32
        %mul3A_1064 = vector.broadcast %mul3A_1063 : f32 to vector<16xf32>
        %mul3A_1065 = arith.mulf %get3A_1062, %mul3A_1064 : vector<16xf32>
        tpu.vector_store_idx %arg9[%broadcast_in_dim3A_1034, %select_n3A, %select_n3A_151, %broadcast_in_dim3A], %mul3A_1041 : memref<2x8x8x129xf32, #tpu.memory_space<vmem>>[vector<16xi32>, vector<16xi32>, vector<16xi32>, vector<16xi32>], vector<16xf32>,
        tpu.vector_store_idx %arg9[%broadcast_in_dim3A_1034, %select_n3A_60, %select_n3A_176, %broadcast_in_dim3A], %mul3A_1049 : memref<2x8x8x129xf32, #tpu.memory_space<vmem>>[vector<16xi32>, vector<16xi32>, vector<16xi32>, vector<16xi32>], vector<16xf32>,
        tpu.vector_store_idx %arg9[%broadcast_in_dim3A_1034, %select_n3A_94, %select_n3A_201, %broadcast_in_dim3A], %mul3A_1057 : memref<2x8x8x129xf32, #tpu.memory_space<vmem>>[vector<16xi32>, vector<16xi32>, vector<16xi32>, vector<16xi32>], vector<16xf32>,
        tpu.vector_store_idx %arg9[%broadcast_in_dim3A_1034, %select_n3A_128, %select_n3A_226, %broadcast_in_dim3A], %mul3A_1065 : memref<2x8x8x129xf32, #tpu.memory_space<vmem>>[vector<16xi32>, vector<16xi32>, vector<16xi32>, vector<16xi32>], vector<16xf32>,
        %broadcast_in_dim3A_1066 = arith.constant 1 : i32
        %broadcast_in_dim3A_1067 = vector.broadcast %broadcast_in_dim3A_1066 : i32 to vector<16xi32>
        %get3A_1068 = arith.constant 1 : i32
        %get3A_1069 = arith.index_cast %get3A_1068 : i32 to index
        %get3A_1070 = arith.index_cast %add3A_1032 : i32 to index
        %get3A_1071 = arith.constant 0 : index
        %get3A_1072 = tpu.vector_load %arg7[%get3A_1069, %get3A_1070, %get3A_1071] {strides = array<i32>} : memref<2x128x64xf32, #tpu.memory_space<vmem>>, vector<16xf32>,
        %mul3A_1073 = arith.constant 8.000000e+00 : f32
        %mul3A_1074 = vector.broadcast %mul3A_1073 : f32 to vector<16xf32>
        %mul3A_1075 = arith.mulf %get3A_1072, %mul3A_1074 : vector<16xf32>
        %get3A_1076 = arith.constant 1 : i32
        %get3A_1077 = arith.index_cast %get3A_1076 : i32 to index
        %get3A_1078 = arith.index_cast %add3A_1032 : i32 to index
        %get3A_1079 = arith.constant 16 : index
        %get3A_1080 = tpu.vector_load %arg7[%get3A_1077, %get3A_1078, %get3A_1079] {strides = array<i32>} : memref<2x128x64xf32, #tpu.memory_space<vmem>>, vector<16xf32>,
        %mul3A_1081 = arith.constant 8.000000e+00 : f32
        %mul3A_1082 = vector.broadcast %mul3A_1081 : f32 to vector<16xf32>
        %mul3A_1083 = arith.mulf %get3A_1080, %mul3A_1082 : vector<16xf32>
        %get3A_1084 = arith.constant 1 : i32
        %get3A_1085 = arith.index_cast %get3A_1084 : i32 to index
        %get3A_1086 = arith.index_cast %add3A_1032 : i32 to index
        %get3A_1087 = arith.constant 32 : index
        %get3A_1088 = tpu.vector_load %arg7[%get3A_1085, %get3A_1086, %get3A_1087] {strides = array<i32>} : memref<2x128x64xf32, #tpu.memory_space<vmem>>, vector<16xf32>,
        %mul3A_1089 = arith.constant 8.000000e+00 : f32
        %mul3A_1090 = vector.broadcast %mul3A_1089 : f32 to vector<16xf32>
        %mul3A_1091 = arith.mulf %get3A_1088, %mul3A_1090 : vector<16xf32>
        %get3A_1092 = arith.constant 1 : i32
        %get3A_1093 = arith.index_cast %get3A_1092 : i32 to index
        %get3A_1094 = arith.index_cast %add3A_1032 : i32 to index
        %get3A_1095 = arith.constant 48 : index
        %get3A_1096 = tpu.vector_load %arg7[%get3A_1093, %get3A_1094, %get3A_1095] {strides = array<i32>} : memref<2x128x64xf32, #tpu.memory_space<vmem>>, vector<16xf32>,
        %mul3A_1097 = arith.constant 8.000000e+00 : f32
        %mul3A_1098 = vector.broadcast %mul3A_1097 : f32 to vector<16xf32>
        %mul3A_1099 = arith.mulf %get3A_1096, %mul3A_1098 : vector<16xf32>
        tpu.vector_store_idx %arg9[%broadcast_in_dim3A_1067, %select_n3A, %select_n3A_151, %broadcast_in_dim3A], %mul3A_1075 : memref<2x8x8x129xf32, #tpu.memory_space<vmem>>[vector<16xi32>, vector<16xi32>, vector<16xi32>, vector<16xi32>], vector<16xf32>,
        tpu.vector_store_idx %arg9[%broadcast_in_dim3A_1067, %select_n3A_60, %select_n3A_176, %broadcast_in_dim3A], %mul3A_1083 : memref<2x8x8x129xf32, #tpu.memory_space<vmem>>[vector<16xi32>, vector<16xi32>, vector<16xi32>, vector<16xi32>], vector<16xf32>,
        tpu.vector_store_idx %arg9[%broadcast_in_dim3A_1067, %select_n3A_94, %select_n3A_201, %broadcast_in_dim3A], %mul3A_1091 : memref<2x8x8x129xf32, #tpu.memory_space<vmem>>[vector<16xi32>, vector<16xi32>, vector<16xi32>, vector<16xi32>], vector<16xf32>,
        tpu.vector_store_idx %arg9[%broadcast_in_dim3A_1067, %select_n3A_128, %select_n3A_226, %broadcast_in_dim3A], %mul3A_1099 : memref<2x8x8x129xf32, #tpu.memory_space<vmem>>[vector<16xi32>, vector<16xi32>, vector<16xi32>, vector<16xi32>], vector<16xf32>,
        %scan3A_1100 = arith.constant 1 : i32
        %scan3A_1101 = arith.addi %scan3A_1028, %scan3A_1100 : i32
        %mul3A_1102 = arith.constant 1 : i32
        %mul3A_1103 = arith.muli %scan3A_1101, %mul3A_1102 : i32
        %add3A_1104 = arith.constant 0 : i32
        %add3A_1105 = arith.addi %add3A_1104, %mul3A_1103 : i32
        %broadcast_in_dim3A_1106 = vector.broadcast %add3A_1105 : i32 to vector<16xi32>
        %broadcast_in_dim3A_1107 = arith.constant 0 : i32
        %broadcast_in_dim3A_1108 = vector.broadcast %broadcast_in_dim3A_1107 : i32 to vector<16xi32>
        %get3A_1109 = arith.constant 0 : i32
        %get3A_1110 = arith.index_cast %get3A_1109 : i32 to index
        %get3A_1111 = arith.index_cast %add3A_1105 : i32 to index
        %get3A_1112 = arith.constant 0 : index
        %get3A_1113 = tpu.vector_load %arg7[%get3A_1110, %get3A_1111, %get3A_1112] {strides = array<i32>} : memref<2x128x64xf32, #tpu.memory_space<vmem>>, vector<16xf32>,
        %mul3A_1114 = arith.constant 8.000000e+00 : f32
        %mul3A_1115 = vector.broadcast %mul3A_1114 : f32 to vector<16xf32>
        %mul3A_1116 = arith.mulf %get3A_1113, %mul3A_1115 : vector<16xf32>
        %get3A_1117 = arith.constant 0 : i32
        %get3A_1118 = arith.index_cast %get3A_1117 : i32 to index
        %get3A_1119 = arith.index_cast %add3A_1105 : i32 to index
        %get3A_1120 = arith.constant 16 : index
        %get3A_1121 = tpu.vector_load %arg7[%get3A_1118, %get3A_1119, %get3A_1120] {strides = array<i32>} : memref<2x128x64xf32, #tpu.memory_space<vmem>>, vector<16xf32>,
        %mul3A_1122 = arith.constant 8.000000e+00 : f32
        %mul3A_1123 = vector.broadcast %mul3A_1122 : f32 to vector<16xf32>
        %mul3A_1124 = arith.mulf %get3A_1121, %mul3A_1123 : vector<16xf32>
        %get3A_1125 = arith.constant 0 : i32
        %get3A_1126 = arith.index_cast %get3A_1125 : i32 to index
        %get3A_1127 = arith.index_cast %add3A_1105 : i32 to index
        %get3A_1128 = arith.constant 32 : index
        %get3A_1129 = tpu.vector_load %arg7[%get3A_1126, %get3A_1127, %get3A_1128] {strides = array<i32>} : memref<2x128x64xf32, #tpu.memory_space<vmem>>, vector<16xf32>,
        %mul3A_1130 = arith.constant 8.000000e+00 : f32
        %mul3A_1131 = vector.broadcast %mul3A_1130 : f32 to vector<16xf32>
        %mul3A_1132 = arith.mulf %get3A_1129, %mul3A_1131 : vector<16xf32>
        %get3A_1133 = arith.constant 0 : i32
        %get3A_1134 = arith.index_cast %get3A_1133 : i32 to index
        %get3A_1135 = arith.index_cast %add3A_1105 : i32 to index
        %get3A_1136 = arith.constant 48 : index
        %get3A_1137 = tpu.vector_load %arg7[%get3A_1134, %get3A_1135, %get3A_1136] {strides = array<i32>} : memref<2x128x64xf32, #tpu.memory_space<vmem>>, vector<16xf32>,
        %mul3A_1138 = arith.constant 8.000000e+00 : f32
        %mul3A_1139 = vector.broadcast %mul3A_1138 : f32 to vector<16xf32>
        %mul3A_1140 = arith.mulf %get3A_1137, %mul3A_1139 : vector<16xf32>
        tpu.vector_store_idx %arg9[%broadcast_in_dim3A_1108, %select_n3A, %select_n3A_151, %broadcast_in_dim3A_1106], %mul3A_1116 : memref<2x8x8x129xf32, #tpu.memory_space<vmem>>[vector<16xi32>, vector<16xi32>, vector<16xi32>, vector<16xi32>], vector<16xf32>,
        tpu.vector_store_idx %arg9[%broadcast_in_dim3A_1108, %select_n3A_60, %select_n3A_176, %broadcast_in_dim3A_1106], %mul3A_1124 : memref<2x8x8x129xf32, #tpu.memory_space<vmem>>[vector<16xi32>, vector<16xi32>, vector<16xi32>, vector<16xi32>], vector<16xf32>,
        tpu.vector_store_idx %arg9[%broadcast_in_dim3A_1108, %select_n3A_94, %select_n3A_201, %broadcast_in_dim3A_1106], %mul3A_1132 : memref<2x8x8x129xf32, #tpu.memory_space<vmem>>[vector<16xi32>, vector<16xi32>, vector<16xi32>, vector<16xi32>], vector<16xf32>,
        tpu.vector_store_idx %arg9[%broadcast_in_dim3A_1108, %select_n3A_128, %select_n3A_226, %broadcast_in_dim3A_1106], %mul3A_1140 : memref<2x8x8x129xf32, #tpu.memory_space<vmem>>[vector<16xi32>, vector<16xi32>, vector<16xi32>, vector<16xi32>], vector<16xf32>,
        %broadcast_in_dim3A_1141 = arith.constant 1 : i32
        %broadcast_in_dim3A_1142 = vector.broadcast %broadcast_in_dim3A_1141 : i32 to vector<16xi32>
        %get3A_1143 = arith.constant 1 : i32
        %get3A_1144 = arith.index_cast %get3A_1143 : i32 to index
        %get3A_1145 = arith.index_cast %add3A_1105 : i32 to index
        %get3A_1146 = arith.constant 0 : index
        %get3A_1147 = tpu.vector_load %arg7[%get3A_1144, %get3A_1145, %get3A_1146] {strides = array<i32>} : memref<2x128x64xf32, #tpu.memory_space<vmem>>, vector<16xf32>,
        %mul3A_1148 = arith.constant 8.000000e+00 : f32
        %mul3A_1149 = vector.broadcast %mul3A_1148 : f32 to vector<16xf32>
        %mul3A_1150 = arith.mulf %get3A_1147, %mul3A_1149 : vector<16xf32>
        %get3A_1151 = arith.constant 1 : i32
        %get3A_1152 = arith.index_cast %get3A_1151 : i32 to index
        %get3A_1153 = arith.index_cast %add3A_1105 : i32 to index
        %get3A_1154 = arith.constant 16 : index
        %get3A_1155 = tpu.vector_load %arg7[%get3A_1152, %get3A_1153, %get3A_1154] {strides = array<i32>} : memref<2x128x64xf32, #tpu.memory_space<vmem>>, vector<16xf32>,
        %mul3A_1156 = arith.constant 8.000000e+00 : f32
        %mul3A_1157 = vector.broadcast %mul3A_1156 : f32 to vector<16xf32>
        %mul3A_1158 = arith.mulf %get3A_1155, %mul3A_1157 : vector<16xf32>
        %get3A_1159 = arith.constant 1 : i32
        %get3A_1160 = arith.index_cast %get3A_1159 : i32 to index
        %get3A_1161 = arith.index_cast %add3A_1105 : i32 to index
        %get3A_1162 = arith.constant 32 : index
        %get3A_1163 = tpu.vector_load %arg7[%get3A_1160, %get3A_1161, %get3A_1162] {strides = array<i32>} : memref<2x128x64xf32, #tpu.memory_space<vmem>>, vector<16xf32>,
        %mul3A_1164 = arith.constant 8.000000e+00 : f32
        %mul3A_1165 = vector.broadcast %mul3A_1164 : f32 to vector<16xf32>
        %mul3A_1166 = arith.mulf %get3A_1163, %mul3A_1165 : vector<16xf32>
        %get3A_1167 = arith.constant 1 : i32
        %get3A_1168 = arith.index_cast %get3A_1167 : i32 to index
        %get3A_1169 = arith.index_cast %add3A_1105 : i32 to index
        %get3A_1170 = arith.constant 48 : index
        %get3A_1171 = tpu.vector_load %arg7[%get3A_1168, %get3A_1169, %get3A_1170] {strides = array<i32>} : memref<2x128x64xf32, #tpu.memory_space<vmem>>, vector<16xf32>,
        %mul3A_1172 = arith.constant 8.000000e+00 : f32
        %mul3A_1173 = vector.broadcast %mul3A_1172 : f32 to vector<16xf32>
        %mul3A_1174 = arith.mulf %get3A_1171, %mul3A_1173 : vector<16xf32>
        tpu.vector_store_idx %arg9[%broadcast_in_dim3A_1142, %select_n3A, %select_n3A_151, %broadcast_in_dim3A_1106], %mul3A_1150 : memref<2x8x8x129xf32, #tpu.memory_space<vmem>>[vector<16xi32>, vector<16xi32>, vector<16xi32>, vector<16xi32>], vector<16xf32>,
        tpu.vector_store_idx %arg9[%broadcast_in_dim3A_1142, %select_n3A_60, %select_n3A_176, %broadcast_in_dim3A_1106], %mul3A_1158 : memref<2x8x8x129xf32, #tpu.memory_space<vmem>>[vector<16xi32>, vector<16xi32>, vector<16xi32>, vector<16xi32>], vector<16xf32>,
        tpu.vector_store_idx %arg9[%broadcast_in_dim3A_1142, %select_n3A_94, %select_n3A_201, %broadcast_in_dim3A_1106], %mul3A_1166 : memref<2x8x8x129xf32, #tpu.memory_space<vmem>>[vector<16xi32>, vector<16xi32>, vector<16xi32>, vector<16xi32>], vector<16xf32>,
        tpu.vector_store_idx %arg9[%broadcast_in_dim3A_1142, %select_n3A_128, %select_n3A_226, %broadcast_in_dim3A_1106], %mul3A_1174 : memref<2x8x8x129xf32, #tpu.memory_space<vmem>>[vector<16xi32>, vector<16xi32>, vector<16xi32>, vector<16xi32>], vector<16xf32>,
      }
      %scan3A_1005 = arith.constant 128 : i32
      %mul3A_1006 = arith.constant 2 : i32
      %mul3A_1007 = arith.muli %add3A_837, %mul3A_1006 : i32
      %dma_start3A_1008 = arith.constant 0 : i32
      %dma_start3A_1009 = arith.constant 0 : i32
      %dma_start3A_1010 = arith.constant 0 : i32
      %dma_start3A_1011 = arith.constant 0 : i32
      %dma_start3A_1012 = tpu.memref_slice %arg9[%dma_start3A_1008, %dma_start3A_1009, %dma_start3A_1010, %dma_start3A_1011] : memref<2x8x8x129xf32, #tpu.memory_space<vmem>> -> memref<2x8x8x128xf32, #tpu.memory_space<vmem>>
      %dma_start3A_1013 = arith.constant 0 : i32
      %dma_start3A_1014 = arith.constant 0 : i32
      %dma_start3A_1015 = arith.constant 0 : i32
      %dma_start3A_1016 = tpu.memref_slice %arg4[%mul3A_1007, %dma_start3A_1013, %add3A, %dma_start3A_1014, %dma_start3A_1015] : memref<200x8x32x8x128xf32, #tpu.memory_space<hbm>> -> memref<2x8x1x8x128xf32, #tpu.memory_space<hbm>>
      %dma_start3A_1017 = tpu.memref_squeeze %dma_start3A_1016 : memref<2x8x1x8x128xf32, #tpu.memory_space<hbm>> -> memref<2x8x8x128xf32, #tpu.memory_space<hbm>>
      %dma_start3A_1018 = arith.constant 0 : i32
      %dma_start3A_1019 = arith.constant 0 : i32
      %dma_start3A_1020 = arith.constant 0 : i32
      %dma_start3A_1021 = tpu.memref_slice %arg4[%mul3A_1007, %dma_start3A_1018, %add3A, %dma_start3A_1019, %dma_start3A_1020] : memref<200x8x32x8x128xf32, #tpu.memory_space<hbm>> -> memref<2x8x1x8x128xf32, #tpu.memory_space<hbm>>
      %dma_start3A_1022 = tpu.memref_squeeze %dma_start3A_1021 : memref<2x8x1x8x128xf32, #tpu.memory_space<hbm>> -> memref<2x8x8x128xf32, #tpu.memory_space<hbm>>
      %dma_start3A_1023 = arith.constant 0 : i32
      %dma_start3A_1024 = arith.constant 0 : i32
      %dma_start3A_1025 = arith.constant 0 : i32
      %dma_start3A_1026 = arith.constant 0 : i32
      %dma_start3A_1027 = tpu.memref_slice %arg9[%dma_start3A_1023, %dma_start3A_1024, %dma_start3A_1025, %dma_start3A_1026] : memref<2x8x8x129xf32, #tpu.memory_space<vmem>> -> memref<2x8x8x128xf32, #tpu.memory_space<vmem>>
      tpu.enqueue_dma source(%dma_start3A_1027 : memref<2x8x8x128xf32, #tpu.memory_space<vmem>>) target(%dma_start3A_1022 : memref<2x8x8x128xf32, #tpu.memory_space<hbm>>) target_semaphore(%arg13 : memref<!tpu.dma_semaphore, #tpu.memory_space<semaphore_mem>>)
    }
    %scan3A_435 = arith.constant 48 : i32
    %dma_wait3A_436 = arith.constant 0 : i32
    %dma_wait3A_437 = arith.constant 0 : i32
    %dma_wait3A_438 = arith.constant 0 : i32
    %dma_wait3A_439 = arith.constant 0 : i32
    %dma_wait3A_440 = arith.constant 0 : i32
    %dma_wait3A_441 = tpu.memref_slice %arg9[%dma_wait3A_437, %dma_wait3A_438, %dma_wait3A_439, %dma_wait3A_440] : memref<2x8x8x129xf32, #tpu.memory_space<vmem>> -> memref<2x8x8x128xf32, #tpu.memory_space<vmem>>
    %dma_wait3A_442 = arith.constant 0 : i32
    %dma_wait3A_443 = arith.constant 0 : i32
    %dma_wait3A_444 = arith.constant 0 : i32
    %dma_wait3A_445 = arith.constant 0 : i32
    %dma_wait3A_446 = tpu.memref_slice %arg4[%dma_wait3A_442, %dma_wait3A_443, %dma_wait3A_436, %dma_wait3A_444, %dma_wait3A_445] : memref<200x8x32x8x128xf32, #tpu.memory_space<hbm>> -> memref<2x8x1x8x128xf32, #tpu.memory_space<hbm>>
    %dma_wait3A_447 = tpu.memref_squeeze %dma_wait3A_446 : memref<2x8x1x8x128xf32, #tpu.memory_space<hbm>> -> memref<2x8x8x128xf32, #tpu.memory_space<hbm>>
    %dma_wait3A_448 = arith.constant 0 : i32
    %dma_wait3A_449 = arith.constant 0 : i32
    %dma_wait3A_450 = arith.constant 0 : i32
    %dma_wait3A_451 = arith.constant 0 : i32
    %dma_wait3A_452 = tpu.memref_slice %arg4[%dma_wait3A_448, %dma_wait3A_449, %dma_wait3A_436, %dma_wait3A_450, %dma_wait3A_451] : memref<200x8x32x8x128xf32, #tpu.memory_space<hbm>> -> memref<2x8x1x8x128xf32, #tpu.memory_space<hbm>>
    %dma_wait3A_453 = tpu.memref_squeeze %dma_wait3A_452 : memref<2x8x1x8x128xf32, #tpu.memory_space<hbm>> -> memref<2x8x8x128xf32, #tpu.memory_space<hbm>>
    %dma_wait3A_454 = arith.constant 0 : i32
    %dma_wait3A_455 = arith.constant 0 : i32
    %dma_wait3A_456 = arith.constant 0 : i32
    %dma_wait3A_457 = arith.constant 0 : i32
    %dma_wait3A_458 = tpu.memref_slice %arg9[%dma_wait3A_454, %dma_wait3A_455, %dma_wait3A_456, %dma_wait3A_457] : memref<2x8x8x129xf32, #tpu.memory_space<vmem>> -> memref<2x8x8x128xf32, #tpu.memory_space<vmem>>
    tpu.wait_dma2 semaphore(%arg13 : memref<!tpu.dma_semaphore, #tpu.memory_space<semaphore_mem>>) src(%dma_wait3A_458 : memref<2x8x8x128xf32, #tpu.memory_space<vmem>>) dst(%dma_wait3A_453 : memref<2x8x8x128xf32, #tpu.memory_space<hbm>>)
    %dma_start3A_459 = arith.constant 24 : i32
    %dma_start3A_460 = arith.constant 6 : i32
    %dma_start3A_461 = arith.constant 0 : i32
    %dma_start3A_462 = arith.constant 0 : i32
    %dma_start3A_463 = arith.constant 0 : i32
    %dma_start3A_464 = tpu.memref_slice %arg7[%dma_start3A_461, %dma_start3A_462, %dma_start3A_463] : memref<2x128x64xf32, #tpu.memory_space<vmem>> -> memref<1x128x64xf32, #tpu.memory_space<vmem>>
    %dma_start3A_465 = tpu.memref_squeeze %dma_start3A_464 : memref<1x128x64xf32, #tpu.memory_space<vmem>> -> memref<128x64xf32, #tpu.memory_space<vmem>>
    %dma_start3A_466 = arith.constant 0 : i32
    %dma_start3A_467 = tpu.memref_slice %arg5[%dma_start3A_459, %dma_start3A_460, %dma_start3A_466] : memref<25x8x128xi32, #tpu.memory_space<vmem>> -> memref<1x1x128xi32, #tpu.memory_space<vmem>>
    %dma_start3A_468 = tpu.memref_squeeze %dma_start3A_467 : memref<1x1x128xi32, #tpu.memory_space<vmem>> -> memref<128xi32, #tpu.memory_space<vmem>>
    %dma_start3A_469 = arith.constant 0 : i32
    %dma_start3A_470 = arith.constant 0 : i32
    %dma_start3A_471 = tpu.memref_slice %arg3[%dma_start3A_469, %dma_start3A_470] : memref<1000000x64xf32, #tpu.memory_space<hbm>> -> memref<1000000x64xf32, #tpu.memory_space<hbm>>
    tpu.enqueue_indirect_dma source(%dma_start3A_471 : memref<1000000x64xf32, #tpu.memory_space<hbm>>) target(%dma_start3A_465 : memref<128x64xf32, #tpu.memory_space<vmem>>) offsets(%dma_start3A_468 : memref<128xi32, #tpu.memory_space<vmem>>) semaphore(%arg11 : memref<!tpu.dma_semaphore, #tpu.memory_space<semaphore_mem>>)
    %dma_start3A_472 = arith.constant 24 : i32
    %dma_start3A_473 = arith.constant 7 : i32
    %dma_start3A_474 = arith.constant 1 : i32
    %dma_start3A_475 = arith.constant 0 : i32
    %dma_start3A_476 = arith.constant 0 : i32
    %dma_start3A_477 = tpu.memref_slice %arg7[%dma_start3A_474, %dma_start3A_475, %dma_start3A_476] : memref<2x128x64xf32, #tpu.memory_space<vmem>> -> memref<1x128x64xf32, #tpu.memory_space<vmem>>
    %dma_start3A_478 = tpu.memref_squeeze %dma_start3A_477 : memref<1x128x64xf32, #tpu.memory_space<vmem>> -> memref<128x64xf32, #tpu.memory_space<vmem>>
    %dma_start3A_479 = arith.constant 0 : i32
    %dma_start3A_480 = tpu.memref_slice %arg5[%dma_start3A_472, %dma_start3A_473, %dma_start3A_479] : memref<25x8x128xi32, #tpu.memory_space<vmem>> -> memref<1x1x128xi32, #tpu.memory_space<vmem>>
    %dma_start3A_481 = tpu.memref_squeeze %dma_start3A_480 : memref<1x1x128xi32, #tpu.memory_space<vmem>> -> memref<128xi32, #tpu.memory_space<vmem>>
    %dma_start3A_482 = arith.constant 0 : i32
    %dma_start3A_483 = arith.constant 0 : i32
    %dma_start3A_484 = tpu.memref_slice %arg3[%dma_start3A_482, %dma_start3A_483] : memref<1000000x64xf32, #tpu.memory_space<hbm>> -> memref<1000000x64xf32, #tpu.memory_space<hbm>>
    tpu.enqueue_indirect_dma source(%dma_start3A_484 : memref<1000000x64xf32, #tpu.memory_space<hbm>>) target(%dma_start3A_478 : memref<128x64xf32, #tpu.memory_space<vmem>>) offsets(%dma_start3A_481 : memref<128xi32, #tpu.memory_space<vmem>>) semaphore(%arg11 : memref<!tpu.dma_semaphore, #tpu.memory_space<semaphore_mem>>)
    %dma_wait3A_485 = arith.constant 0 : i32
    %dma_wait3A_486 = arith.constant 0 : i32
    %dma_wait3A_487 = arith.constant 0 : i32
    %dma_wait3A_488 = arith.constant 0 : i32
    %dma_wait3A_489 = arith.constant 0 : i32
    %dma_wait3A_490 = tpu.memref_slice %arg6[%dma_wait3A_487, %dma_wait3A_488, %dma_wait3A_489] : memref<2x128x64xf32, #tpu.memory_space<vmem>> -> memref<1x128x64xf32, #tpu.memory_space<vmem>>
    %dma_wait3A_491 = tpu.memref_squeeze %dma_wait3A_490 : memref<1x128x64xf32, #tpu.memory_space<vmem>> -> memref<128x64xf32, #tpu.memory_space<vmem>>
    %dma_wait3A_492 = arith.constant 0 : i32
    %dma_wait3A_493 = tpu.memref_slice %arg5[%dma_wait3A_485, %dma_wait3A_486, %dma_wait3A_492] : memref<25x8x128xi32, #tpu.memory_space<vmem>> -> memref<1x1x128xi32, #tpu.memory_space<vmem>>
    %dma_wait3A_494 = tpu.memref_squeeze %dma_wait3A_493 : memref<1x1x128xi32, #tpu.memory_space<vmem>> -> memref<128xi32, #tpu.memory_space<vmem>>
    %dma_wait3A_495 = arith.constant 0 : i32
    %dma_wait3A_496 = arith.constant 0 : i32
    %dma_wait3A_497 = tpu.memref_slice %arg3[%dma_wait3A_495, %dma_wait3A_496] : memref<1000000x64xf32, #tpu.memory_space<hbm>> -> memref<1000000x64xf32, #tpu.memory_space<hbm>>
    tpu.wait_indirect_dma semaphore(%arg10 : memref<!tpu.dma_semaphore, #tpu.memory_space<semaphore_mem>>) src(%dma_wait3A_497 : memref<1000000x64xf32, #tpu.memory_space<hbm>>) dst(%dma_wait3A_491 : memref<128x64xf32, #tpu.memory_space<vmem>>)
    %dma_wait3A_498 = arith.constant 0 : i32
    %dma_wait3A_499 = arith.constant 0 : i32
    %dma_wait3A_500 = arith.constant 1 : i32
    %dma_wait3A_501 = arith.constant 0 : i32
    %dma_wait3A_502 = arith.constant 0 : i32
    %dma_wait3A_503 = tpu.memref_slice %arg6[%dma_wait3A_500, %dma_wait3A_501, %dma_wait3A_502] : memref<2x128x64xf32, #tpu.memory_space<vmem>> -> memref<1x128x64xf32, #tpu.memory_space<vmem>>
    %dma_wait3A_504 = tpu.memref_squeeze %dma_wait3A_503 : memref<1x128x64xf32, #tpu.memory_space<vmem>> -> memref<128x64xf32, #tpu.memory_space<vmem>>
    %dma_wait3A_505 = arith.constant 0 : i32
    %dma_wait3A_506 = tpu.memref_slice %arg5[%dma_wait3A_498, %dma_wait3A_499, %dma_wait3A_505] : memref<25x8x128xi32, #tpu.memory_space<vmem>> -> memref<1x1x128xi32, #tpu.memory_space<vmem>>
    %dma_wait3A_507 = tpu.memref_squeeze %dma_wait3A_506 : memref<1x1x128xi32, #tpu.memory_space<vmem>> -> memref<128xi32, #tpu.memory_space<vmem>>
    %dma_wait3A_508 = arith.constant 0 : i32
    %dma_wait3A_509 = arith.constant 0 : i32
    %dma_wait3A_510 = tpu.memref_slice %arg3[%dma_wait3A_508, %dma_wait3A_509] : memref<1000000x64xf32, #tpu.memory_space<hbm>> -> memref<1000000x64xf32, #tpu.memory_space<hbm>>
    tpu.wait_indirect_dma semaphore(%arg10 : memref<!tpu.dma_semaphore, #tpu.memory_space<semaphore_mem>>) src(%dma_wait3A_510 : memref<1000000x64xf32, #tpu.memory_space<hbm>>) dst(%dma_wait3A_504 : memref<128x64xf32, #tpu.memory_space<vmem>>)
    %scan3A_511 = arith.constant 0 : i32
    %scan3A_512 = arith.constant 128 : i32
    %scan3A_513 = arith.addi %scan3A_511, %scan3A_512 : i32
    %scan3A_514 = arith.constant 2 : i32
    scf.for %scan3A_637 = %scan3A_511 to %scan3A_513 step %scan3A_514  : i32 {
      %mul3A_638 = arith.constant 1 : i32
      %mul3A_639 = arith.muli %scan3A_637, %mul3A_638 : i32
      %add3A_640 = arith.constant 0 : i32
      %add3A_641 = arith.addi %add3A_640, %mul3A_639 : i32
      %broadcast_in_dim3A = vector.broadcast %add3A_641 : i32 to vector<16xi32>
      %broadcast_in_dim3A_642 = arith.constant 0 : i32
      %broadcast_in_dim3A_643 = vector.broadcast %broadcast_in_dim3A_642 : i32 to vector<16xi32>
      %get3A = arith.constant 0 : i32
      %get3A_644 = arith.index_cast %get3A : i32 to index
      %get3A_645 = arith.index_cast %add3A_641 : i32 to index
      %get3A_646 = arith.constant 0 : index
      %get3A_647 = tpu.vector_load %arg6[%get3A_644, %get3A_645, %get3A_646] {strides = array<i32>} : memref<2x128x64xf32, #tpu.memory_space<vmem>>, vector<16xf32>,
      %mul3A_648 = arith.constant 8.000000e+00 : f32
      %mul3A_649 = vector.broadcast %mul3A_648 : f32 to vector<16xf32>
      %mul3A_650 = arith.mulf %get3A_647, %mul3A_649 : vector<16xf32>
      %get3A_651 = arith.constant 0 : i32
      %get3A_652 = arith.index_cast %get3A_651 : i32 to index
      %get3A_653 = arith.index_cast %add3A_641 : i32 to index
      %get3A_654 = arith.constant 16 : index
      %get3A_655 = tpu.vector_load %arg6[%get3A_652, %get3A_653, %get3A_654] {strides = array<i32>} : memref<2x128x64xf32, #tpu.memory_space<vmem>>, vector<16xf32>,
      %mul3A_656 = arith.constant 8.000000e+00 : f32
      %mul3A_657 = vector.broadcast %mul3A_656 : f32 to vector<16xf32>
      %mul3A_658 = arith.mulf %get3A_655, %mul3A_657 : vector<16xf32>
      %get3A_659 = arith.constant 0 : i32
      %get3A_660 = arith.index_cast %get3A_659 : i32 to index
      %get3A_661 = arith.index_cast %add3A_641 : i32 to index
      %get3A_662 = arith.constant 32 : index
      %get3A_663 = tpu.vector_load %arg6[%get3A_660, %get3A_661, %get3A_662] {strides = array<i32>} : memref<2x128x64xf32, #tpu.memory_space<vmem>>, vector<16xf32>,
      %mul3A_664 = arith.constant 8.000000e+00 : f32
      %mul3A_665 = vector.broadcast %mul3A_664 : f32 to vector<16xf32>
      %mul3A_666 = arith.mulf %get3A_663, %mul3A_665 : vector<16xf32>
      %get3A_667 = arith.constant 0 : i32
      %get3A_668 = arith.index_cast %get3A_667 : i32 to index
      %get3A_669 = arith.index_cast %add3A_641 : i32 to index
      %get3A_670 = arith.constant 48 : index
      %get3A_671 = tpu.vector_load %arg6[%get3A_668, %get3A_669, %get3A_670] {strides = array<i32>} : memref<2x128x64xf32, #tpu.memory_space<vmem>>, vector<16xf32>,
      %mul3A_672 = arith.constant 8.000000e+00 : f32
      %mul3A_673 = vector.broadcast %mul3A_672 : f32 to vector<16xf32>
      %mul3A_674 = arith.mulf %get3A_671, %mul3A_673 : vector<16xf32>
      tpu.vector_store_idx %arg8[%broadcast_in_dim3A_643, %select_n3A, %select_n3A_151, %broadcast_in_dim3A], %mul3A_650 : memref<2x8x8x129xf32, #tpu.memory_space<vmem>>[vector<16xi32>, vector<16xi32>, vector<16xi32>, vector<16xi32>], vector<16xf32>,
      tpu.vector_store_idx %arg8[%broadcast_in_dim3A_643, %select_n3A_60, %select_n3A_176, %broadcast_in_dim3A], %mul3A_658 : memref<2x8x8x129xf32, #tpu.memory_space<vmem>>[vector<16xi32>, vector<16xi32>, vector<16xi32>, vector<16xi32>], vector<16xf32>,
      tpu.vector_store_idx %arg8[%broadcast_in_dim3A_643, %select_n3A_94, %select_n3A_201, %broadcast_in_dim3A], %mul3A_666 : memref<2x8x8x129xf32, #tpu.memory_space<vmem>>[vector<16xi32>, vector<16xi32>, vector<16xi32>, vector<16xi32>], vector<16xf32>,
      tpu.vector_store_idx %arg8[%broadcast_in_dim3A_643, %select_n3A_128, %select_n3A_226, %broadcast_in_dim3A], %mul3A_674 : memref<2x8x8x129xf32, #tpu.memory_space<vmem>>[vector<16xi32>, vector<16xi32>, vector<16xi32>, vector<16xi32>], vector<16xf32>,
      %broadcast_in_dim3A_675 = arith.constant 1 : i32
      %broadcast_in_dim3A_676 = vector.broadcast %broadcast_in_dim3A_675 : i32 to vector<16xi32>
      %get3A_677 = arith.constant 1 : i32
      %get3A_678 = arith.index_cast %get3A_677 : i32 to index
      %get3A_679 = arith.index_cast %add3A_641 : i32 to index
      %get3A_680 = arith.constant 0 : index
      %get3A_681 = tpu.vector_load %arg6[%get3A_678, %get3A_679, %get3A_680] {strides = array<i32>} : memref<2x128x64xf32, #tpu.memory_space<vmem>>, vector<16xf32>,
      %mul3A_682 = arith.constant 8.000000e+00 : f32
      %mul3A_683 = vector.broadcast %mul3A_682 : f32 to vector<16xf32>
      %mul3A_684 = arith.mulf %get3A_681, %mul3A_683 : vector<16xf32>
      %get3A_685 = arith.constant 1 : i32
      %get3A_686 = arith.index_cast %get3A_685 : i32 to index
      %get3A_687 = arith.index_cast %add3A_641 : i32 to index
      %get3A_688 = arith.constant 16 : index
      %get3A_689 = tpu.vector_load %arg6[%get3A_686, %get3A_687, %get3A_688] {strides = array<i32>} : memref<2x128x64xf32, #tpu.memory_space<vmem>>, vector<16xf32>,
      %mul3A_690 = arith.constant 8.000000e+00 : f32
      %mul3A_691 = vector.broadcast %mul3A_690 : f32 to vector<16xf32>
      %mul3A_692 = arith.mulf %get3A_689, %mul3A_691 : vector<16xf32>
      %get3A_693 = arith.constant 1 : i32
      %get3A_694 = arith.index_cast %get3A_693 : i32 to index
      %get3A_695 = arith.index_cast %add3A_641 : i32 to index
      %get3A_696 = arith.constant 32 : index
      %get3A_697 = tpu.vector_load %arg6[%get3A_694, %get3A_695, %get3A_696] {strides = array<i32>} : memref<2x128x64xf32, #tpu.memory_space<vmem>>, vector<16xf32>,
      %mul3A_698 = arith.constant 8.000000e+00 : f32
      %mul3A_699 = vector.broadcast %mul3A_698 : f32 to vector<16xf32>
      %mul3A_700 = arith.mulf %get3A_697, %mul3A_699 : vector<16xf32>
      %get3A_701 = arith.constant 1 : i32
      %get3A_702 = arith.index_cast %get3A_701 : i32 to index
      %get3A_703 = arith.index_cast %add3A_641 : i32 to index
      %get3A_704 = arith.constant 48 : index
      %get3A_705 = tpu.vector_load %arg6[%get3A_702, %get3A_703, %get3A_704] {strides = array<i32>} : memref<2x128x64xf32, #tpu.memory_space<vmem>>, vector<16xf32>,
      %mul3A_706 = arith.constant 8.000000e+00 : f32
      %mul3A_707 = vector.broadcast %mul3A_706 : f32 to vector<16xf32>
      %mul3A_708 = arith.mulf %get3A_705, %mul3A_707 : vector<16xf32>
      tpu.vector_store_idx %arg8[%broadcast_in_dim3A_676, %select_n3A, %select_n3A_151, %broadcast_in_dim3A], %mul3A_684 : memref<2x8x8x129xf32, #tpu.memory_space<vmem>>[vector<16xi32>, vector<16xi32>, vector<16xi32>, vector<16xi32>], vector<16xf32>,
      tpu.vector_store_idx %arg8[%broadcast_in_dim3A_676, %select_n3A_60, %select_n3A_176, %broadcast_in_dim3A], %mul3A_692 : memref<2x8x8x129xf32, #tpu.memory_space<vmem>>[vector<16xi32>, vector<16xi32>, vector<16xi32>, vector<16xi32>], vector<16xf32>,
      tpu.vector_store_idx %arg8[%broadcast_in_dim3A_676, %select_n3A_94, %select_n3A_201, %broadcast_in_dim3A], %mul3A_700 : memref<2x8x8x129xf32, #tpu.memory_space<vmem>>[vector<16xi32>, vector<16xi32>, vector<16xi32>, vector<16xi32>], vector<16xf32>,
      tpu.vector_store_idx %arg8[%broadcast_in_dim3A_676, %select_n3A_128, %select_n3A_226, %broadcast_in_dim3A], %mul3A_708 : memref<2x8x8x129xf32, #tpu.memory_space<vmem>>[vector<16xi32>, vector<16xi32>, vector<16xi32>, vector<16xi32>], vector<16xf32>,
      %scan3A_709 = arith.constant 1 : i32
      %scan3A_710 = arith.addi %scan3A_637, %scan3A_709 : i32
      %mul3A_711 = arith.constant 1 : i32
      %mul3A_712 = arith.muli %scan3A_710, %mul3A_711 : i32
      %add3A_713 = arith.constant 0 : i32
      %add3A_714 = arith.addi %add3A_713, %mul3A_712 : i32
      %broadcast_in_dim3A_715 = vector.broadcast %add3A_714 : i32 to vector<16xi32>
      %broadcast_in_dim3A_716 = arith.constant 0 : i32
      %broadcast_in_dim3A_717 = vector.broadcast %broadcast_in_dim3A_716 : i32 to vector<16xi32>
      %get3A_718 = arith.constant 0 : i32
      %get3A_719 = arith.index_cast %get3A_718 : i32 to index
      %get3A_720 = arith.index_cast %add3A_714 : i32 to index
      %get3A_721 = arith.constant 0 : index
      %get3A_722 = tpu.vector_load %arg6[%get3A_719, %get3A_720, %get3A_721] {strides = array<i32>} : memref<2x128x64xf32, #tpu.memory_space<vmem>>, vector<16xf32>,
      %mul3A_723 = arith.constant 8.000000e+00 : f32
      %mul3A_724 = vector.broadcast %mul3A_723 : f32 to vector<16xf32>
      %mul3A_725 = arith.mulf %get3A_722, %mul3A_724 : vector<16xf32>
      %get3A_726 = arith.constant 0 : i32
      %get3A_727 = arith.index_cast %get3A_726 : i32 to index
      %get3A_728 = arith.index_cast %add3A_714 : i32 to index
      %get3A_729 = arith.constant 16 : index
      %get3A_730 = tpu.vector_load %arg6[%get3A_727, %get3A_728, %get3A_729] {strides = array<i32>} : memref<2x128x64xf32, #tpu.memory_space<vmem>>, vector<16xf32>,
      %mul3A_731 = arith.constant 8.000000e+00 : f32
      %mul3A_732 = vector.broadcast %mul3A_731 : f32 to vector<16xf32>
      %mul3A_733 = arith.mulf %get3A_730, %mul3A_732 : vector<16xf32>
      %get3A_734 = arith.constant 0 : i32
      %get3A_735 = arith.index_cast %get3A_734 : i32 to index
      %get3A_736 = arith.index_cast %add3A_714 : i32 to index
      %get3A_737 = arith.constant 32 : index
      %get3A_738 = tpu.vector_load %arg6[%get3A_735, %get3A_736, %get3A_737] {strides = array<i32>} : memref<2x128x64xf32, #tpu.memory_space<vmem>>, vector<16xf32>,
      %mul3A_739 = arith.constant 8.000000e+00 : f32
      %mul3A_740 = vector.broadcast %mul3A_739 : f32 to vector<16xf32>
      %mul3A_741 = arith.mulf %get3A_738, %mul3A_740 : vector<16xf32>
      %get3A_742 = arith.constant 0 : i32
      %get3A_743 = arith.index_cast %get3A_742 : i32 to index
      %get3A_744 = arith.index_cast %add3A_714 : i32 to index
      %get3A_745 = arith.constant 48 : index
      %get3A_746 = tpu.vector_load %arg6[%get3A_743, %get3A_744, %get3A_745] {strides = array<i32>} : memref<2x128x64xf32, #tpu.memory_space<vmem>>, vector<16xf32>,
      %mul3A_747 = arith.constant 8.000000e+00 : f32
      %mul3A_748 = vector.broadcast %mul3A_747 : f32 to vector<16xf32>
      %mul3A_749 = arith.mulf %get3A_746, %mul3A_748 : vector<16xf32>
      tpu.vector_store_idx %arg8[%broadcast_in_dim3A_717, %select_n3A, %select_n3A_151, %broadcast_in_dim3A_715], %mul3A_725 : memref<2x8x8x129xf32, #tpu.memory_space<vmem>>[vector<16xi32>, vector<16xi32>, vector<16xi32>, vector<16xi32>], vector<16xf32>,
      tpu.vector_store_idx %arg8[%broadcast_in_dim3A_717, %select_n3A_60, %select_n3A_176, %broadcast_in_dim3A_715], %mul3A_733 : memref<2x8x8x129xf32, #tpu.memory_space<vmem>>[vector<16xi32>, vector<16xi32>, vector<16xi32>, vector<16xi32>], vector<16xf32>,
      tpu.vector_store_idx %arg8[%broadcast_in_dim3A_717, %select_n3A_94, %select_n3A_201, %broadcast_in_dim3A_715], %mul3A_741 : memref<2x8x8x129xf32, #tpu.memory_space<vmem>>[vector<16xi32>, vector<16xi32>, vector<16xi32>, vector<16xi32>], vector<16xf32>,
      tpu.vector_store_idx %arg8[%broadcast_in_dim3A_717, %select_n3A_128, %select_n3A_226, %broadcast_in_dim3A_715], %mul3A_749 : memref<2x8x8x129xf32, #tpu.memory_space<vmem>>[vector<16xi32>, vector<16xi32>, vector<16xi32>, vector<16xi32>], vector<16xf32>,
      %broadcast_in_dim3A_750 = arith.constant 1 : i32
      %broadcast_in_dim3A_751 = vector.broadcast %broadcast_in_dim3A_750 : i32 to vector<16xi32>
      %get3A_752 = arith.constant 1 : i32
      %get3A_753 = arith.index_cast %get3A_752 : i32 to index
      %get3A_754 = arith.index_cast %add3A_714 : i32 to index
      %get3A_755 = arith.constant 0 : index
      %get3A_756 = tpu.vector_load %arg6[%get3A_753, %get3A_754, %get3A_755] {strides = array<i32>} : memref<2x128x64xf32, #tpu.memory_space<vmem>>, vector<16xf32>,
      %mul3A_757 = arith.constant 8.000000e+00 : f32
      %mul3A_758 = vector.broadcast %mul3A_757 : f32 to vector<16xf32>
      %mul3A_759 = arith.mulf %get3A_756, %mul3A_758 : vector<16xf32>
      %get3A_760 = arith.constant 1 : i32
      %get3A_761 = arith.index_cast %get3A_760 : i32 to index
      %get3A_762 = arith.index_cast %add3A_714 : i32 to index
      %get3A_763 = arith.constant 16 : index
      %get3A_764 = tpu.vector_load %arg6[%get3A_761, %get3A_762, %get3A_763] {strides = array<i32>} : memref<2x128x64xf32, #tpu.memory_space<vmem>>, vector<16xf32>,
      %mul3A_765 = arith.constant 8.000000e+00 : f32
      %mul3A_766 = vector.broadcast %mul3A_765 : f32 to vector<16xf32>
      %mul3A_767 = arith.mulf %get3A_764, %mul3A_766 : vector<16xf32>
      %get3A_768 = arith.constant 1 : i32
      %get3A_769 = arith.index_cast %get3A_768 : i32 to index
      %get3A_770 = arith.index_cast %add3A_714 : i32 to index
      %get3A_771 = arith.constant 32 : index
      %get3A_772 = tpu.vector_load %arg6[%get3A_769, %get3A_770, %get3A_771] {strides = array<i32>} : memref<2x128x64xf32, #tpu.memory_space<vmem>>, vector<16xf32>,
      %mul3A_773 = arith.constant 8.000000e+00 : f32
      %mul3A_774 = vector.broadcast %mul3A_773 : f32 to vector<16xf32>
      %mul3A_775 = arith.mulf %get3A_772, %mul3A_774 : vector<16xf32>
      %get3A_776 = arith.constant 1 : i32
      %get3A_777 = arith.index_cast %get3A_776 : i32 to index
      %get3A_778 = arith.index_cast %add3A_714 : i32 to index
      %get3A_779 = arith.constant 48 : index
      %get3A_780 = tpu.vector_load %arg6[%get3A_777, %get3A_778, %get3A_779] {strides = array<i32>} : memref<2x128x64xf32, #tpu.memory_space<vmem>>, vector<16xf32>,
      %mul3A_781 = arith.constant 8.000000e+00 : f32
      %mul3A_782 = vector.broadcast %mul3A_781 : f32 to vector<16xf32>
      %mul3A_783 = arith.mulf %get3A_780, %mul3A_782 : vector<16xf32>
      tpu.vector_store_idx %arg8[%broadcast_in_dim3A_751, %select_n3A, %select_n3A_151, %broadcast_in_dim3A_715], %mul3A_759 : memref<2x8x8x129xf32, #tpu.memory_space<vmem>>[vector<16xi32>, vector<16xi32>, vector<16xi32>, vector<16xi32>], vector<16xf32>,
      tpu.vector_store_idx %arg8[%broadcast_in_dim3A_751, %select_n3A_60, %select_n3A_176, %broadcast_in_dim3A_715], %mul3A_767 : memref<2x8x8x129xf32, #tpu.memory_space<vmem>>[vector<16xi32>, vector<16xi32>, vector<16xi32>, vector<16xi32>], vector<16xf32>,
      tpu.vector_store_idx %arg8[%broadcast_in_dim3A_751, %select_n3A_94, %select_n3A_201, %broadcast_in_dim3A_715], %mul3A_775 : memref<2x8x8x129xf32, #tpu.memory_space<vmem>>[vector<16xi32>, vector<16xi32>, vector<16xi32>, vector<16xi32>], vector<16xf32>,
      tpu.vector_store_idx %arg8[%broadcast_in_dim3A_751, %select_n3A_128, %select_n3A_226, %broadcast_in_dim3A_715], %mul3A_783 : memref<2x8x8x129xf32, #tpu.memory_space<vmem>>[vector<16xi32>, vector<16xi32>, vector<16xi32>, vector<16xi32>], vector<16xf32>,
    }
    %scan3A_515 = arith.constant 128 : i32
    %dma_start3A_516 = arith.constant 0 : i32
    %dma_start3A_517 = arith.constant 0 : i32
    %dma_start3A_518 = arith.constant 0 : i32
    %dma_start3A_519 = arith.constant 0 : i32
    %dma_start3A_520 = tpu.memref_slice %arg8[%dma_start3A_516, %dma_start3A_517, %dma_start3A_518, %dma_start3A_519] : memref<2x8x8x129xf32, #tpu.memory_space<vmem>> -> memref<2x8x8x128xf32, #tpu.memory_space<vmem>>
    %dma_start3A_521 = arith.constant 196 : i32
    %dma_start3A_522 = arith.constant 0 : i32
    %dma_start3A_523 = arith.constant 0 : i32
    %dma_start3A_524 = arith.constant 0 : i32
    %dma_start3A_525 = tpu.memref_slice %arg4[%dma_start3A_521, %dma_start3A_522, %add3A, %dma_start3A_523, %dma_start3A_524] : memref<200x8x32x8x128xf32, #tpu.memory_space<hbm>> -> memref<2x8x1x8x128xf32, #tpu.memory_space<hbm>>
    %dma_start3A_526 = tpu.memref_squeeze %dma_start3A_525 : memref<2x8x1x8x128xf32, #tpu.memory_space<hbm>> -> memref<2x8x8x128xf32, #tpu.memory_space<hbm>>
    %dma_start3A_527 = arith.constant 196 : i32
    %dma_start3A_528 = arith.constant 0 : i32
    %dma_start3A_529 = arith.constant 0 : i32
    %dma_start3A_530 = arith.constant 0 : i32
    %dma_start3A_531 = tpu.memref_slice %arg4[%dma_start3A_527, %dma_start3A_528, %add3A, %dma_start3A_529, %dma_start3A_530] : memref<200x8x32x8x128xf32, #tpu.memory_space<hbm>> -> memref<2x8x1x8x128xf32, #tpu.memory_space<hbm>>
    %dma_start3A_532 = tpu.memref_squeeze %dma_start3A_531 : memref<2x8x1x8x128xf32, #tpu.memory_space<hbm>> -> memref<2x8x8x128xf32, #tpu.memory_space<hbm>>
    %dma_start3A_533 = arith.constant 0 : i32
    %dma_start3A_534 = arith.constant 0 : i32
    %dma_start3A_535 = arith.constant 0 : i32
    %dma_start3A_536 = arith.constant 0 : i32
    %dma_start3A_537 = tpu.memref_slice %arg8[%dma_start3A_533, %dma_start3A_534, %dma_start3A_535, %dma_start3A_536] : memref<2x8x8x129xf32, #tpu.memory_space<vmem>> -> memref<2x8x8x128xf32, #tpu.memory_space<vmem>>
    tpu.enqueue_dma source(%dma_start3A_537 : memref<2x8x8x128xf32, #tpu.memory_space<vmem>>) target(%dma_start3A_532 : memref<2x8x8x128xf32, #tpu.memory_space<hbm>>) target_semaphore(%arg12 : memref<!tpu.dma_semaphore, #tpu.memory_space<semaphore_mem>>)
    %dma_wait3A_538 = arith.constant 0 : i32
    %dma_wait3A_539 = arith.constant 0 : i32
    %dma_wait3A_540 = arith.constant 0 : i32
    %dma_wait3A_541 = arith.constant 0 : i32
    %dma_wait3A_542 = arith.constant 0 : i32
    %dma_wait3A_543 = tpu.memref_slice %arg8[%dma_wait3A_539, %dma_wait3A_540, %dma_wait3A_541, %dma_wait3A_542] : memref<2x8x8x129xf32, #tpu.memory_space<vmem>> -> memref<2x8x8x128xf32, #tpu.memory_space<vmem>>
    %dma_wait3A_544 = arith.constant 0 : i32
    %dma_wait3A_545 = arith.constant 0 : i32
    %dma_wait3A_546 = arith.constant 0 : i32
    %dma_wait3A_547 = arith.constant 0 : i32
    %dma_wait3A_548 = tpu.memref_slice %arg4[%dma_wait3A_544, %dma_wait3A_545, %dma_wait3A_538, %dma_wait3A_546, %dma_wait3A_547] : memref<200x8x32x8x128xf32, #tpu.memory_space<hbm>> -> memref<2x8x1x8x128xf32, #tpu.memory_space<hbm>>
    %dma_wait3A_549 = tpu.memref_squeeze %dma_wait3A_548 : memref<2x8x1x8x128xf32, #tpu.memory_space<hbm>> -> memref<2x8x8x128xf32, #tpu.memory_space<hbm>>
    %dma_wait3A_550 = arith.constant 0 : i32
    %dma_wait3A_551 = arith.constant 0 : i32
    %dma_wait3A_552 = arith.constant 0 : i32
    %dma_wait3A_553 = arith.constant 0 : i32
    %dma_wait3A_554 = tpu.memref_slice %arg4[%dma_wait3A_550, %dma_wait3A_551, %dma_wait3A_538, %dma_wait3A_552, %dma_wait3A_553] : memref<200x8x32x8x128xf32, #tpu.memory_space<hbm>> -> memref<2x8x1x8x128xf32, #tpu.memory_space<hbm>>
    %dma_wait3A_555 = tpu.memref_squeeze %dma_wait3A_554 : memref<2x8x1x8x128xf32, #tpu.memory_space<hbm>> -> memref<2x8x8x128xf32, #tpu.memory_space<hbm>>
    %dma_wait3A_556 = arith.constant 0 : i32
    %dma_wait3A_557 = arith.constant 0 : i32
    %dma_wait3A_558 = arith.constant 0 : i32
    %dma_wait3A_559 = arith.constant 0 : i32
    %dma_wait3A_560 = tpu.memref_slice %arg8[%dma_wait3A_556, %dma_wait3A_557, %dma_wait3A_558, %dma_wait3A_559] : memref<2x8x8x129xf32, #tpu.memory_space<vmem>> -> memref<2x8x8x128xf32, #tpu.memory_space<vmem>>
    tpu.wait_dma2 semaphore(%arg12 : memref<!tpu.dma_semaphore, #tpu.memory_space<semaphore_mem>>) src(%dma_wait3A_560 : memref<2x8x8x128xf32, #tpu.memory_space<vmem>>) dst(%dma_wait3A_555 : memref<2x8x8x128xf32, #tpu.memory_space<hbm>>)
    %dma_wait3A_561 = arith.constant 0 : i32
    %dma_wait3A_562 = arith.constant 0 : i32
    %dma_wait3A_563 = arith.constant 0 : i32
    %dma_wait3A_564 = arith.constant 0 : i32
    %dma_wait3A_565 = arith.constant 0 : i32
    %dma_wait3A_566 = tpu.memref_slice %arg7[%dma_wait3A_563, %dma_wait3A_564, %dma_wait3A_565] : memref<2x128x64xf32, #tpu.memory_space<vmem>> -> memref<1x128x64xf32, #tpu.memory_space<vmem>>
    %dma_wait3A_567 = tpu.memref_squeeze %dma_wait3A_566 : memref<1x128x64xf32, #tpu.memory_space<vmem>> -> memref<128x64xf32, #tpu.memory_space<vmem>>
    %dma_wait3A_568 = arith.constant 0 : i32
    %dma_wait3A_569 = tpu.memref_slice %arg5[%dma_wait3A_561, %dma_wait3A_562, %dma_wait3A_568] : memref<25x8x128xi32, #tpu.memory_space<vmem>> -> memref<1x1x128xi32, #tpu.memory_space<vmem>>
    %dma_wait3A_570 = tpu.memref_squeeze %dma_wait3A_569 : memref<1x1x128xi32, #tpu.memory_space<vmem>> -> memref<128xi32, #tpu.memory_space<vmem>>
    %dma_wait3A_571 = arith.constant 0 : i32
    %dma_wait3A_572 = arith.constant 0 : i32
    %dma_wait3A_573 = tpu.memref_slice %arg3[%dma_wait3A_571, %dma_wait3A_572] : memref<1000000x64xf32, #tpu.memory_space<hbm>> -> memref<1000000x64xf32, #tpu.memory_space<hbm>>
    tpu.wait_indirect_dma semaphore(%arg11 : memref<!tpu.dma_semaphore, #tpu.memory_space<semaphore_mem>>) src(%dma_wait3A_573 : memref<1000000x64xf32, #tpu.memory_space<hbm>>) dst(%dma_wait3A_567 : memref<128x64xf32, #tpu.memory_space<vmem>>)
    %dma_wait3A_574 = arith.constant 0 : i32
    %dma_wait3A_575 = arith.constant 0 : i32
    %dma_wait3A_576 = arith.constant 1 : i32
    %dma_wait3A_577 = arith.constant 0 : i32
    %dma_wait3A_578 = arith.constant 0 : i32
    %dma_wait3A_579 = tpu.memref_slice %arg7[%dma_wait3A_576, %dma_wait3A_577, %dma_wait3A_578] : memref<2x128x64xf32, #tpu.memory_space<vmem>> -> memref<1x128x64xf32, #tpu.memory_space<vmem>>
    %dma_wait3A_580 = tpu.memref_squeeze %dma_wait3A_579 : memref<1x128x64xf32, #tpu.memory_space<vmem>> -> memref<128x64xf32, #tpu.memory_space<vmem>>
    %dma_wait3A_581 = arith.constant 0 : i32
    %dma_wait3A_582 = tpu.memref_slice %arg5[%dma_wait3A_574, %dma_wait3A_575, %dma_wait3A_581] : memref<25x8x128xi32, #tpu.memory_space<vmem>> -> memref<1x1x128xi32, #tpu.memory_space<vmem>>
    %dma_wait3A_583 = tpu.memref_squeeze %dma_wait3A_582 : memref<1x1x128xi32, #tpu.memory_space<vmem>> -> memref<128xi32, #tpu.memory_space<vmem>>
    %dma_wait3A_584 = arith.constant 0 : i32
    %dma_wait3A_585 = arith.constant 0 : i32
    %dma_wait3A_586 = tpu.memref_slice %arg3[%dma_wait3A_584, %dma_wait3A_585] : memref<1000000x64xf32, #tpu.memory_space<hbm>> -> memref<1000000x64xf32, #tpu.memory_space<hbm>>
    tpu.wait_indirect_dma semaphore(%arg11 : memref<!tpu.dma_semaphore, #tpu.memory_space<semaphore_mem>>) src(%dma_wait3A_586 : memref<1000000x64xf32, #tpu.memory_space<hbm>>) dst(%dma_wait3A_580 : memref<128x64xf32, #tpu.memory_space<vmem>>)
    %scan3A_587 = arith.constant 0 : i32
    %scan3A_588 = arith.constant 128 : i32
    %scan3A_589 = arith.addi %scan3A_587, %scan3A_588 : i32
    %scan3A_590 = arith.constant 2 : i32
    scf.for %scan3A_637 = %scan3A_587 to %scan3A_589 step %scan3A_590  : i32 {
      %mul3A_638 = arith.constant 1 : i32
      %mul3A_639 = arith.muli %scan3A_637, %mul3A_638 : i32
      %add3A_640 = arith.constant 0 : i32
      %add3A_641 = arith.addi %add3A_640, %mul3A_639 : i32
      %broadcast_in_dim3A = vector.broadcast %add3A_641 : i32 to vector<16xi32>
      %broadcast_in_dim3A_642 = arith.constant 0 : i32
      %broadcast_in_dim3A_643 = vector.broadcast %broadcast_in_dim3A_642 : i32 to vector<16xi32>
      %get3A = arith.constant 0 : i32
      %get3A_644 = arith.index_cast %get3A : i32 to index
      %get3A_645 = arith.index_cast %add3A_641 : i32 to index
      %get3A_646 = arith.constant 0 : index
      %get3A_647 = tpu.vector_load %arg7[%get3A_644, %get3A_645, %get3A_646] {strides = array<i32>} : memref<2x128x64xf32, #tpu.memory_space<vmem>>, vector<16xf32>,
      %mul3A_648 = arith.constant 8.000000e+00 : f32
      %mul3A_649 = vector.broadcast %mul3A_648 : f32 to vector<16xf32>
      %mul3A_650 = arith.mulf %get3A_647, %mul3A_649 : vector<16xf32>
      %get3A_651 = arith.constant 0 : i32
      %get3A_652 = arith.index_cast %get3A_651 : i32 to index
      %get3A_653 = arith.index_cast %add3A_641 : i32 to index
      %get3A_654 = arith.constant 16 : index
      %get3A_655 = tpu.vector_load %arg7[%get3A_652, %get3A_653, %get3A_654] {strides = array<i32>} : memref<2x128x64xf32, #tpu.memory_space<vmem>>, vector<16xf32>,
      %mul3A_656 = arith.constant 8.000000e+00 : f32
      %mul3A_657 = vector.broadcast %mul3A_656 : f32 to vector<16xf32>
      %mul3A_658 = arith.mulf %get3A_655, %mul3A_657 : vector<16xf32>
      %get3A_659 = arith.constant 0 : i32
      %get3A_660 = arith.index_cast %get3A_659 : i32 to index
      %get3A_661 = arith.index_cast %add3A_641 : i32 to index
      %get3A_662 = arith.constant 32 : index
      %get3A_663 = tpu.vector_load %arg7[%get3A_660, %get3A_661, %get3A_662] {strides = array<i32>} : memref<2x128x64xf32, #tpu.memory_space<vmem>>, vector<16xf32>,
      %mul3A_664 = arith.constant 8.000000e+00 : f32
      %mul3A_665 = vector.broadcast %mul3A_664 : f32 to vector<16xf32>
      %mul3A_666 = arith.mulf %get3A_663, %mul3A_665 : vector<16xf32>
      %get3A_667 = arith.constant 0 : i32
      %get3A_668 = arith.index_cast %get3A_667 : i32 to index
      %get3A_669 = arith.index_cast %add3A_641 : i32 to index
      %get3A_670 = arith.constant 48 : index
      %get3A_671 = tpu.vector_load %arg7[%get3A_668, %get3A_669, %get3A_670] {strides = array<i32>} : memref<2x128x64xf32, #tpu.memory_space<vmem>>, vector<16xf32>,
      %mul3A_672 = arith.constant 8.000000e+00 : f32
      %mul3A_673 = vector.broadcast %mul3A_672 : f32 to vector<16xf32>
      %mul3A_674 = arith.mulf %get3A_671, %mul3A_673 : vector<16xf32>
      tpu.vector_store_idx %arg9[%broadcast_in_dim3A_643, %select_n3A, %select_n3A_151, %broadcast_in_dim3A], %mul3A_650 : memref<2x8x8x129xf32, #tpu.memory_space<vmem>>[vector<16xi32>, vector<16xi32>, vector<16xi32>, vector<16xi32>], vector<16xf32>,
      tpu.vector_store_idx %arg9[%broadcast_in_dim3A_643, %select_n3A_60, %select_n3A_176, %broadcast_in_dim3A], %mul3A_658 : memref<2x8x8x129xf32, #tpu.memory_space<vmem>>[vector<16xi32>, vector<16xi32>, vector<16xi32>, vector<16xi32>], vector<16xf32>,
      tpu.vector_store_idx %arg9[%broadcast_in_dim3A_643, %select_n3A_94, %select_n3A_201, %broadcast_in_dim3A], %mul3A_666 : memref<2x8x8x129xf32, #tpu.memory_space<vmem>>[vector<16xi32>, vector<16xi32>, vector<16xi32>, vector<16xi32>], vector<16xf32>,
      tpu.vector_store_idx %arg9[%broadcast_in_dim3A_643, %select_n3A_128, %select_n3A_226, %broadcast_in_dim3A], %mul3A_674 : memref<2x8x8x129xf32, #tpu.memory_space<vmem>>[vector<16xi32>, vector<16xi32>, vector<16xi32>, vector<16xi32>], vector<16xf32>,
      %broadcast_in_dim3A_675 = arith.constant 1 : i32
      %broadcast_in_dim3A_676 = vector.broadcast %broadcast_in_dim3A_675 : i32 to vector<16xi32>
      %get3A_677 = arith.constant 1 : i32
      %get3A_678 = arith.index_cast %get3A_677 : i32 to index
      %get3A_679 = arith.index_cast %add3A_641 : i32 to index
      %get3A_680 = arith.constant 0 : index
      %get3A_681 = tpu.vector_load %arg7[%get3A_678, %get3A_679, %get3A_680] {strides = array<i32>} : memref<2x128x64xf32, #tpu.memory_space<vmem>>, vector<16xf32>,
      %mul3A_682 = arith.constant 8.000000e+00 : f32
      %mul3A_683 = vector.broadcast %mul3A_682 : f32 to vector<16xf32>
      %mul3A_684 = arith.mulf %get3A_681, %mul3A_683 : vector<16xf32>
      %get3A_685 = arith.constant 1 : i32
      %get3A_686 = arith.index_cast %get3A_685 : i32 to index
      %get3A_687 = arith.index_cast %add3A_641 : i32 to index
      %get3A_688 = arith.constant 16 : index
      %get3A_689 = tpu.vector_load %arg7[%get3A_686, %get3A_687, %get3A_688] {strides = array<i32>} : memref<2x128x64xf32, #tpu.memory_space<vmem>>, vector<16xf32>,
      %mul3A_690 = arith.constant 8.000000e+00 : f32
      %mul3A_691 = vector.broadcast %mul3A_690 : f32 to vector<16xf32>
      %mul3A_692 = arith.mulf %get3A_689, %mul3A_691 : vector<16xf32>
      %get3A_693 = arith.constant 1 : i32
      %get3A_694 = arith.index_cast %get3A_693 : i32 to index
      %get3A_695 = arith.index_cast %add3A_641 : i32 to index
      %get3A_696 = arith.constant 32 : index
      %get3A_697 = tpu.vector_load %arg7[%get3A_694, %get3A_695, %get3A_696] {strides = array<i32>} : memref<2x128x64xf32, #tpu.memory_space<vmem>>, vector<16xf32>,
      %mul3A_698 = arith.constant 8.000000e+00 : f32
      %mul3A_699 = vector.broadcast %mul3A_698 : f32 to vector<16xf32>
      %mul3A_700 = arith.mulf %get3A_697, %mul3A_699 : vector<16xf32>
      %get3A_701 = arith.constant 1 : i32
      %get3A_702 = arith.index_cast %get3A_701 : i32 to index
      %get3A_703 = arith.index_cast %add3A_641 : i32 to index
      %get3A_704 = arith.constant 48 : index
      %get3A_705 = tpu.vector_load %arg7[%get3A_702, %get3A_703, %get3A_704] {strides = array<i32>} : memref<2x128x64xf32, #tpu.memory_space<vmem>>, vector<16xf32>,
      %mul3A_706 = arith.constant 8.000000e+00 : f32
      %mul3A_707 = vector.broadcast %mul3A_706 : f32 to vector<16xf32>
      %mul3A_708 = arith.mulf %get3A_705, %mul3A_707 : vector<16xf32>
      tpu.vector_store_idx %arg9[%broadcast_in_dim3A_676, %select_n3A, %select_n3A_151, %broadcast_in_dim3A], %mul3A_684 : memref<2x8x8x129xf32, #tpu.memory_space<vmem>>[vector<16xi32>, vector<16xi32>, vector<16xi32>, vector<16xi32>], vector<16xf32>,
      tpu.vector_store_idx %arg9[%broadcast_in_dim3A_676, %select_n3A_60, %select_n3A_176, %broadcast_in_dim3A], %mul3A_692 : memref<2x8x8x129xf32, #tpu.memory_space<vmem>>[vector<16xi32>, vector<16xi32>, vector<16xi32>, vector<16xi32>], vector<16xf32>,
      tpu.vector_store_idx %arg9[%broadcast_in_dim3A_676, %select_n3A_94, %select_n3A_201, %broadcast_in_dim3A], %mul3A_700 : memref<2x8x8x129xf32, #tpu.memory_space<vmem>>[vector<16xi32>, vector<16xi32>, vector<16xi32>, vector<16xi32>], vector<16xf32>,
      tpu.vector_store_idx %arg9[%broadcast_in_dim3A_676, %select_n3A_128, %select_n3A_226, %broadcast_in_dim3A], %mul3A_708 : memref<2x8x8x129xf32, #tpu.memory_space<vmem>>[vector<16xi32>, vector<16xi32>, vector<16xi32>, vector<16xi32>], vector<16xf32>,
      %scan3A_709 = arith.constant 1 : i32
      %scan3A_710 = arith.addi %scan3A_637, %scan3A_709 : i32
      %mul3A_711 = arith.constant 1 : i32
      %mul3A_712 = arith.muli %scan3A_710, %mul3A_711 : i32
      %add3A_713 = arith.constant 0 : i32
      %add3A_714 = arith.addi %add3A_713, %mul3A_712 : i32
      %broadcast_in_dim3A_715 = vector.broadcast %add3A_714 : i32 to vector<16xi32>
      %broadcast_in_dim3A_716 = arith.constant 0 : i32
      %broadcast_in_dim3A_717 = vector.broadcast %broadcast_in_dim3A_716 : i32 to vector<16xi32>
      %get3A_718 = arith.constant 0 : i32
      %get3A_719 = arith.index_cast %get3A_718 : i32 to index
      %get3A_720 = arith.index_cast %add3A_714 : i32 to index
      %get3A_721 = arith.constant 0 : index
      %get3A_722 = tpu.vector_load %arg7[%get3A_719, %get3A_720, %get3A_721] {strides = array<i32>} : memref<2x128x64xf32, #tpu.memory_space<vmem>>, vector<16xf32>,
      %mul3A_723 = arith.constant 8.000000e+00 : f32
      %mul3A_724 = vector.broadcast %mul3A_723 : f32 to vector<16xf32>
      %mul3A_725 = arith.mulf %get3A_722, %mul3A_724 : vector<16xf32>
      %get3A_726 = arith.constant 0 : i32
      %get3A_727 = arith.index_cast %get3A_726 : i32 to index
      %get3A_728 = arith.index_cast %add3A_714 : i32 to index
      %get3A_729 = arith.constant 16 : index
      %get3A_730 = tpu.vector_load %arg7[%get3A_727, %get3A_728, %get3A_729] {strides = array<i32>} : memref<2x128x64xf32, #tpu.memory_space<vmem>>, vector<16xf32>,
      %mul3A_731 = arith.constant 8.000000e+00 : f32
      %mul3A_732 = vector.broadcast %mul3A_731 : f32 to vector<16xf32>
      %mul3A_733 = arith.mulf %get3A_730, %mul3A_732 : vector<16xf32>
      %get3A_734 = arith.constant 0 : i32
      %get3A_735 = arith.index_cast %get3A_734 : i32 to index
      %get3A_736 = arith.index_cast %add3A_714 : i32 to index
      %get3A_737 = arith.constant 32 : index
      %get3A_738 = tpu.vector_load %arg7[%get3A_735, %get3A_736, %get3A_737] {strides = array<i32>} : memref<2x128x64xf32, #tpu.memory_space<vmem>>, vector<16xf32>,
      %mul3A_739 = arith.constant 8.000000e+00 : f32
      %mul3A_740 = vector.broadcast %mul3A_739 : f32 to vector<16xf32>
      %mul3A_741 = arith.mulf %get3A_738, %mul3A_740 : vector<16xf32>
      %get3A_742 = arith.constant 0 : i32
      %get3A_743 = arith.index_cast %get3A_742 : i32 to index
      %get3A_744 = arith.index_cast %add3A_714 : i32 to index
      %get3A_745 = arith.constant 48 : index
      %get3A_746 = tpu.vector_load %arg7[%get3A_743, %get3A_744, %get3A_745] {strides = array<i32>} : memref<2x128x64xf32, #tpu.memory_space<vmem>>, vector<16xf32>,
      %mul3A_747 = arith.constant 8.000000e+00 : f32
      %mul3A_748 = vector.broadcast %mul3A_747 : f32 to vector<16xf32>
      %mul3A_749 = arith.mulf %get3A_746, %mul3A_748 : vector<16xf32>
      tpu.vector_store_idx %arg9[%broadcast_in_dim3A_717, %select_n3A, %select_n3A_151, %broadcast_in_dim3A_715], %mul3A_725 : memref<2x8x8x129xf32, #tpu.memory_space<vmem>>[vector<16xi32>, vector<16xi32>, vector<16xi32>, vector<16xi32>], vector<16xf32>,
      tpu.vector_store_idx %arg9[%broadcast_in_dim3A_717, %select_n3A_60, %select_n3A_176, %broadcast_in_dim3A_715], %mul3A_733 : memref<2x8x8x129xf32, #tpu.memory_space<vmem>>[vector<16xi32>, vector<16xi32>, vector<16xi32>, vector<16xi32>], vector<16xf32>,
      tpu.vector_store_idx %arg9[%broadcast_in_dim3A_717, %select_n3A_94, %select_n3A_201, %broadcast_in_dim3A_715], %mul3A_741 : memref<2x8x8x129xf32, #tpu.memory_space<vmem>>[vector<16xi32>, vector<16xi32>, vector<16xi32>, vector<16xi32>], vector<16xf32>,
      tpu.vector_store_idx %arg9[%broadcast_in_dim3A_717, %select_n3A_128, %select_n3A_226, %broadcast_in_dim3A_715], %mul3A_749 : memref<2x8x8x129xf32, #tpu.memory_space<vmem>>[vector<16xi32>, vector<16xi32>, vector<16xi32>, vector<16xi32>], vector<16xf32>,
      %broadcast_in_dim3A_750 = arith.constant 1 : i32
      %broadcast_in_dim3A_751 = vector.broadcast %broadcast_in_dim3A_750 : i32 to vector<16xi32>
      %get3A_752 = arith.constant 1 : i32
      %get3A_753 = arith.index_cast %get3A_752 : i32 to index
      %get3A_754 = arith.index_cast %add3A_714 : i32 to index
      %get3A_755 = arith.constant 0 : index
      %get3A_756 = tpu.vector_load %arg7[%get3A_753, %get3A_754, %get3A_755] {strides = array<i32>} : memref<2x128x64xf32, #tpu.memory_space<vmem>>, vector<16xf32>,
      %mul3A_757 = arith.constant 8.000000e+00 : f32
      %mul3A_758 = vector.broadcast %mul3A_757 : f32 to vector<16xf32>
      %mul3A_759 = arith.mulf %get3A_756, %mul3A_758 : vector<16xf32>
      %get3A_760 = arith.constant 1 : i32
      %get3A_761 = arith.index_cast %get3A_760 : i32 to index
      %get3A_762 = arith.index_cast %add3A_714 : i32 to index
      %get3A_763 = arith.constant 16 : index
      %get3A_764 = tpu.vector_load %arg7[%get3A_761, %get3A_762, %get3A_763] {strides = array<i32>} : memref<2x128x64xf32, #tpu.memory_space<vmem>>, vector<16xf32>,
      %mul3A_765 = arith.constant 8.000000e+00 : f32
      %mul3A_766 = vector.broadcast %mul3A_765 : f32 to vector<16xf32>
      %mul3A_767 = arith.mulf %get3A_764, %mul3A_766 : vector<16xf32>
      %get3A_768 = arith.constant 1 : i32
      %get3A_769 = arith.index_cast %get3A_768 : i32 to index
      %get3A_770 = arith.index_cast %add3A_714 : i32 to index
      %get3A_771 = arith.constant 32 : index
      %get3A_772 = tpu.vector_load %arg7[%get3A_769, %get3A_770, %get3A_771] {strides = array<i32>} : memref<2x128x64xf32, #tpu.memory_space<vmem>>, vector<16xf32>,
      %mul3A_773 = arith.constant 8.000000e+00 : f32
      %mul3A_774 = vector.broadcast %mul3A_773 : f32 to vector<16xf32>
      %mul3A_775 = arith.mulf %get3A_772, %mul3A_774 : vector<16xf32>
      %get3A_776 = arith.constant 1 : i32
      %get3A_777 = arith.index_cast %get3A_776 : i32 to index
      %get3A_778 = arith.index_cast %add3A_714 : i32 to index
      %get3A_779 = arith.constant 48 : index
      %get3A_780 = tpu.vector_load %arg7[%get3A_777, %get3A_778, %get3A_779] {strides = array<i32>} : memref<2x128x64xf32, #tpu.memory_space<vmem>>, vector<16xf32>,
      %mul3A_781 = arith.constant 8.000000e+00 : f32
      %mul3A_782 = vector.broadcast %mul3A_781 : f32 to vector<16xf32>
      %mul3A_783 = arith.mulf %get3A_780, %mul3A_782 : vector<16xf32>
      tpu.vector_store_idx %arg9[%broadcast_in_dim3A_751, %select_n3A, %select_n3A_151, %broadcast_in_dim3A_715], %mul3A_759 : memref<2x8x8x129xf32, #tpu.memory_space<vmem>>[vector<16xi32>, vector<16xi32>, vector<16xi32>, vector<16xi32>], vector<16xf32>,
      tpu.vector_store_idx %arg9[%broadcast_in_dim3A_751, %select_n3A_60, %select_n3A_176, %broadcast_in_dim3A_715], %mul3A_767 : memref<2x8x8x129xf32, #tpu.memory_space<vmem>>[vector<16xi32>, vector<16xi32>, vector<16xi32>, vector<16xi32>], vector<16xf32>,
      tpu.vector_store_idx %arg9[%broadcast_in_dim3A_751, %select_n3A_94, %select_n3A_201, %broadcast_in_dim3A_715], %mul3A_775 : memref<2x8x8x129xf32, #tpu.memory_space<vmem>>[vector<16xi32>, vector<16xi32>, vector<16xi32>, vector<16xi32>], vector<16xf32>,
      tpu.vector_store_idx %arg9[%broadcast_in_dim3A_751, %select_n3A_128, %select_n3A_226, %broadcast_in_dim3A_715], %mul3A_783 : memref<2x8x8x129xf32, #tpu.memory_space<vmem>>[vector<16xi32>, vector<16xi32>, vector<16xi32>, vector<16xi32>], vector<16xf32>,
    }
    %scan3A_591 = arith.constant 128 : i32
    %dma_start3A_592 = arith.constant 0 : i32
    %dma_start3A_593 = arith.constant 0 : i32
    %dma_start3A_594 = arith.constant 0 : i32
    %dma_start3A_595 = arith.constant 0 : i32
    %dma_start3A_596 = tpu.memref_slice %arg9[%dma_start3A_592, %dma_start3A_593, %dma_start3A_594, %dma_start3A_595] : memref<2x8x8x129xf32, #tpu.memory_space<vmem>> -> memref<2x8x8x128xf32, #tpu.memory_space<vmem>>
    %dma_start3A_597 = arith.constant 198 : i32
    %dma_start3A_598 = arith.constant 0 : i32
    %dma_start3A_599 = arith.constant 0 : i32
    %dma_start3A_600 = arith.constant 0 : i32
    %dma_start3A_601 = tpu.memref_slice %arg4[%dma_start3A_597, %dma_start3A_598, %add3A, %dma_start3A_599, %dma_start3A_600] : memref<200x8x32x8x128xf32, #tpu.memory_space<hbm>> -> memref<2x8x1x8x128xf32, #tpu.memory_space<hbm>>
    %dma_start3A_602 = tpu.memref_squeeze %dma_start3A_601 : memref<2x8x1x8x128xf32, #tpu.memory_space<hbm>> -> memref<2x8x8x128xf32, #tpu.memory_space<hbm>>
    %dma_start3A_603 = arith.constant 198 : i32
    %dma_start3A_604 = arith.constant 0 : i32
    %dma_start3A_605 = arith.constant 0 : i32
    %dma_start3A_606 = arith.constant 0 : i32
    %dma_start3A_607 = tpu.memref_slice %arg4[%dma_start3A_603, %dma_start3A_604, %add3A, %dma_start3A_605, %dma_start3A_606] : memref<200x8x32x8x128xf32, #tpu.memory_space<hbm>> -> memref<2x8x1x8x128xf32, #tpu.memory_space<hbm>>
    %dma_start3A_608 = tpu.memref_squeeze %dma_start3A_607 : memref<2x8x1x8x128xf32, #tpu.memory_space<hbm>> -> memref<2x8x8x128xf32, #tpu.memory_space<hbm>>
    %dma_start3A_609 = arith.constant 0 : i32
    %dma_start3A_610 = arith.constant 0 : i32
    %dma_start3A_611 = arith.constant 0 : i32
    %dma_start3A_612 = arith.constant 0 : i32
    %dma_start3A_613 = tpu.memref_slice %arg9[%dma_start3A_609, %dma_start3A_610, %dma_start3A_611, %dma_start3A_612] : memref<2x8x8x129xf32, #tpu.memory_space<vmem>> -> memref<2x8x8x128xf32, #tpu.memory_space<vmem>>
    tpu.enqueue_dma source(%dma_start3A_613 : memref<2x8x8x128xf32, #tpu.memory_space<vmem>>) target(%dma_start3A_608 : memref<2x8x8x128xf32, #tpu.memory_space<hbm>>) target_semaphore(%arg13 : memref<!tpu.dma_semaphore, #tpu.memory_space<semaphore_mem>>)
    %dma_wait3A_614 = arith.constant 0 : i32
    %dma_wait3A_615 = arith.constant 0 : i32
    %dma_wait3A_616 = arith.constant 0 : i32
    %dma_wait3A_617 = arith.constant 0 : i32
    %dma_wait3A_618 = arith.constant 0 : i32
    %dma_wait3A_619 = tpu.memref_slice %arg9[%dma_wait3A_615, %dma_wait3A_616, %dma_wait3A_617, %dma_wait3A_618] : memref<2x8x8x129xf32, #tpu.memory_space<vmem>> -> memref<2x8x8x128xf32, #tpu.memory_space<vmem>>
    %dma_wait3A_620 = arith.constant 0 : i32
    %dma_wait3A_621 = arith.constant 0 : i32
    %dma_wait3A_622 = arith.constant 0 : i32
    %dma_wait3A_623 = arith.constant 0 : i32
    %dma_wait3A_624 = tpu.memref_slice %arg4[%dma_wait3A_620, %dma_wait3A_621, %dma_wait3A_614, %dma_wait3A_622, %dma_wait3A_623] : memref<200x8x32x8x128xf32, #tpu.memory_space<hbm>> -> memref<2x8x1x8x128xf32, #tpu.memory_space<hbm>>
    %dma_wait3A_625 = tpu.memref_squeeze %dma_wait3A_624 : memref<2x8x1x8x128xf32, #tpu.memory_space<hbm>> -> memref<2x8x8x128xf32, #tpu.memory_space<hbm>>
    %dma_wait3A_626 = arith.constant 0 : i32
    %dma_wait3A_627 = arith.constant 0 : i32
    %dma_wait3A_628 = arith.constant 0 : i32
    %dma_wait3A_629 = arith.constant 0 : i32
    %dma_wait3A_630 = tpu.memref_slice %arg4[%dma_wait3A_626, %dma_wait3A_627, %dma_wait3A_614, %dma_wait3A_628, %dma_wait3A_629] : memref<200x8x32x8x128xf32, #tpu.memory_space<hbm>> -> memref<2x8x1x8x128xf32, #tpu.memory_space<hbm>>
    %dma_wait3A_631 = tpu.memref_squeeze %dma_wait3A_630 : memref<2x8x1x8x128xf32, #tpu.memory_space<hbm>> -> memref<2x8x8x128xf32, #tpu.memory_space<hbm>>
    %dma_wait3A_632 = arith.constant 0 : i32
    %dma_wait3A_633 = arith.constant 0 : i32
    %dma_wait3A_634 = arith.constant 0 : i32
    %dma_wait3A_635 = arith.constant 0 : i32
    %dma_wait3A_636 = tpu.memref_slice %arg9[%dma_wait3A_632, %dma_wait3A_633, %dma_wait3A_634, %dma_wait3A_635] : memref<2x8x8x129xf32, #tpu.memory_space<vmem>> -> memref<2x8x8x128xf32, #tpu.memory_space<vmem>>
    tpu.wait_dma2 semaphore(%arg13 : memref<!tpu.dma_semaphore, #tpu.memory_space<semaphore_mem>>) src(%dma_wait3A_636 : memref<2x8x8x128xf32, #tpu.memory_space<vmem>>) dst(%dma_wait3A_631 : memref<2x8x8x128xf32, #tpu.memory_space<hbm>>)
    return
  }
}

</mosaic_0001>

<sc_bundles>
// kernel: kernel.3.cloned.1.call-start
scs
__scs_entry_jumppad:
0x0: {  	(pc) =	sbr.rel $0x88, $3  }
0x1: {  	(tag) =	ssettag $0x0;
	lr =	simm.s32 $0x1  }
0x2: {  	[smem:$0x3F9F] =	sst lr;
	_ =	strace $0xD0000000  }
0x3: {  	_ = 	snop  }
0x4: {  	_ = 	snop  }
0x5: {  	_ = 	snop  }
0x6: {  	_ = 	snop  }
0x7: {  	_ = 	snop  }
__scs_overlays_trampoline_lowered:
0x8: {  	[smem:$0x3FAE] =	sst s0  }
0x9: {  	[smem:$0x3FAF] =	sst s1  }
0xa: {  	[smem:$0x3FB0] =	sst s2  }
0xb: {  	[smem:$0x3FB1] =	sst s3  }
0xc: {  	[smem:$0x3FB2] =	sst s4  }
0xd: {  	[smem:$0x3FB3] =	sst s5  }
0xe: {  	[smem:$0x3FB4] =	sst s6  }
0xf: {  	[smem:$0x3FB5] =	sst s7  }
0x10: {  	[smem:$0x3FB6] =	sst s8  }
0x11: {  	[smem:$0x3FB7] =	sst s9;
	s0 =	simm.s32 @!p0 $0x0  }
0x12: {  	s1 =	sld [smem:$0x3F9D];
	s0 =	simm.s32 @p0 $0x1  }
0x13: {  	[smem:$0x3FB8] =	sst s0;
	s0 =	simm.s32 @!p1 $0x0  }
0x14: {  	s2 =	sld [smem:$0x3F9C];
	s0 =	simm.s32 @p1 $0x1  }
0x15: {  	[smem:$0x3FB9] =	sst s0;
	s0 =	simm.s32 @!p2 $0x0  }
0x16: {  	s3 =	sld [smem:$0x3FDB];
	s0 =	simm.s32 @p2 $0x1  }
0x17: {  	s4 =	simm.s32 $0x1BF5;
	[smem:$0x3FBB] =	sst s0  }
0x18: {  	s0 =	sld [smem:$0x3F9E];
	_ =	swait.ge [sflag:s4], $0x0  }
0x19: {  	s7 =	sld [smem:$0x3F9F]  }
0x1a: {  	s8 =	sadd.s32 $0xFFFFE003, lr  }
0x1b: {  	s9 =	sadd.s32 $0xFFFFFEF7, lr;
	s5 =	simm.s32 $0xFFFFFFFF;
	p2 =	slt.u32 s8, $0xFFFFF086  }
0x1c: {  	p1 =	slt.u32 s9, $0xF7A;
	s5 =	simm.s32 @!p2 $0x0  }
0x1d: {  	s5 =	simm.s32 @p1 $0x1;
	p0 =	seq.s32 s7, s2  }
0x1e: {  	s7 =	smul.u32 @!p0 $0xF7A, s2;
	p2 =	seq.s32 @!p0 s5, $0x0  }
0x1f: {  	s9 =	smul.u32 $0xF7A, s1;
	s8 =	simm.s32 @!p0 $0x1BF5;
	p2 =	por !p2, p0  }
0x20: {  	[sflag:s8] =	ssyncset.s32 @!p0 $0xFFFFF086;
	s6 =	sadd.s32 @!p0 s3, s7;
	s7 =	simm.s32 @!p0 $0x108  }
0x21: {  	s3 =	sadd.s32 s3, s9;
	s6 =	sadd.s32 @!p0 $0x88, s6;
	s7 =	simm.s32 @p2 $0x1082  }
0x22: {  	[simem:s7], [sflag:s8] =	dma.local @!p0 [hbm:s6], $0xF7A  }
0x23: {  	s9 =	sor.u32 $0xD0000000, s2;
	s6 =	simm.s32 $0x108;
	_ =	swait.ge @!p0 [sflag:s8], $0x0  }
0x24: {  	s3 =	sadd.s32 $0x88, s3;
	s6 =	simm.s32 @!p1 $0x1082;
	[sflag:s4] =	ssyncset.s32 $0xFFFFF086  }
0x25: {  	[simem:s6], [sflag:s4] =	dma.local [hbm:s3], $0xF7A  }
0x26: {  	[smem:$0x3F9F] =	sst s1;
	(tag) =	ssettag s2;
	_ =	strace s9  }
0x27: {  	s1 =	sld [smem:$0x3FAF]  }
0x28: {  	s2 =	sld [smem:$0x3FB0]  }
0x29: {  	s4 =	sld [smem:$0x3FB2]  }
0x2a: {  	p0 =	seq.s32 s5, $0x0;
	s5 =	sld [smem:$0x3FB3]  }
0x2b: {  	s6 =	sld [smem:$0x3FB4]  }
0x2c: {  	s7 =	sld [smem:$0x3FB5]  }
0x2d: {  	s3 =	simm.s32 $0x108;
	s8 =	sld [smem:$0x3FB6]  }
0x2e: {  	s3 =	simm.s32 @!p0 $0x1082;
	s9 =	sld [smem:$0x3FB7]  }
0x2f: {  	lr =	sadd.s32 s0, s3;
	s0 =	sld [smem:$0x3FAE]  }
0x30: {  	s3 =	sld [smem:$0x3FB1]  }
0x31: {  	[smem:$0x3FBA] =	sst s10  }
0x32: {  	s10 =	sld [smem:$0x3FB8];
	_ =	sdelay $0x3  }
0x33: {  	p0 =	seq.s32 s10, $0x1;
	s10 =	sld [smem:$0x3FBA];
	_ =	sdelay $0x3  }
0x34: {  	[smem:$0x3FBA] =	sst s10  }
0x35: {  	s10 =	sld [smem:$0x3FB9];
	_ =	sdelay $0x3  }
0x36: {  	p1 =	seq.s32 s10, $0x1;
	s10 =	sld [smem:$0x3FBA];
	_ =	sdelay $0x3  }
0x37: {  	[smem:$0x3FBA] =	sst s10  }
0x38: {  	s10 =	sld [smem:$0x3FBB]  }
0x39: {  	_ = 	snop;
	(pc) =	sbr.ind lr, $3  }
0x3a: {  	_ = 	snop  }
0x3b: {  	_ = 	snop  }
0x3c: {  	p2 =	seq.s32 s10, $0x1;
	s10 =	sld [smem:$0x3FBA]  }
0x3d: {  	_ =	shalt  }
0x3e: {  	_ =	shalt  }
0x3f: {  	_ =	shalt  }
0x40: {  	_ =	shalt  }
0x41: {  	_ =	shalt  }
0x42: {  	_ =	shalt  }
0x43: {  	_ =	shalt  }
0x44: {  	_ =	shalt  }
0x45: {  	_ =	shalt  }
0x46: {  	_ =	shalt  }
0x47: {  	_ =	shalt  }
0x48: {  	_ =	shalt  }
0x49: {  	_ =	shalt  }
0x4a: {  	_ =	shalt  }
0x4b: {  	_ =	shalt  }
0x4c: {  	_ =	shalt  }
0x4d: {  	_ =	shalt  }
0x4e: {  	_ =	shalt  }
0x4f: {  	_ =	shalt  }
0x50: {  	_ =	shalt  }
0x51: {  	_ =	shalt  }
0x52: {  	_ =	shalt  }
0x53: {  	_ =	shalt  }
0x54: {  	_ =	shalt  }
0x55: {  	_ =	shalt  }
0x56: {  	_ =	shalt  }
0x57: {  	_ =	shalt  }
0x58: {  	_ =	shalt  }
0x59: {  	_ =	shalt  }
0x5a: {  	_ =	shalt  }
0x5b: {  	_ =	shalt  }
0x5c: {  	_ =	shalt  }
0x5d: {  	_ =	shalt  }
0x5e: {  	_ =	shalt  }
0x5f: {  	_ =	shalt  }
0x60: {  	_ =	shalt  }
0x61: {  	_ =	shalt  }
0x62: {  	_ =	shalt  }
0x63: {  	_ =	shalt  }
0x64: {  	_ =	shalt  }
0x65: {  	_ =	shalt  }
0x66: {  	_ =	shalt  }
0x67: {  	_ =	shalt  }
0x68: {  	_ =	shalt  }
0x69: {  	_ =	shalt  }
0x6a: {  	_ =	shalt  }
0x6b: {  	_ =	shalt  }
0x6c: {  	_ =	shalt  }
0x6d: {  	_ =	shalt  }
0x6e: {  	_ =	shalt  }
0x6f: {  	_ =	shalt  }
0x70: {  	_ =	shalt  }
0x71: {  	_ =	shalt  }
0x72: {  	_ =	shalt  }
0x73: {  	_ =	shalt  }
0x74: {  	_ =	shalt  }
0x75: {  	_ =	shalt  }
0x76: {  	_ =	shalt  }
0x77: {  	_ =	shalt  }
0x78: {  	_ =	shalt  }
0x79: {  	_ =	shalt  }
0x7a: {  	_ =	shalt  }
0x7b: {  	_ =	shalt  }
0x7c: {  	_ =	shalt  }
0x7d: {  	_ =	shalt  }
0x7e: {  	_ =	shalt  }
0x7f: {  	_ =	shalt  }
0x80: {  	_ =	shalt  }
0x81: {  	_ =	shalt  }
0x82: {  	_ =	shalt  }
0x83: {  	_ =	shalt  }
0x84: {  	_ =	shalt  }
0x85: {  	_ =	shalt  }
0x86: {  	_ =	shalt  }
0x87: {  	_ =	shalt  }
.Lfunc_end0:
.L_simem_size_0:
called_computation_lowered:
.L_overlay_start_0:
0x88: {  	s2 =	sld [smem:$0x3FD9]  }
0x89: {  	s3 =	sld [smem:$0x3FFE];
	_ =	sdelay $0x1  }
0x8a: {  	s1 =	srdreg.scid  }
0x8b: {  	s0 =	sand.u32 $0x1, s1  }
0x8c: {  	s17 =	sshll.u32 s0, $0xA;
	s2 =	sadd.s32 s3, s2  }
0x8d: {  	s2 =	sadd.s32 s2, s17  }
0x8e: {  	[smem:$0x3FC6] =	sst s2  }
0x8f: {  	_ = 	snop  }
0x90: {  	s2 =	sld [smem:$0x3FC9]  }
0x91: {  	s18 =	sld [smem:$0x3FD0];
	(tm) =	ssettm $0x1  }
0x92: {  	s4 =	sld [smem:$0x3FFB];
	_ =	sdelay $0x3  }
0x93: {  	_ =	strace s4  }
0x94: {  	s4 =	sld [smem:$0x3FFC];
	_ =	sdelay $0x3  }
0x95: {  	_ =	strace s4  }
0x96: {  	s4 =	sld [smem:$0x3FFD];
	_ =	sdelay $0x3  }
0x97: {  	_ =	strace s4  }
0x98: {  	_ =	strace $0x8FFFFFFF  }
0x99: {  	s19 =	sld [smem:$0x3FDB];
	_ =	sdelay $0x1  }
0x9a: {  	s5 =	simm.s32 $_scs_section_size  }
0x9b: {  	s6 =	simm.s32 $_size__tile_overlayer_lowered;
	s7 =	simm.s32 $_tile_overlayer_lowered  }
0x9c: {  	s22 =	simm.s32 $0x1BFF;
	s21 =	sshll.u32 s7, $0x1;
	s4 =	sadd.s32 s5, s19  }
0x9d: {  	s8 =	simm.s32 $0x0;
	s20 =	sshll.u32 s6, $0x1;
	s6 =	sadd.s32 s21, s4  }
0x9e: {  	[timem:s8], [sflag:s22] =	dma.local [hbm:s6], s20  }
0x9f: {  	_ =	swait.ge [sflag:s22], s20  }
0xa0: {  	s5 =	ssub.s32 $0x0, s20;
	[sflag:s22] =	ssyncset.done $0x0  }
0xa1: {  	[sflag:s22] =	ssyncadd.s32 s5;
	_ =	sdelay $0x1  }
0xa2: {  	s23 =	simm.s32 $0x1B8B  }
0xa3: {  	_ =	swait.ge [sflag:s23], $0x1  }
0xa4: {  	[sflag:s23] =	ssyncset.done $0x0  }
0xa5: {  	s25 =	simm.s32 $0x1B8E;
	s24 =	sld [smem:$0x3FFE];
	[sflag:s23] =	ssyncadd.s32 $0xFFFFFFFF  }
0xa6: {  	s26 =	simm.s32 $execute0_lowered;
	[smem:$0x3FD2] =	sst s25  }
0xa7: {  	s6 =	sshll.u32 s26, $0x1;
	_ =	strace $0x80000046;
	[dreg:$0x1] =	wrdreg $0xFFFFFFFF  }
0xa8: {  	s28 =	simm.s32 $_size_execute0_lowered;
	s4 =	sadd.s32 s4, s6;
	[dreg:$0x0] =	wrdreg $0x0  }
0xa9: {  	s6 =	sshll.u32 s28, $0x1;
	[dreg:$0x2] =	wrdreg s4  }
0xaa: {  	[dreg:$0x3] =	wrdreg s6  }
0xab: {  	[dreg:$0x4] =	wrdreg $0xC0  }
0xac: {  	_ =	task [dreg:s8], $0x5FFFF  }
0xad: {  	[dreg:$0x1] =	wrdreg $0xFFFFFFFF  }
0xae: {  	[dreg:$0x0] =	wrdreg $0x60  }
0xaf: {  	[dreg:$0x2] =	wrdreg s2  }
0xb0: {  	[dreg:$0x3] =	wrdreg s24  }
0xb1: {  	[dreg:$0x4] =	wrdreg s18  }
0xb2: {  	[dreg:$0x5] =	wrdreg $0x9  }
0xb3: {  	_ =	task.clear_ibuf [dreg:s8], $0x6FFFF;
	_ =	strace $0x90000046  }
0xb4: {  	s29 =	simm.s32 $0x9;
	_ =	strace $0x80000048  }
0xb5: {  	_ =	swait.ge [sflag:s29], $0x1  }
0xb6: {  	[sflag:s29] =	ssyncadd.s32 $0xFFFFFFFF  }
0xb7: {  	_ =	strace $0x90000048  }
0xb8: {  	_ =	sfence  }
0xb9: {  	s30 =	sld [smem:$0x0];
	_ =	sdelay $0x2  }
0xba: {  	s31 =	sshll.u32 s1, $0xD;
	s1 =	sshrl.u32 s1, $0x2  }
0xbb: {  	s3 =	sand.u32 $0x4000, s31;
	s1 =	sadd.s32 s1, s30  }
0xbc: {  	s0 =	sor.u32 s3, s0;
	s1 =	sshll.u32 s1, $0x11  }
0xbd: {  	s0 =	sor.u32 s1, s0  }
0xbe: {  	s0 =	sadd.s32 $0x8F2B, s0  }
0xbf: {  	[sflag:s0] =	ssyncadd.remote.s32 $0x1  }
0xc0: {  	_ =	sfence.sel $0xFFFF  }
0xc1: {  	[dreg:$0x0] =	wrdreg $0xFFFFFFFF;
	(pc) =	sbr.abs _section_cstart, $3  }
0xc2: {  	[dreg:$0x1] =	wrdreg $0xFFFFFFFF  }
0xc3: {  	_ =	task.clear_ibuf [dreg:s8], $0x2FFFF;
	_ =	strace $0x9FFFFFFF  }
0xc4: {  	(tm) =	ssettm $0x7FFFFFFF  }
0xc5: {  	_ =	shalt  }
tec
execute0_lowered:
.L_overlay_start_1:
0x0: {  	(tag) =	ssettag $0x1  }
0x1: {  	s0 =	rddreg [dreg:$0x0]  }
0x2: {  	s1 =	rddreg [dreg:$0x1]  }
0x3: {  	s2 =	rddreg [dreg:$0x2];
	s3 =	srdreg.scid  }
0x4: {  	s4 =	stileid.u32;
	s14 =	simm.s32 $0x5;
	s15 =	simm.s32 $0x80  }
0x5: {  	s16 =	simm.s32 $0x6400;
	s18 =	simm.s32 $0xA400;
	s20 =	simm.s32 $0xC400  }
0x6: {  	s21 =	simm.s32 $0x1;
	s22 =	simm.s32 $0xE400;
	s23 =	simm.s32 $0x3  }
0x7: {  	s26 =	simm.s32 $0x8400;
	s28 =	simm.s32 $0x2;
	s29 =	simm.s32 $0x12800  }
0x8: {  	s30 =	simm.s32 $0x4;
	s5 =	sand.u32 $0x1, s3;
	s3 =	simm.s32 $0x0  }
0x9: {  	v0 =	vlaneseq.u32;
	s4 =	sshll.u32 s4, $0xB;
	s6 =	sshll.u32 s5, $0xA;
	[smem:$0x7FF] =	sst s3  }
0xa: {  	v0 =	vmul.u32 $0x88, v0;
	s7 =	ssub.s32 $0x2, s5;
	s5 =	sadd.s32 $0xF42800, s1;
	s4 =	sor.u32 s6, s4  }
0xb: {  	_ =	strace $0x80000047;
	s31 =	sshrl.u32 s7, $0x1;
	s8 =	sshrl.u32 s4, $0x3  }
0xc: {  	v1 =	vadd.s32 $0x880, v0;
	s1 =	ssub.s32 s7, s31;
	s6 =	sadd.s32 s2, s8;
	s0 =	sadd.s32 s0, s8  }
0xd: {  	v2 =	vadd.s32 $0x1100, v0;
	v3 =	vadd.s32 $0x1980, v0;
	v4 =	vadd.s32 $0x2200, v0;
	s11 =	smax.u32 s1, $0x1;
	s1 =	simm.s32 $0x0;
	[dreg:$0x4] =	wrdreg s0  }
0xe: {  	v5 =	vadd.s32 $0x2A80, v0;
	v6 =	vadd.s32 $0x3300, v0;
	v7 =	vadd.s32 $0x3B80, v0;
	s8 =	sadd.s32 $0x10000, s6;
	s9 =	sadd.s32 $0x620000, s6;
	s10 =	sadd.s32 $0x630000, s6  }
.LBB2_1:
0xf: {  	s0 =	rddreg [dreg:$0x4];
	s7 =	simm.s32 $0x400;
	s12 =	simm.s32 $0x8000  }
0x10: {  	[tilespmem:s3], [sflag:$0x5] =	stream.strided.gather [hbm4b:s0+s7], $0x6400, s12, s7, $0x38;
	[tilespmem:$0x16C00] =	vst v63  }
0x11: {  	_ =	swait.ge [sflag:s14], $0x6400  }
0x12: {  	[sflag:s14] =	ssyncset.done $0x0  }
0x13: {  	[sflag:s14] =	ssyncadd.s32 $0xFFFF9C00  }
0x14: {  	[tilespmem:s16], [sflag:$0x1] =	stream.indirect.gather [hbm4b:s5+s15], $0x40, s3, s15, $0xb8;
	[tilespmem:$0x16C00] =	vst v63  }
0x15: {  	_ = 	snop  }
0x16: {  	[tilespmem:s26], [sflag:$0x1] =	stream.indirect.gather [hbm4b:s5+s15], $0x40, s15, s15, $0xb8;
	[tilespmem:$0x16C00] =	vst v63  }
0x17: {  	s24 =	simm.s32 $0x100  }
0x18: {  	[tilespmem:s18], [sflag:$0x2] =	stream.indirect.gather [hbm4b:s5+s15], $0x40, s24, s15, $0xb8;
	[tilespmem:$0x16C00] =	vst v63  }
0x19: {  	s25 =	simm.s32 $0x180  }
0x1a: {  	[tilespmem:s20], [sflag:$0x2] =	stream.indirect.gather [hbm4b:s5+s15], $0x40, s25, s15, $0xb8;
	[tilespmem:$0x16C00] =	vst v63  }
0x1b: {  	_ =	swait.ge [sflag:s21], $0x2000  }
0x1c: {  	[sflag:s21] =	ssyncset.done $0x0  }
0x1d: {  	[sflag:s21] =	ssyncadd.s32 $0xFFFFE000  }
0x1e: {  	_ =	swait.ge [sflag:s21], $0x2000  }
0x1f: {  	[sflag:s21] =	ssyncset.done $0x0  }
0x20: {  	[sflag:s21] =	ssyncadd.s32 $0xFFFFE000  }
0x21: {  	v8 =	vmov s3;
	v9 =	vld [tilespmem:s26+$0xFFFFE000]  }
0x22: {  	v8 =	vand.u32 $0x7E, v8;
	v10 =	vld [tilespmem:s26+$0xFFFFE010]  }
0x23: {  	v12 =	vadd.s32 v0, v8;
	v11 =	vld [tilespmem:s26+$0xFFFFE020]  }
0x24: {  	v14 =	vadd.s32 v1, v8;
	v13 =	vld [tilespmem:s26+$0xFFFFE030]  }
0x25: {  	v15 =	vadd.s32 v2, v8  }
0x26: {  	v16 =	vadd.s32 v3, v8;
	v9 =	vmul.f32 $8.000000000e+00, v9  }
0x27: {  	v10 =	vmul.f32 $8.000000000e+00, v10  }
0x28: {  	v11 =	vmul.f32 $8.000000000e+00, v11;
	[tilespmem:v12+s22+$0x0] =	vst.idx.msk $0xffff, v9  }
0x29: {  	v9 =	vmul.f32 $8.000000000e+00, v13;
	[tilespmem:v14+s22+$0x0] =	vst.idx.msk $0xffff, v10  }
0x2a: {  	[tilespmem:v15+s22+$0x0] =	vst.idx.msk $0xffff, v11  }
0x2b: {  	[tilespmem:v16+s22+$0x0] =	vst.idx.msk $0xffff, v9  }
0x2c: {  	v9 =	vld [tilespmem:s26+$0x0]  }
0x2d: {  	v10 =	vld [tilespmem:s26+$0x10]  }
0x2e: {  	v52 =	vadd.s32 v4, v8;
	v11 =	vld [tilespmem:s26+$0x20]  }
0x2f: {  	v54 =	vadd.s32 v5, v8;
	v53 =	vld [tilespmem:s26+$0x30]  }
0x30: {  	v55 =	vadd.s32 v6, v8  }
0x31: {  	v8 =	vadd.s32 v7, v8;
	v9 =	vmul.f32 $8.000000000e+00, v9  }
0x32: {  	v10 =	vmul.f32 $8.000000000e+00, v10  }
0x33: {  	v11 =	vmul.f32 $8.000000000e+00, v11;
	[tilespmem:v52+s22+$0x0] =	vst.idx.msk $0xffff, v9  }
0x34: {  	v9 =	vmul.f32 $8.000000000e+00, v53;
	[tilespmem:v54+s22+$0x0] =	vst.idx.msk $0xffff, v10  }
0x35: {  	[tilespmem:v55+s22+$0x0] =	vst.idx.msk $0xffff, v11  }
0x36: {  	s31 =	simm.s32 $0x1;
	[tilespmem:v8+s22+$0x0] =	vst.idx.msk $0xffff, v9  }
0x37: {  	v8 =	vmov s31;
	v9 =	vld [tilespmem:s26+$0xFFFFE040]  }
0x38: {  	v10 =	vld [tilespmem:s26+$0xFFFFE050];
	v8 =	vand.u32 $0x7F, v8  }
0x39: {  	v11 =	vld [tilespmem:s26+$0xFFFFE060];
	v56 =	vadd.s32 v0, v8  }
0x3a: {  	v57 =	vld [tilespmem:s26+$0xFFFFE070];
	v58 =	vadd.s32 v1, v8  }
0x3b: {  	v59 =	vadd.s32 v2, v8  }
0x3c: {  	v60 =	vadd.s32 v3, v8;
	v9 =	vmul.f32 $8.000000000e+00, v9  }
0x3d: {  	v10 =	vmul.f32 $8.000000000e+00, v10  }
0x3e: {  	v11 =	vmul.f32 $8.000000000e+00, v11;
	[tilespmem:v56+s22+$0x0] =	vst.idx.msk $0xffff, v9  }
0x3f: {  	v9 =	vmul.f32 $8.000000000e+00, v57;
	[tilespmem:v58+s22+$0x0] =	vst.idx.msk $0xffff, v10  }
0x40: {  	[tilespmem:v59+s22+$0x0] =	vst.idx.msk $0xffff, v11  }
0x41: {  	[tilespmem:v60+s22+$0x0] =	vst.idx.msk $0xffff, v9  }
0x42: {  	v9 =	vld [tilespmem:s26+$0x40]  }
0x43: {  	v10 =	vld [tilespmem:s26+$0x50]  }
0x44: {  	v61 =	vadd.s32 v4, v8;
	v11 =	vld [tilespmem:s26+$0x60]  }
0x45: {  	v62 =	vadd.s32 v5, v8  }
0x46: {  	v63 =	vadd.s32 v6, v8;
	v14 =	vld [tilespmem:s26+$0x70]  }
0x47: {  	v9 =	vmul.f32 $8.000000000e+00, v9  }
0x48: {  	v8 =	vadd.s32 v7, v8;
	v10 =	vmul.f32 $8.000000000e+00, v10  }
0x49: {  	v11 =	vmul.f32 $8.000000000e+00, v11;
	[tilespmem:v61+s22+$0x0] =	vst.idx.msk $0xffff, v9  }
0x4a: {  	[tilespmem:v62+s22+$0x0] =	vst.idx.msk $0xffff, v10  }
0x4b: {  	s13 =	simm.s32 $0x8400;
	s12 =	simm.s32 $0x2;
	v9 =	vmul.f32 $8.000000000e+00, v14;
	[tilespmem:v63+s22+$0x0] =	vst.idx.msk $0xffff, v11  }
.LBB2_2:
0x4c: {  	p0 =	slt.u32 s12, $0x7E  }
0x4d: {  	[tilespmem:v8+s22+$0x0] =	vst.idx.msk $0xffff, v9;
	s13 =	sadd.s32 $0x80, s13;
	s0 =	smov.u32 s12;
	s12 =	sadd.s32 $0x2, s12  }
0x4e: {  	v8 =	vmov s0;
	v9 =	vld [tilespmem:s13+$0xFFFFE000]  }
0x4f: {  	v10 =	vld [tilespmem:s13+$0xFFFFE010];
	v8 =	vand.u32 $0x7E, v8  }
0x50: {  	v11 =	vld [tilespmem:s13+$0xFFFFE020];
	v12 =	vadd.s32 v0, v8  }
0x51: {  	v14 =	vadd.s32 v1, v8;
	v13 =	vld [tilespmem:s13+$0xFFFFE030]  }
0x52: {  	v15 =	vadd.s32 v2, v8  }
0x53: {  	v16 =	vadd.s32 v3, v8;
	v9 =	vmul.f32 $8.000000000e+00, v9  }
0x54: {  	v10 =	vmul.f32 $8.000000000e+00, v10  }
0x55: {  	v11 =	vmul.f32 $8.000000000e+00, v11;
	[tilespmem:v12+s22+$0x0] =	vst.idx.msk $0xffff, v9  }
0x56: {  	v9 =	vmul.f32 $8.000000000e+00, v13;
	[tilespmem:v14+s22+$0x0] =	vst.idx.msk $0xffff, v10  }
0x57: {  	[tilespmem:v15+s22+$0x0] =	vst.idx.msk $0xffff, v11  }
0x58: {  	[tilespmem:v16+s22+$0x0] =	vst.idx.msk $0xffff, v9  }
0x59: {  	v9 =	vld [tilespmem:s13+$0x0]  }
0x5a: {  	v10 =	vld [tilespmem:s13+$0x10]  }
0x5b: {  	v12 =	vadd.s32 v4, v8;
	v11 =	vld [tilespmem:s13+$0x20]  }
0x5c: {  	v14 =	vadd.s32 v5, v8;
	v13 =	vld [tilespmem:s13+$0x30]  }
0x5d: {  	v15 =	vadd.s32 v6, v8  }
0x5e: {  	v8 =	vadd.s32 v7, v8;
	v9 =	vmul.f32 $8.000000000e+00, v9  }
0x5f: {  	v10 =	vmul.f32 $8.000000000e+00, v10  }
0x60: {  	v11 =	vmul.f32 $8.000000000e+00, v11;
	[tilespmem:v12+s22+$0x0] =	vst.idx.msk $0xffff, v9  }
0x61: {  	v9 =	vmul.f32 $8.000000000e+00, v13;
	[tilespmem:v14+s22+$0x0] =	vst.idx.msk $0xffff, v10  }
0x62: {  	[tilespmem:v15+s22+$0x0] =	vst.idx.msk $0xffff, v11  }
0x63: {  	s0 =	sadd.s32 $0x1, s0;
	[tilespmem:v8+s22+$0x0] =	vst.idx.msk $0xffff, v9  }
0x64: {  	v8 =	vmov s0;
	v9 =	vld [tilespmem:s13+$0xFFFFE040]  }
0x65: {  	v8 =	vand.u32 $0x7F, v8;
	v10 =	vld [tilespmem:s13+$0xFFFFE050]  }
0x66: {  	v12 =	vadd.s32 v0, v8;
	v11 =	vld [tilespmem:s13+$0xFFFFE060]  }
0x67: {  	v14 =	vadd.s32 v1, v8;
	v13 =	vld [tilespmem:s13+$0xFFFFE070]  }
0x68: {  	v15 =	vadd.s32 v2, v8  }
0x69: {  	v16 =	vadd.s32 v3, v8;
	v9 =	vmul.f32 $8.000000000e+00, v9  }
0x6a: {  	v10 =	vmul.f32 $8.000000000e+00, v10  }
0x6b: {  	v11 =	vmul.f32 $8.000000000e+00, v11;
	[tilespmem:v12+s22+$0x0] =	vst.idx.msk $0xffff, v9  }
0x6c: {  	v9 =	vmul.f32 $8.000000000e+00, v13;
	[tilespmem:v14+s22+$0x0] =	vst.idx.msk $0xffff, v10  }
0x6d: {  	[tilespmem:v15+s22+$0x0] =	vst.idx.msk $0xffff, v11  }
0x6e: {  	[tilespmem:v16+s22+$0x0] =	vst.idx.msk $0xffff, v9  }
0x6f: {  	v9 =	vld [tilespmem:s13+$0x40]  }
0x70: {  	v10 =	vld [tilespmem:s13+$0x50]  }
0x71: {  	v12 =	vadd.s32 v4, v8;
	v11 =	vld [tilespmem:s13+$0x60]  }
0x72: {  	v14 =	vadd.s32 v5, v8;
	v13 =	vld [tilespmem:s13+$0x70]  }
0x73: {  	v15 =	vadd.s32 v6, v8  }
.Ltmp0:
0x74: {  	v8 =	vadd.s32 v7, v8;
	v9 =	vmul.f32 $8.000000000e+00, v9;
	(pc) =	sbr.rel @p0 .LBB2_2-.Ltmp0, $4  }
0x75: {  	v10 =	vmul.f32 $8.000000000e+00, v10  }
0x76: {  	v11 =	vmul.f32 $8.000000000e+00, v11;
	[tilespmem:v12+s22+$0x0] =	vst.idx.msk $0xffff, v9  }
0x77: {  	v9 =	vmul.f32 $8.000000000e+00, v13;
	[tilespmem:v14+s22+$0x0] =	vst.idx.msk $0xffff, v10  }
0x78: {  	[tilespmem:v15+s22+$0x0] =	vst.idx.msk $0xffff, v11  }
0x79: {  	_ =	sdelay $0x3  }
0x7a: {  	[tilespmem:v8+s22+$0x0] =	vst.idx.msk $0xffff, v9;
	s0 =	simm.s32 $0xE400  }
0x7b: {  	[hbm4b:s6+s3] =	stream.linear.scatter [tilespmem:s0], [sflag:$0x3], $0x80, $0x38;
	[tilespmem:$0x16C00] =	vst v63  }
0x7c: {  	s19 =	simm.s32 $0xE488;
	s12 =	sadd.s32 $0x10, s6  }
0x7d: {  	[hbm4b:s12+s3] =	stream.linear.scatter [tilespmem:s19], [sflag:$0x3], $0x80, $0x38;
	[tilespmem:$0x16C00] =	vst v63  }
0x7e: {  	s24 =	simm.s32 $0xE510;
	s25 =	sadd.s32 $0x20, s6;
	s31 =	simm.s32 $0xE598  }
0x7f: {  	[hbm4b:s25+s3] =	stream.linear.scatter [tilespmem:s24], [sflag:$0x3], $0x80, $0x38;
	[tilespmem:$0x16C00] =	vst v63  }
0x80: {  	s7 =	sadd.s32 $0x30, s6;
	s13 =	simm.s32 $0xE620;
	s17 =	sadd.s32 $0x40, s6  }
0x81: {  	[hbm4b:s7+s3] =	stream.linear.scatter [tilespmem:s31], [sflag:$0x3], $0x80, $0x38;
	[tilespmem:$0x16C00] =	vst v63  }
0x82: {  	s19 =	simm.s32 $0xE6A8;
	s12 =	simm.s32 $0x440;
	s24 =	sadd.s32 $0x50, s6  }
0x83: {  	[hbm4b:s17+s3] =	stream.linear.scatter [tilespmem:s13], [sflag:$0x3], $0x80, $0x38;
	[tilespmem:$0x16C00] =	vst v63  }
0x84: {  	s25 =	simm.s32 $0xE730;
	s31 =	sadd.s32 $0x60, s6;
	s17 =	simm.s32 $0x2200  }
0x85: {  	[hbm4b:s24+s3] =	stream.linear.scatter [tilespmem:s19], [sflag:$0x3], $0x80, $0x38;
	[tilespmem:$0x16C00] =	vst v63  }
0x86: {  	s13 =	sadd.s32 $0x1000, s6;
	s19 =	simm.s32 $0xE7B8;
	s24 =	sadd.s32 $0x70, s6  }
0x87: {  	[hbm4b:s31+s3] =	stream.linear.scatter [tilespmem:s25], [sflag:$0x3], $0x80, $0x38;
	[tilespmem:$0x16C00] =	vst v63  }
.LBB2_4:
0x88: {  	[hbm4b:s24+s3] =	stream.linear.scatter [tilespmem:s19], [sflag:$0x3], $0x80, $0x38;
	[tilespmem:$0x16C00] =	vst v63  }
0x89: {  	s0 =	smov.u32 s12;
	s12 =	smov.u32 s17  }
0x8a: {  	s25 =	sadd.s32 $0x1100, s17;
	s12 =	sshra.s32 s12, $0x2;
	s19 =	sadd.s32 $0xE400, s0  }
0x8b: {  	[hbm4b:s13+s3] =	stream.linear.scatter [tilespmem:s19], [sflag:$0x3], $0x80, $0x38;
	[tilespmem:$0x16C00] =	vst v63  }
0x8c: {  	p0 =	sne.s32 s17, $0xFF00;
	s17 =	sadd.s32 $0xE488, s0;
	s19 =	sadd.s32 $0x10, s13  }
0x8d: {  	[hbm4b:s19+s3] =	stream.linear.scatter [tilespmem:s17], [sflag:$0x3], $0x80, $0x38;
	[tilespmem:$0x16C00] =	vst v63  }
0x8e: {  	s17 =	sadd.s32 $0xE510, s0;
	s19 =	sadd.s32 $0x20, s13  }
0x8f: {  	[hbm4b:s19+s3] =	stream.linear.scatter [tilespmem:s17], [sflag:$0x3], $0x80, $0x38;
	[tilespmem:$0x16C00] =	vst v63  }
0x90: {  	s17 =	sadd.s32 $0xE598, s0;
	s19 =	sadd.s32 $0x30, s13  }
0x91: {  	[hbm4b:s19+s3] =	stream.linear.scatter [tilespmem:s17], [sflag:$0x3], $0x80, $0x38;
	[tilespmem:$0x16C00] =	vst v63  }
0x92: {  	s17 =	sadd.s32 $0xE620, s0;
	s19 =	sadd.s32 $0x40, s13  }
0x93: {  	[hbm4b:s19+s3] =	stream.linear.scatter [tilespmem:s17], [sflag:$0x3], $0x80, $0x38;
	[tilespmem:$0x16C00] =	vst v63  }
.Ltmp1:
0x94: {  	s17 =	sadd.s32 $0xE6A8, s0;
	s19 =	sadd.s32 $0x50, s13;
	(pc) =	sbr.rel @p0 .LBB2_4-.Ltmp1, $4  }
0x95: {  	[hbm4b:s19+s3] =	stream.linear.scatter [tilespmem:s17], [sflag:$0x3], $0x80, $0x38;
	[tilespmem:$0x16C00] =	vst v63  }
0x96: {  	s24 =	sadd.s32 $0x70, s13;
	s17 =	sadd.s32 $0xE730, s0;
	s19 =	sadd.s32 $0x60, s13  }
0x97: {  	[hbm4b:s19+s3] =	stream.linear.scatter [tilespmem:s17], [sflag:$0x3], $0x80, $0x38;
	[tilespmem:$0x16C00] =	vst v63  }
0x98: {  	s13 =	sadd.s32 $0x1000, s13;
	s19 =	sadd.s32 $0xE7B8, s0;
	s17 =	smov.u32 s25  }
0x99: {  	[hbm4b:s24+s3] =	stream.linear.scatter [tilespmem:s19], [sflag:$0x3], $0x80, $0x38;
	[tilespmem:$0x16C00] =	vst v63  }
0x9a: {  	s0 =	sadd.s32 $0xE400, s12  }
0x9b: {  	[hbm4b:s13+s3] =	stream.linear.scatter [tilespmem:s0], [sflag:$0x3], $0x80, $0x38;
	[tilespmem:$0x16C00] =	vst v63  }
0x9c: {  	s19 =	sadd.s32 $0xE488, s12;
	s17 =	sadd.s32 $0x10, s13  }
0x9d: {  	[hbm4b:s17+s3] =	stream.linear.scatter [tilespmem:s19], [sflag:$0x3], $0x80, $0x38;
	[tilespmem:$0x16C00] =	vst v63  }
0x9e: {  	s24 =	sadd.s32 $0xE510, s12;
	s25 =	sadd.s32 $0x20, s13  }
0x9f: {  	[hbm4b:s25+s3] =	stream.linear.scatter [tilespmem:s24], [sflag:$0x3], $0x80, $0x38;
	[tilespmem:$0x16C00] =	vst v63  }
0xa0: {  	s31 =	sadd.s32 $0xE598, s12;
	s7 =	sadd.s32 $0x30, s13  }
0xa1: {  	[hbm4b:s7+s3] =	stream.linear.scatter [tilespmem:s31], [sflag:$0x3], $0x80, $0x38;
	[tilespmem:$0x16C00] =	vst v63  }
0xa2: {  	s17 =	sadd.s32 $0xE620, s12;
	s19 =	sadd.s32 $0x40, s13  }
0xa3: {  	[hbm4b:s19+s3] =	stream.linear.scatter [tilespmem:s17], [sflag:$0x3], $0x80, $0x38;
	[tilespmem:$0x16C00] =	vst v63  }
0xa4: {  	s24 =	sadd.s32 $0xE6A8, s12;
	s25 =	sadd.s32 $0x50, s13  }
0xa5: {  	[hbm4b:s25+s3] =	stream.linear.scatter [tilespmem:s24], [sflag:$0x3], $0x80, $0x38;
	[tilespmem:$0x16C00] =	vst v63  }
0xa6: {  	s31 =	sadd.s32 $0xE730, s12;
	s7 =	sadd.s32 $0x60, s13  }
0xa7: {  	[hbm4b:s7+s3] =	stream.linear.scatter [tilespmem:s31], [sflag:$0x3], $0x80, $0x38;
	[tilespmem:$0x16C00] =	vst v63  }
0xa8: {  	s12 =	sadd.s32 $0xE7B8, s12;
	s17 =	sadd.s32 $0x70, s13  }
0xa9: {  	[hbm4b:s17+s3] =	stream.linear.scatter [tilespmem:s12], [sflag:$0x3], $0x80, $0x38;
	[tilespmem:$0x16C00] =	vst v63  }
0xaa: {  	_ =	swait.ge [sflag:s23], $0x4000  }
0xab: {  	[sflag:s23] =	ssyncset.done $0x0  }
0xac: {  	s19 =	simm.s32 $0x200;
	[sflag:s23] =	ssyncadd.s32 $0xFFFFC000  }
0xad: {  	[tilespmem:s16], [sflag:$0x1] =	stream.indirect.gather [hbm4b:s5+s15], $0x40, s19, s15, $0xb8;
	[tilespmem:$0x16C00] =	vst v63  }
0xae: {  	s24 =	simm.s32 $0x280  }
0xaf: {  	[tilespmem:s26], [sflag:$0x1] =	stream.indirect.gather [hbm4b:s5+s15], $0x40, s24, s15, $0xb8;
	[tilespmem:$0x16C00] =	vst v63  }
0xb0: {  	_ =	swait.ge [sflag:s28], $0x2000  }
0xb1: {  	[sflag:s28] =	ssyncset.done $0x0  }
0xb2: {  	[sflag:s28] =	ssyncadd.s32 $0xFFFFE000  }
0xb3: {  	_ =	swait.ge [sflag:s28], $0x2000  }
0xb4: {  	[sflag:s28] =	ssyncset.done $0x0  }
0xb5: {  	s25 =	simm.s32 $0x0;
	s12 =	simm.s32 $0xC400;
	[sflag:s28] =	ssyncadd.s32 $0xFFFFE000  }
0xb6: {  	v8 =	vmov s25;
	v9 =	vld [tilespmem:s12+$0xFFFFE000]  }
0xb7: {  	v8 =	vand.u32 $0x7E, v8;
	v10 =	vld [tilespmem:s12+$0xFFFFE010]  }
0xb8: {  	v12 =	vadd.s32 v0, v8;
	v11 =	vld [tilespmem:s12+$0xFFFFE020]  }
0xb9: {  	v14 =	vadd.s32 v1, v8;
	v13 =	vld [tilespmem:s12+$0xFFFFE030]  }
0xba: {  	v15 =	vadd.s32 v2, v8  }
0xbb: {  	v16 =	vadd.s32 v3, v8;
	v9 =	vmul.f32 $8.000000000e+00, v9  }
0xbc: {  	v10 =	vmul.f32 $8.000000000e+00, v10  }
0xbd: {  	v11 =	vmul.f32 $8.000000000e+00, v11;
	[tilespmem:v12+s29+$0x0] =	vst.idx.msk $0xffff, v9  }
0xbe: {  	v9 =	vmul.f32 $8.000000000e+00, v13;
	[tilespmem:v14+s29+$0x0] =	vst.idx.msk $0xffff, v10  }
0xbf: {  	[tilespmem:v15+s29+$0x0] =	vst.idx.msk $0xffff, v11  }
0xc0: {  	[tilespmem:v16+s29+$0x0] =	vst.idx.msk $0xffff, v9  }
0xc1: {  	v9 =	vld [tilespmem:s12+$0x0]  }
0xc2: {  	v10 =	vld [tilespmem:s12+$0x10]  }
0xc3: {  	v52 =	vadd.s32 v4, v8;
	v11 =	vld [tilespmem:s12+$0x20]  }
0xc4: {  	v54 =	vadd.s32 v5, v8;
	v53 =	vld [tilespmem:s12+$0x30]  }
0xc5: {  	v55 =	vadd.s32 v6, v8  }
0xc6: {  	v8 =	vadd.s32 v7, v8;
	v9 =	vmul.f32 $8.000000000e+00, v9  }
0xc7: {  	v10 =	vmul.f32 $8.000000000e+00, v10  }
0xc8: {  	v11 =	vmul.f32 $8.000000000e+00, v11;
	[tilespmem:v52+s29+$0x0] =	vst.idx.msk $0xffff, v9  }
0xc9: {  	v9 =	vmul.f32 $8.000000000e+00, v53;
	[tilespmem:v54+s29+$0x0] =	vst.idx.msk $0xffff, v10  }
0xca: {  	[tilespmem:v55+s29+$0x0] =	vst.idx.msk $0xffff, v11  }
0xcb: {  	s31 =	simm.s32 $0x1;
	[tilespmem:v8+s29+$0x0] =	vst.idx.msk $0xffff, v9  }
0xcc: {  	v8 =	vmov s31;
	v9 =	vld [tilespmem:s12+$0xFFFFE040]  }
0xcd: {  	v10 =	vld [tilespmem:s12+$0xFFFFE050];
	v8 =	vand.u32 $0x7F, v8  }
0xce: {  	v11 =	vld [tilespmem:s12+$0xFFFFE060];
	v56 =	vadd.s32 v0, v8  }
0xcf: {  	v57 =	vld [tilespmem:s12+$0xFFFFE070];
	v58 =	vadd.s32 v1, v8  }
0xd0: {  	v59 =	vadd.s32 v2, v8  }
0xd1: {  	v60 =	vadd.s32 v3, v8;
	v9 =	vmul.f32 $8.000000000e+00, v9  }
0xd2: {  	v10 =	vmul.f32 $8.000000000e+00, v10  }
0xd3: {  	v11 =	vmul.f32 $8.000000000e+00, v11;
	[tilespmem:v56+s29+$0x0] =	vst.idx.msk $0xffff, v9  }
0xd4: {  	v9 =	vmul.f32 $8.000000000e+00, v57;
	[tilespmem:v58+s29+$0x0] =	vst.idx.msk $0xffff, v10  }
0xd5: {  	[tilespmem:v59+s29+$0x0] =	vst.idx.msk $0xffff, v11  }
0xd6: {  	[tilespmem:v60+s29+$0x0] =	vst.idx.msk $0xffff, v9  }
0xd7: {  	v9 =	vld [tilespmem:s12+$0x40]  }
0xd8: {  	v10 =	vld [tilespmem:s12+$0x50]  }
0xd9: {  	v61 =	vadd.s32 v4, v8;
	v11 =	vld [tilespmem:s12+$0x60]  }
0xda: {  	v62 =	vadd.s32 v5, v8  }
0xdb: {  	v63 =	vadd.s32 v6, v8;
	v14 =	vld [tilespmem:s12+$0x70]  }
0xdc: {  	v9 =	vmul.f32 $8.000000000e+00, v9  }
0xdd: {  	v8 =	vadd.s32 v7, v8;
	v10 =	vmul.f32 $8.000000000e+00, v10  }
0xde: {  	v11 =	vmul.f32 $8.000000000e+00, v11;
	[tilespmem:v61+s29+$0x0] =	vst.idx.msk $0xffff, v9  }
0xdf: {  	[tilespmem:v62+s29+$0x0] =	vst.idx.msk $0xffff, v10  }
0xe0: {  	s13 =	simm.s32 $0x2;
	v9 =	vmul.f32 $8.000000000e+00, v14;
	[tilespmem:v63+s29+$0x0] =	vst.idx.msk $0xffff, v11  }
.LBB2_6:
0xe1: {  	p0 =	slt.u32 s13, $0x7E  }
0xe2: {  	[tilespmem:v8+s29+$0x0] =	vst.idx.msk $0xffff, v9;
	s12 =	sadd.s32 $0x80, s12;
	s0 =	smov.u32 s13;
	s13 =	sadd.s32 $0x2, s13  }
0xe3: {  	v8 =	vmov s0;
	v9 =	vld [tilespmem:s12+$0xFFFFE000]  }
0xe4: {  	v10 =	vld [tilespmem:s12+$0xFFFFE010];
	v8 =	vand.u32 $0x7E, v8  }
0xe5: {  	v11 =	vld [tilespmem:s12+$0xFFFFE020];
	v12 =	vadd.s32 v0, v8  }
0xe6: {  	v14 =	vadd.s32 v1, v8;
	v13 =	vld [tilespmem:s12+$0xFFFFE030]  }
0xe7: {  	v15 =	vadd.s32 v2, v8  }
0xe8: {  	v16 =	vadd.s32 v3, v8;
	v9 =	vmul.f32 $8.000000000e+00, v9  }
0xe9: {  	v10 =	vmul.f32 $8.000000000e+00, v10  }
0xea: {  	v11 =	vmul.f32 $8.000000000e+00, v11;
	[tilespmem:v12+s29+$0x0] =	vst.idx.msk $0xffff, v9  }
0xeb: {  	v9 =	vmul.f32 $8.000000000e+00, v13;
	[tilespmem:v14+s29+$0x0] =	vst.idx.msk $0xffff, v10  }
0xec: {  	[tilespmem:v15+s29+$0x0] =	vst.idx.msk $0xffff, v11  }
0xed: {  	[tilespmem:v16+s29+$0x0] =	vst.idx.msk $0xffff, v9  }
0xee: {  	v9 =	vld [tilespmem:s12+$0x0]  }
0xef: {  	v10 =	vld [tilespmem:s12+$0x10]  }
0xf0: {  	v12 =	vadd.s32 v4, v8;
	v11 =	vld [tilespmem:s12+$0x20]  }
0xf1: {  	v14 =	vadd.s32 v5, v8;
	v13 =	vld [tilespmem:s12+$0x30]  }
0xf2: {  	v15 =	vadd.s32 v6, v8  }
0xf3: {  	v8 =	vadd.s32 v7, v8;
	v9 =	vmul.f32 $8.000000000e+00, v9  }
0xf4: {  	v10 =	vmul.f32 $8.000000000e+00, v10  }
0xf5: {  	v11 =	vmul.f32 $8.000000000e+00, v11;
	[tilespmem:v12+s29+$0x0] =	vst.idx.msk $0xffff, v9  }
0xf6: {  	v9 =	vmul.f32 $8.000000000e+00, v13;
	[tilespmem:v14+s29+$0x0] =	vst.idx.msk $0xffff, v10  }
0xf7: {  	[tilespmem:v15+s29+$0x0] =	vst.idx.msk $0xffff, v11  }
0xf8: {  	s0 =	sadd.s32 $0x1, s0;
	[tilespmem:v8+s29+$0x0] =	vst.idx.msk $0xffff, v9  }
0xf9: {  	v8 =	vmov s0;
	v9 =	vld [tilespmem:s12+$0xFFFFE040]  }
0xfa: {  	v8 =	vand.u32 $0x7F, v8;
	v10 =	vld [tilespmem:s12+$0xFFFFE050]  }
0xfb: {  	v12 =	vadd.s32 v0, v8;
	v11 =	vld [tilespmem:s12+$0xFFFFE060]  }
0xfc: {  	v14 =	vadd.s32 v1, v8;
	v13 =	vld [tilespmem:s12+$0xFFFFE070]  }
0xfd: {  	v15 =	vadd.s32 v2, v8  }
0xfe: {  	v16 =	vadd.s32 v3, v8;
	v9 =	vmul.f32 $8.000000000e+00, v9  }
0xff: {  	v10 =	vmul.f32 $8.000000000e+00, v10  }
0x100: {  	v11 =	vmul.f32 $8.000000000e+00, v11;
	[tilespmem:v12+s29+$0x0] =	vst.idx.msk $0xffff, v9  }
0x101: {  	v9 =	vmul.f32 $8.000000000e+00, v13;
	[tilespmem:v14+s29+$0x0] =	vst.idx.msk $0xffff, v10  }
0x102: {  	[tilespmem:v15+s29+$0x0] =	vst.idx.msk $0xffff, v11  }
0x103: {  	[tilespmem:v16+s29+$0x0] =	vst.idx.msk $0xffff, v9  }
0x104: {  	v9 =	vld [tilespmem:s12+$0x40]  }
0x105: {  	v10 =	vld [tilespmem:s12+$0x50]  }
0x106: {  	v12 =	vadd.s32 v4, v8;
	v11 =	vld [tilespmem:s12+$0x60]  }
0x107: {  	v14 =	vadd.s32 v5, v8;
	v13 =	vld [tilespmem:s12+$0x70]  }
0x108: {  	v15 =	vadd.s32 v6, v8  }
.Ltmp2:
0x109: {  	v8 =	vadd.s32 v7, v8;
	v9 =	vmul.f32 $8.000000000e+00, v9;
	(pc) =	sbr.rel @p0 .LBB2_6-.Ltmp2, $4  }
0x10a: {  	v10 =	vmul.f32 $8.000000000e+00, v10  }
0x10b: {  	v11 =	vmul.f32 $8.000000000e+00, v11;
	[tilespmem:v12+s29+$0x0] =	vst.idx.msk $0xffff, v9  }
0x10c: {  	v9 =	vmul.f32 $8.000000000e+00, v13;
	[tilespmem:v14+s29+$0x0] =	vst.idx.msk $0xffff, v10  }
0x10d: {  	[tilespmem:v15+s29+$0x0] =	vst.idx.msk $0xffff, v11  }
0x10e: {  	_ =	sdelay $0x3  }
0x10f: {  	[tilespmem:v8+s29+$0x0] =	vst.idx.msk $0xffff, v9;
	s12 =	simm.s32 $0x0;
	s0 =	simm.s32 $0x12800  }
0x110: {  	[hbm4b:s8+s12] =	stream.linear.scatter [tilespmem:s0], [sflag:$0x4], $0x80, $0x38;
	[tilespmem:$0x16C00] =	vst v63  }
0x111: {  	s19 =	simm.s32 $0x12888;
	s13 =	sadd.s32 $0x10, s8  }
0x112: {  	[hbm4b:s13+s12] =	stream.linear.scatter [tilespmem:s19], [sflag:$0x4], $0x80, $0x38;
	[tilespmem:$0x16C00] =	vst v63  }
0x113: {  	s24 =	simm.s32 $0x12910;
	s25 =	sadd.s32 $0x20, s8  }
0x114: {  	[hbm4b:s25+s12] =	stream.linear.scatter [tilespmem:s24], [sflag:$0x4], $0x80, $0x38;
	[tilespmem:$0x16C00] =	vst v63  }
0x115: {  	s31 =	simm.s32 $0x12998;
	s7 =	sadd.s32 $0x30, s8  }
0x116: {  	[hbm4b:s7+s12] =	stream.linear.scatter [tilespmem:s31], [sflag:$0x4], $0x80, $0x38;
	[tilespmem:$0x16C00] =	vst v63  }
0x117: {  	s17 =	sadd.s32 $0x40, s8;
	s13 =	simm.s32 $0x12A20  }
0x118: {  	[hbm4b:s17+s12] =	stream.linear.scatter [tilespmem:s13], [sflag:$0x4], $0x80, $0x38;
	[tilespmem:$0x16C00] =	vst v63  }
0x119: {  	s19 =	simm.s32 $0x12AA8;
	s24 =	sadd.s32 $0x50, s8;
	s25 =	simm.s32 $0x12B30  }
0x11a: {  	[hbm4b:s24+s12] =	stream.linear.scatter [tilespmem:s19], [sflag:$0x4], $0x80, $0x38;
	[tilespmem:$0x16C00] =	vst v63  }
0x11b: {  	s31 =	sadd.s32 $0x60, s8;
	s13 =	simm.s32 $0x440;
	s17 =	sadd.s32 $0x1000, s8  }
0x11c: {  	[hbm4b:s31+s12] =	stream.linear.scatter [tilespmem:s25], [sflag:$0x4], $0x80, $0x38;
	[tilespmem:$0x16C00] =	vst v63  }
0x11d: {  	s19 =	simm.s32 $0x2200;
	s24 =	simm.s32 $0x12BB8;
	s25 =	sadd.s32 $0x70, s8  }
.LBB2_8:
0x11e: {  	[hbm4b:s25+s12] =	stream.linear.scatter [tilespmem:s24], [sflag:$0x4], $0x80, $0x38;
	[tilespmem:$0x16C00] =	vst v63  }
0x11f: {  	s0 =	smov.u32 s13;
	s13 =	smov.u32 s19  }
0x120: {  	s31 =	sadd.s32 $0x1100, s19;
	s13 =	sshra.s32 s13, $0x2;
	s24 =	sadd.s32 $0x12800, s0  }
0x121: {  	[hbm4b:s17+s12] =	stream.linear.scatter [tilespmem:s24], [sflag:$0x4], $0x80, $0x38;
	[tilespmem:$0x16C00] =	vst v63  }
0x122: {  	p0 =	seq.s32 s19, $0xFF00;
	s19 =	sadd.s32 $0x12888, s0;
	s24 =	sadd.s32 $0x10, s17  }
0x123: {  	[hbm4b:s24+s12] =	stream.linear.scatter [tilespmem:s19], [sflag:$0x4], $0x80, $0x38;
	[tilespmem:$0x16C00] =	vst v63  }
0x124: {  	s19 =	sadd.s32 $0x12910, s0;
	s24 =	sadd.s32 $0x20, s17  }
0x125: {  	[hbm4b:s24+s12] =	stream.linear.scatter [tilespmem:s19], [sflag:$0x4], $0x80, $0x38;
	[tilespmem:$0x16C00] =	vst v63  }
0x126: {  	s19 =	sadd.s32 $0x12998, s0;
	s24 =	sadd.s32 $0x30, s17  }
0x127: {  	[hbm4b:s24+s12] =	stream.linear.scatter [tilespmem:s19], [sflag:$0x4], $0x80, $0x38;
	[tilespmem:$0x16C00] =	vst v63  }
0x128: {  	s19 =	sadd.s32 $0x12A20, s0;
	s24 =	sadd.s32 $0x40, s17  }
0x129: {  	[hbm4b:s24+s12] =	stream.linear.scatter [tilespmem:s19], [sflag:$0x4], $0x80, $0x38;
	[tilespmem:$0x16C00] =	vst v63  }
.Ltmp3:
0x12a: {  	s19 =	sadd.s32 $0x12AA8, s0;
	s24 =	sadd.s32 $0x50, s17;
	(pc) =	sbr.rel @!p0 .LBB2_8-.Ltmp3, $4  }
0x12b: {  	[hbm4b:s24+s12] =	stream.linear.scatter [tilespmem:s19], [sflag:$0x4], $0x80, $0x38;
	[tilespmem:$0x16C00] =	vst v63  }
0x12c: {  	s25 =	sadd.s32 $0x70, s17;
	s19 =	sadd.s32 $0x12B30, s0;
	s24 =	sadd.s32 $0x60, s17  }
0x12d: {  	[hbm4b:s24+s12] =	stream.linear.scatter [tilespmem:s19], [sflag:$0x4], $0x80, $0x38;
	[tilespmem:$0x16C00] =	vst v63  }
0x12e: {  	s17 =	sadd.s32 $0x1000, s17;
	s24 =	sadd.s32 $0x12BB8, s0;
	s19 =	smov.u32 s31  }
0x12f: {  	[hbm4b:s25+s12] =	stream.linear.scatter [tilespmem:s24], [sflag:$0x4], $0x80, $0x38;
	[tilespmem:$0x16C00] =	vst v63  }
0x130: {  	s0 =	sadd.s32 $0x12800, s13  }
0x131: {  	[hbm4b:s17+s12] =	stream.linear.scatter [tilespmem:s0], [sflag:$0x4], $0x80, $0x38;
	[tilespmem:$0x16C00] =	vst v63  }
0x132: {  	s7 =	sadd.s32 $0x12888, s13;
	s19 =	sadd.s32 $0x10, s17  }
0x133: {  	[hbm4b:s19+s12] =	stream.linear.scatter [tilespmem:s7], [sflag:$0x4], $0x80, $0x38;
	[tilespmem:$0x16C00] =	vst v63  }
0x134: {  	s24 =	sadd.s32 $0x12910, s13;
	s25 =	sadd.s32 $0x20, s17  }
0x135: {  	[hbm4b:s25+s12] =	stream.linear.scatter [tilespmem:s24], [sflag:$0x4], $0x80, $0x38;
	[tilespmem:$0x16C00] =	vst v63  }
0x136: {  	s31 =	sadd.s32 $0x12998, s13;
	s7 =	sadd.s32 $0x30, s17  }
0x137: {  	[hbm4b:s7+s12] =	stream.linear.scatter [tilespmem:s31], [sflag:$0x4], $0x80, $0x38;
	[tilespmem:$0x16C00] =	vst v63  }
0x138: {  	s24 =	sadd.s32 $0x12A20, s13;
	s25 =	sadd.s32 $0x40, s17  }
0x139: {  	[hbm4b:s25+s12] =	stream.linear.scatter [tilespmem:s24], [sflag:$0x4], $0x80, $0x38;
	[tilespmem:$0x16C00] =	vst v63  }
0x13a: {  	s31 =	sadd.s32 $0x12AA8, s13;
	s7 =	sadd.s32 $0x50, s17  }
0x13b: {  	[hbm4b:s7+s12] =	stream.linear.scatter [tilespmem:s31], [sflag:$0x4], $0x80, $0x38;
	[tilespmem:$0x16C00] =	vst v63  }
0x13c: {  	s19 =	sadd.s32 $0x12B30, s13;
	s24 =	sadd.s32 $0x60, s17  }
0x13d: {  	[hbm4b:s24+s12] =	stream.linear.scatter [tilespmem:s19], [sflag:$0x4], $0x80, $0x38;
	[tilespmem:$0x16C00] =	vst v63  }
0x13e: {  	s25 =	sadd.s32 $0x12BB8, s13;
	s31 =	sadd.s32 $0x70, s17  }
0x13f: {  	[hbm4b:s31+s12] =	stream.linear.scatter [tilespmem:s25], [sflag:$0x4], $0x80, $0x38;
	[tilespmem:$0x16C00] =	vst v63  }
.LBB2_11:
0x140: {  	s12 =	sadd.s32 $0x1, s12  }
0x141: {  	s17 =	sshll.u32 s12, $0x2  }
0x142: {  	s13 =	sor.u32 $0x2, s17  }
0x143: {  	_ =	swait.ge [sflag:s30], $0x4000;
	s19 =	sshll.u32 s12, $0x9;
	s0 =	sshll.u32 s13, $0x7  }
0x144: {  	[sflag:s30] =	ssyncset.done $0x0;
	s24 =	sand.u32 $0xFC00, s19;
	s0 =	sand.u32 $0x300, s0  }
0x145: {  	[sflag:s30] =	ssyncadd.s32 $0xFFFFC000;
	s0 =	sor.u32 s0, s24;
	s24 =	sand.u32 $0xFE00, s19  }
0x146: {  	[tilespmem:s18], [sflag:$0x2] =	stream.indirect.gather [hbm4b:s5+s15], $0x40, s0, s15, $0xb8;
	[tilespmem:$0x16C00] =	vst v63  }
0x147: {  	s0 =	sor.u32 $0x180, s24  }
0x148: {  	[tilespmem:s20], [sflag:$0x2] =	stream.indirect.gather [hbm4b:s5+s15], $0x40, s0, s15, $0xb8;
	[tilespmem:$0x16C00] =	vst v63  }
0x149: {  	_ =	swait.ge [sflag:s21], $0x2000  }
0x14a: {  	[sflag:s21] =	ssyncset.done $0x0  }
0x14b: {  	[sflag:s21] =	ssyncadd.s32 $0xFFFFE000  }
0x14c: {  	_ =	swait.ge [sflag:s21], $0x2000  }
0x14d: {  	[sflag:s21] =	ssyncset.done $0x0  }
0x14e: {  	s25 =	simm.s32 $0x0;
	s19 =	simm.s32 $0x8400;
	[sflag:s21] =	ssyncadd.s32 $0xFFFFE000  }
0x14f: {  	v8 =	vmov s25;
	v9 =	vld [tilespmem:s19+$0xFFFFE000]  }
0x150: {  	v8 =	vand.u32 $0x7E, v8;
	v10 =	vld [tilespmem:s19+$0xFFFFE010]  }
0x151: {  	v12 =	vadd.s32 v0, v8;
	v11 =	vld [tilespmem:s19+$0xFFFFE020]  }
0x152: {  	v14 =	vadd.s32 v1, v8;
	v13 =	vld [tilespmem:s19+$0xFFFFE030]  }
0x153: {  	v15 =	vadd.s32 v2, v8  }
0x154: {  	v16 =	vadd.s32 v3, v8;
	v9 =	vmul.f32 $8.000000000e+00, v9  }
0x155: {  	v10 =	vmul.f32 $8.000000000e+00, v10  }
0x156: {  	v11 =	vmul.f32 $8.000000000e+00, v11;
	[tilespmem:v12+s22+$0x0] =	vst.idx.msk $0xffff, v9  }
0x157: {  	v9 =	vmul.f32 $8.000000000e+00, v13;
	[tilespmem:v14+s22+$0x0] =	vst.idx.msk $0xffff, v10  }
0x158: {  	[tilespmem:v15+s22+$0x0] =	vst.idx.msk $0xffff, v11  }
0x159: {  	[tilespmem:v16+s22+$0x0] =	vst.idx.msk $0xffff, v9  }
0x15a: {  	v9 =	vld [tilespmem:s19+$0x0]  }
0x15b: {  	v10 =	vld [tilespmem:s19+$0x10]  }
0x15c: {  	v52 =	vadd.s32 v4, v8;
	v11 =	vld [tilespmem:s19+$0x20]  }
0x15d: {  	v54 =	vadd.s32 v5, v8;
	v53 =	vld [tilespmem:s19+$0x30]  }
0x15e: {  	v55 =	vadd.s32 v6, v8  }
0x15f: {  	v8 =	vadd.s32 v7, v8;
	v9 =	vmul.f32 $8.000000000e+00, v9  }
0x160: {  	v10 =	vmul.f32 $8.000000000e+00, v10  }
0x161: {  	v11 =	vmul.f32 $8.000000000e+00, v11;
	[tilespmem:v52+s22+$0x0] =	vst.idx.msk $0xffff, v9  }
0x162: {  	v9 =	vmul.f32 $8.000000000e+00, v53;
	[tilespmem:v54+s22+$0x0] =	vst.idx.msk $0xffff, v10  }
0x163: {  	[tilespmem:v55+s22+$0x0] =	vst.idx.msk $0xffff, v11  }
0x164: {  	s31 =	simm.s32 $0x1;
	[tilespmem:v8+s22+$0x0] =	vst.idx.msk $0xffff, v9  }
0x165: {  	v8 =	vmov s31;
	v9 =	vld [tilespmem:s19+$0xFFFFE040]  }
0x166: {  	v10 =	vld [tilespmem:s19+$0xFFFFE050];
	v8 =	vand.u32 $0x7F, v8  }
0x167: {  	v11 =	vld [tilespmem:s19+$0xFFFFE060];
	v56 =	vadd.s32 v0, v8  }
0x168: {  	v57 =	vld [tilespmem:s19+$0xFFFFE070];
	v58 =	vadd.s32 v1, v8  }
0x169: {  	v59 =	vadd.s32 v2, v8  }
0x16a: {  	v60 =	vadd.s32 v3, v8;
	v9 =	vmul.f32 $8.000000000e+00, v9  }
0x16b: {  	v10 =	vmul.f32 $8.000000000e+00, v10  }
0x16c: {  	v11 =	vmul.f32 $8.000000000e+00, v11;
	[tilespmem:v56+s22+$0x0] =	vst.idx.msk $0xffff, v9  }
0x16d: {  	v9 =	vmul.f32 $8.000000000e+00, v57;
	[tilespmem:v58+s22+$0x0] =	vst.idx.msk $0xffff, v10  }
0x16e: {  	[tilespmem:v59+s22+$0x0] =	vst.idx.msk $0xffff, v11  }
0x16f: {  	[tilespmem:v60+s22+$0x0] =	vst.idx.msk $0xffff, v9  }
0x170: {  	v9 =	vld [tilespmem:s19+$0x40]  }
0x171: {  	v10 =	vld [tilespmem:s19+$0x50]  }
0x172: {  	v61 =	vadd.s32 v4, v8;
	v11 =	vld [tilespmem:s19+$0x60]  }
0x173: {  	v62 =	vadd.s32 v5, v8  }
0x174: {  	v63 =	vadd.s32 v6, v8;
	v14 =	vld [tilespmem:s19+$0x70]  }
0x175: {  	v9 =	vmul.f32 $8.000000000e+00, v9  }
0x176: {  	v8 =	vadd.s32 v7, v8;
	v10 =	vmul.f32 $8.000000000e+00, v10  }
0x177: {  	v11 =	vmul.f32 $8.000000000e+00, v11;
	[tilespmem:v61+s22+$0x0] =	vst.idx.msk $0xffff, v9  }
0x178: {  	[tilespmem:v62+s22+$0x0] =	vst.idx.msk $0xffff, v10  }
0x179: {  	s24 =	simm.s32 $0x2;
	v9 =	vmul.f32 $8.000000000e+00, v14;
	[tilespmem:v63+s22+$0x0] =	vst.idx.msk $0xffff, v11  }
.LBB2_12:
0x17a: {  	p0 =	slt.u32 s24, $0x7E  }
0x17b: {  	[tilespmem:v8+s22+$0x0] =	vst.idx.msk $0xffff, v9;
	s19 =	sadd.s32 $0x80, s19;
	s0 =	smov.u32 s24;
	s24 =	sadd.s32 $0x2, s24  }
0x17c: {  	v8 =	vmov s0;
	v9 =	vld [tilespmem:s19+$0xFFFFE000]  }
0x17d: {  	v10 =	vld [tilespmem:s19+$0xFFFFE010];
	v8 =	vand.u32 $0x7E, v8  }
0x17e: {  	v11 =	vld [tilespmem:s19+$0xFFFFE020];
	v12 =	vadd.s32 v0, v8  }
0x17f: {  	v14 =	vadd.s32 v1, v8;
	v13 =	vld [tilespmem:s19+$0xFFFFE030]  }
0x180: {  	v15 =	vadd.s32 v2, v8  }
0x181: {  	v16 =	vadd.s32 v3, v8;
	v9 =	vmul.f32 $8.000000000e+00, v9  }
0x182: {  	v10 =	vmul.f32 $8.000000000e+00, v10  }
0x183: {  	v11 =	vmul.f32 $8.000000000e+00, v11;
	[tilespmem:v12+s22+$0x0] =	vst.idx.msk $0xffff, v9  }
0x184: {  	v9 =	vmul.f32 $8.000000000e+00, v13;
	[tilespmem:v14+s22+$0x0] =	vst.idx.msk $0xffff, v10  }
0x185: {  	[tilespmem:v15+s22+$0x0] =	vst.idx.msk $0xffff, v11  }
0x186: {  	[tilespmem:v16+s22+$0x0] =	vst.idx.msk $0xffff, v9  }
0x187: {  	v9 =	vld [tilespmem:s19+$0x0]  }
0x188: {  	v10 =	vld [tilespmem:s19+$0x10]  }
0x189: {  	v12 =	vadd.s32 v4, v8;
	v11 =	vld [tilespmem:s19+$0x20]  }
0x18a: {  	v14 =	vadd.s32 v5, v8;
	v13 =	vld [tilespmem:s19+$0x30]  }
0x18b: {  	v15 =	vadd.s32 v6, v8  }
0x18c: {  	v8 =	vadd.s32 v7, v8;
	v9 =	vmul.f32 $8.000000000e+00, v9  }
0x18d: {  	v10 =	vmul.f32 $8.000000000e+00, v10  }
0x18e: {  	v11 =	vmul.f32 $8.000000000e+00, v11;
	[tilespmem:v12+s22+$0x0] =	vst.idx.msk $0xffff, v9  }
0x18f: {  	v9 =	vmul.f32 $8.000000000e+00, v13;
	[tilespmem:v14+s22+$0x0] =	vst.idx.msk $0xffff, v10  }
0x190: {  	[tilespmem:v15+s22+$0x0] =	vst.idx.msk $0xffff, v11  }
0x191: {  	s0 =	sadd.s32 $0x1, s0;
	[tilespmem:v8+s22+$0x0] =	vst.idx.msk $0xffff, v9  }
0x192: {  	v8 =	vmov s0;
	v9 =	vld [tilespmem:s19+$0xFFFFE040]  }
0x193: {  	v8 =	vand.u32 $0x7F, v8;
	v10 =	vld [tilespmem:s19+$0xFFFFE050]  }
0x194: {  	v12 =	vadd.s32 v0, v8;
	v11 =	vld [tilespmem:s19+$0xFFFFE060]  }
0x195: {  	v14 =	vadd.s32 v1, v8;
	v13 =	vld [tilespmem:s19+$0xFFFFE070]  }
0x196: {  	v15 =	vadd.s32 v2, v8  }
0x197: {  	v16 =	vadd.s32 v3, v8;
	v9 =	vmul.f32 $8.000000000e+00, v9  }
0x198: {  	v10 =	vmul.f32 $8.000000000e+00, v10  }
0x199: {  	v11 =	vmul.f32 $8.000000000e+00, v11;
	[tilespmem:v12+s22+$0x0] =	vst.idx.msk $0xffff, v9  }
0x19a: {  	v9 =	vmul.f32 $8.000000000e+00, v13;
	[tilespmem:v14+s22+$0x0] =	vst.idx.msk $0xffff, v10  }
0x19b: {  	[tilespmem:v15+s22+$0x0] =	vst.idx.msk $0xffff, v11  }
0x19c: {  	[tilespmem:v16+s22+$0x0] =	vst.idx.msk $0xffff, v9  }
0x19d: {  	v9 =	vld [tilespmem:s19+$0x40]  }
0x19e: {  	v10 =	vld [tilespmem:s19+$0x50]  }
0x19f: {  	v12 =	vadd.s32 v4, v8;
	v11 =	vld [tilespmem:s19+$0x60]  }
0x1a0: {  	v14 =	vadd.s32 v5, v8;
	v13 =	vld [tilespmem:s19+$0x70]  }
0x1a1: {  	v15 =	vadd.s32 v6, v8  }
.Ltmp4:
0x1a2: {  	v8 =	vadd.s32 v7, v8;
	v9 =	vmul.f32 $8.000000000e+00, v9;
	(pc) =	sbr.rel @p0 .LBB2_12-.Ltmp4, $4  }
0x1a3: {  	v10 =	vmul.f32 $8.000000000e+00, v10  }
0x1a4: {  	v11 =	vmul.f32 $8.000000000e+00, v11;
	[tilespmem:v12+s22+$0x0] =	vst.idx.msk $0xffff, v9  }
0x1a5: {  	v9 =	vmul.f32 $8.000000000e+00, v13;
	[tilespmem:v14+s22+$0x0] =	vst.idx.msk $0xffff, v10  }
0x1a6: {  	[tilespmem:v15+s22+$0x0] =	vst.idx.msk $0xffff, v11  }
0x1a7: {  	_ = 	snop  }
0x1a8: {  	s0 =	sshll.u32 s12, $0x14  }
0x1a9: {  	s0 =	sor.u32 s4, s0  }
0x1aa: {  	s0 =	sshrl.u32 s0, $0x3  }
0x1ab: {  	[tilespmem:v8+s22+$0x0] =	vst.idx.msk $0xffff, v9;
	s25 =	simm.s32 $0xE400;
	s24 =	sadd.s32 s2, s0  }
0x1ac: {  	[hbm4b:s24+s3] =	stream.linear.scatter [tilespmem:s25], [sflag:$0x3], $0x80, $0x38;
	[tilespmem:$0x16C00] =	vst v63  }
0x1ad: {  	s7 =	simm.s32 $0xE488;
	s19 =	sadd.s32 $0x10, s24  }
0x1ae: {  	[hbm4b:s19+s3] =	stream.linear.scatter [tilespmem:s7], [sflag:$0x3], $0x80, $0x38;
	[tilespmem:$0x16C00] =	vst v63  }
0x1af: {  	s25 =	simm.s32 $0xE510;
	s7 =	sadd.s32 $0x20, s24  }
0x1b0: {  	[hbm4b:s7+s3] =	stream.linear.scatter [tilespmem:s25], [sflag:$0x3], $0x80, $0x38;
	[tilespmem:$0x16C00] =	vst v63  }
0x1b1: {  	s25 =	simm.s32 $0xE598;
	s7 =	sadd.s32 $0x30, s24  }
0x1b2: {  	[hbm4b:s7+s3] =	stream.linear.scatter [tilespmem:s25], [sflag:$0x3], $0x80, $0x38;
	[tilespmem:$0x16C00] =	vst v63  }
0x1b3: {  	s25 =	simm.s32 $0xE620;
	s7 =	sadd.s32 $0x40, s24  }
0x1b4: {  	[hbm4b:s7+s3] =	stream.linear.scatter [tilespmem:s25], [sflag:$0x3], $0x80, $0x38;
	[tilespmem:$0x16C00] =	vst v63  }
0x1b5: {  	s31 =	simm.s32 $0xE7B8;
	s25 =	simm.s32 $0xE6A8;
	s7 =	sadd.s32 $0x50, s24  }
0x1b6: {  	[hbm4b:s7+s3] =	stream.linear.scatter [tilespmem:s25], [sflag:$0x3], $0x80, $0x38;
	[tilespmem:$0x16C00] =	vst v63  }
0x1b7: {  	s0 =	sadd.s32 $0x70, s24;
	s19 =	simm.s32 $0xE730;
	s25 =	sadd.s32 $0x60, s24  }
0x1b8: {  	[hbm4b:s25+s3] =	stream.linear.scatter [tilespmem:s19], [sflag:$0x3], $0x80, $0x38;
	[tilespmem:$0x16C00] =	vst v63  }
0x1b9: {  	s24 =	sadd.s32 $0x1000, s24;
	s19 =	simm.s32 $0x440;
	s25 =	simm.s32 $0x2200  }
.LBB2_14:
0x1ba: {  	[hbm4b:s0+s3] =	stream.linear.scatter [tilespmem:s31], [sflag:$0x3], $0x80, $0x38;
	[tilespmem:$0x16C00] =	vst v63  }
0x1bb: {  	s0 =	smov.u32 s19;
	s19 =	smov.u32 s25  }
0x1bc: {  	s7 =	sadd.s32 $0x1100, s25;
	s19 =	sshra.s32 s19, $0x2;
	s31 =	sadd.s32 $0xE400, s0  }
0x1bd: {  	[hbm4b:s24+s3] =	stream.linear.scatter [tilespmem:s31], [sflag:$0x3], $0x80, $0x38;
	[tilespmem:$0x16C00] =	vst v63  }
0x1be: {  	p0 =	sne.s32 s25, $0xFF00;
	s25 =	sadd.s32 $0xE488, s0;
	s31 =	sadd.s32 $0x10, s24  }
0x1bf: {  	[hbm4b:s31+s3] =	stream.linear.scatter [tilespmem:s25], [sflag:$0x3], $0x80, $0x38;
	[tilespmem:$0x16C00] =	vst v63  }
0x1c0: {  	s25 =	sadd.s32 $0xE510, s0;
	s31 =	sadd.s32 $0x20, s24  }
0x1c1: {  	[hbm4b:s31+s3] =	stream.linear.scatter [tilespmem:s25], [sflag:$0x3], $0x80, $0x38;
	[tilespmem:$0x16C00] =	vst v63  }
0x1c2: {  	s25 =	sadd.s32 $0xE598, s0;
	s31 =	sadd.s32 $0x30, s24  }
0x1c3: {  	[hbm4b:s31+s3] =	stream.linear.scatter [tilespmem:s25], [sflag:$0x3], $0x80, $0x38;
	[tilespmem:$0x16C00] =	vst v63  }
0x1c4: {  	s25 =	sadd.s32 $0xE620, s0;
	s31 =	sadd.s32 $0x40, s24  }
0x1c5: {  	[hbm4b:s31+s3] =	stream.linear.scatter [tilespmem:s25], [sflag:$0x3], $0x80, $0x38;
	[tilespmem:$0x16C00] =	vst v63  }
0x1c6: {  	s25 =	sadd.s32 $0xE6A8, s0;
	s31 =	sadd.s32 $0x50, s24  }
0x1c7: {  	[hbm4b:s31+s3] =	stream.linear.scatter [tilespmem:s25], [sflag:$0x3], $0x80, $0x38;
	[tilespmem:$0x16C00] =	vst v63  }
.Ltmp5:
0x1c8: {  	_ = 	snop;
	(pc) =	sbr.rel @p0 .LBB2_14-.Ltmp5, $4  }
0x1c9: {  	s25 =	sadd.s32 $0xE730, s0;
	s31 =	sadd.s32 $0x60, s24  }
0x1ca: {  	[hbm4b:s31+s3] =	stream.linear.scatter [tilespmem:s25], [sflag:$0x3], $0x80, $0x38;
	[tilespmem:$0x16C00] =	vst v63  }
0x1cb: {  	s31 =	sadd.s32 $0xE7B8, s0  }
0x1cc: {  	s0 =	sadd.s32 $0x70, s24;
	s24 =	sadd.s32 $0x1000, s24;
	s25 =	smov.u32 s7  }
0x1cd: {  	[hbm4b:s0+s3] =	stream.linear.scatter [tilespmem:s31], [sflag:$0x3], $0x80, $0x38;
	[tilespmem:$0x16C00] =	vst v63  }
0x1ce: {  	s25 =	sadd.s32 $0xE400, s19  }
0x1cf: {  	[hbm4b:s24+s3] =	stream.linear.scatter [tilespmem:s25], [sflag:$0x3], $0x80, $0x38;
	[tilespmem:$0x16C00] =	vst v63  }
0x1d0: {  	s31 =	sadd.s32 $0xE488, s19;
	s7 =	sadd.s32 $0x10, s24  }
0x1d1: {  	[hbm4b:s7+s3] =	stream.linear.scatter [tilespmem:s31], [sflag:$0x3], $0x80, $0x38;
	[tilespmem:$0x16C00] =	vst v63  }
0x1d2: {  	s25 =	sadd.s32 $0xE510, s19;
	s31 =	sadd.s32 $0x20, s24  }
0x1d3: {  	[hbm4b:s31+s3] =	stream.linear.scatter [tilespmem:s25], [sflag:$0x3], $0x80, $0x38;
	[tilespmem:$0x16C00] =	vst v63  }
0x1d4: {  	s25 =	sadd.s32 $0xE598, s19;
	s31 =	sadd.s32 $0x30, s24  }
0x1d5: {  	[hbm4b:s31+s3] =	stream.linear.scatter [tilespmem:s25], [sflag:$0x3], $0x80, $0x38;
	[tilespmem:$0x16C00] =	vst v63  }
0x1d6: {  	s25 =	sadd.s32 $0xE620, s19;
	s31 =	sadd.s32 $0x40, s24  }
0x1d7: {  	[hbm4b:s31+s3] =	stream.linear.scatter [tilespmem:s25], [sflag:$0x3], $0x80, $0x38;
	[tilespmem:$0x16C00] =	vst v63  }
0x1d8: {  	s25 =	sadd.s32 $0xE6A8, s19;
	s31 =	sadd.s32 $0x50, s24  }
0x1d9: {  	[hbm4b:s31+s3] =	stream.linear.scatter [tilespmem:s25], [sflag:$0x3], $0x80, $0x38;
	[tilespmem:$0x16C00] =	vst v63  }
0x1da: {  	s25 =	sadd.s32 $0xE730, s19;
	s31 =	sadd.s32 $0x60, s24  }
0x1db: {  	[hbm4b:s31+s3] =	stream.linear.scatter [tilespmem:s25], [sflag:$0x3], $0x80, $0x38;
	[tilespmem:$0x16C00] =	vst v63  }
0x1dc: {  	s25 =	sadd.s32 $0xE7B8, s19;
	s31 =	sadd.s32 $0x70, s24  }
0x1dd: {  	[hbm4b:s31+s3] =	stream.linear.scatter [tilespmem:s25], [sflag:$0x3], $0x80, $0x38;
	[tilespmem:$0x16C00] =	vst v63  }
0x1de: {  	s19 =	sshll.u32 s17, $0x7;
	_ =	swait.ge [sflag:s23], $0x4000  }
0x1df: {  	s24 =	sadd.s32 $0x200, s19;
	[sflag:s23] =	ssyncset.done $0x0  }
0x1e0: {  	s0 =	sadd.s32 $0x280, s19;
	s7 =	sand.u32 $0x1FE00, s24;
	[sflag:s23] =	ssyncadd.s32 $0xFFFFC000  }
0x1e1: {  	[tilespmem:s16], [sflag:$0x1] =	stream.indirect.gather [hbm4b:s5+s15], $0x40, s7, s15, $0xb8;
	[tilespmem:$0x16C00] =	vst v63  }
0x1e2: {  	s0 =	sand.u32 $0x1FE80, s0  }
0x1e3: {  	[tilespmem:s26], [sflag:$0x1] =	stream.indirect.gather [hbm4b:s5+s15], $0x40, s0, s15, $0xb8;
	[tilespmem:$0x16C00] =	vst v63  }
0x1e4: {  	_ =	swait.ge [sflag:s28], $0x2000  }
0x1e5: {  	[sflag:s28] =	ssyncset.done $0x0  }
0x1e6: {  	[sflag:s28] =	ssyncadd.s32 $0xFFFFE000  }
0x1e7: {  	_ =	swait.ge [sflag:s28], $0x2000  }
0x1e8: {  	[sflag:s28] =	ssyncset.done $0x0  }
0x1e9: {  	s17 =	simm.s32 $0xC400;
	s25 =	simm.s32 $0x0;
	[sflag:s28] =	ssyncadd.s32 $0xFFFFE000  }
0x1ea: {  	v8 =	vmov s25;
	v9 =	vld [tilespmem:s17+$0xFFFFE000]  }
0x1eb: {  	v8 =	vand.u32 $0x7E, v8;
	v10 =	vld [tilespmem:s17+$0xFFFFE010]  }
0x1ec: {  	v12 =	vadd.s32 v0, v8;
	v11 =	vld [tilespmem:s17+$0xFFFFE020]  }
0x1ed: {  	v14 =	vadd.s32 v1, v8;
	v13 =	vld [tilespmem:s17+$0xFFFFE030]  }
0x1ee: {  	v15 =	vadd.s32 v2, v8  }
0x1ef: {  	v16 =	vadd.s32 v3, v8;
	v9 =	vmul.f32 $8.000000000e+00, v9  }
0x1f0: {  	v10 =	vmul.f32 $8.000000000e+00, v10  }
0x1f1: {  	v11 =	vmul.f32 $8.000000000e+00, v11;
	[tilespmem:v12+s29+$0x0] =	vst.idx.msk $0xffff, v9  }
0x1f2: {  	v9 =	vmul.f32 $8.000000000e+00, v13;
	[tilespmem:v14+s29+$0x0] =	vst.idx.msk $0xffff, v10  }
0x1f3: {  	[tilespmem:v15+s29+$0x0] =	vst.idx.msk $0xffff, v11  }
0x1f4: {  	[tilespmem:v16+s29+$0x0] =	vst.idx.msk $0xffff, v9  }
0x1f5: {  	v9 =	vld [tilespmem:s17+$0x0]  }
0x1f6: {  	v10 =	vld [tilespmem:s17+$0x10]  }
0x1f7: {  	v52 =	vadd.s32 v4, v8;
	v11 =	vld [tilespmem:s17+$0x20]  }
0x1f8: {  	v54 =	vadd.s32 v5, v8;
	v53 =	vld [tilespmem:s17+$0x30]  }
0x1f9: {  	v55 =	vadd.s32 v6, v8  }
0x1fa: {  	v8 =	vadd.s32 v7, v8;
	v9 =	vmul.f32 $8.000000000e+00, v9  }
0x1fb: {  	v10 =	vmul.f32 $8.000000000e+00, v10  }
0x1fc: {  	v11 =	vmul.f32 $8.000000000e+00, v11;
	[tilespmem:v52+s29+$0x0] =	vst.idx.msk $0xffff, v9  }
0x1fd: {  	v9 =	vmul.f32 $8.000000000e+00, v53;
	[tilespmem:v54+s29+$0x0] =	vst.idx.msk $0xffff, v10  }
0x1fe: {  	[tilespmem:v55+s29+$0x0] =	vst.idx.msk $0xffff, v11  }
0x1ff: {  	s31 =	simm.s32 $0x1;
	[tilespmem:v8+s29+$0x0] =	vst.idx.msk $0xffff, v9  }
0x200: {  	v8 =	vmov s31;
	v9 =	vld [tilespmem:s17+$0xFFFFE040]  }
0x201: {  	v10 =	vld [tilespmem:s17+$0xFFFFE050];
	v8 =	vand.u32 $0x7F, v8  }
0x202: {  	v11 =	vld [tilespmem:s17+$0xFFFFE060];
	v56 =	vadd.s32 v0, v8  }
0x203: {  	v57 =	vld [tilespmem:s17+$0xFFFFE070];
	v58 =	vadd.s32 v1, v8  }
0x204: {  	v59 =	vadd.s32 v2, v8  }
0x205: {  	v60 =	vadd.s32 v3, v8;
	v9 =	vmul.f32 $8.000000000e+00, v9  }
0x206: {  	v10 =	vmul.f32 $8.000000000e+00, v10  }
0x207: {  	v11 =	vmul.f32 $8.000000000e+00, v11;
	[tilespmem:v56+s29+$0x0] =	vst.idx.msk $0xffff, v9  }
0x208: {  	v9 =	vmul.f32 $8.000000000e+00, v57;
	[tilespmem:v58+s29+$0x0] =	vst.idx.msk $0xffff, v10  }
0x209: {  	[tilespmem:v59+s29+$0x0] =	vst.idx.msk $0xffff, v11  }
0x20a: {  	[tilespmem:v60+s29+$0x0] =	vst.idx.msk $0xffff, v9  }
0x20b: {  	v9 =	vld [tilespmem:s17+$0x40]  }
0x20c: {  	v10 =	vld [tilespmem:s17+$0x50]  }
0x20d: {  	v61 =	vadd.s32 v4, v8;
	v11 =	vld [tilespmem:s17+$0x60]  }
0x20e: {  	v62 =	vadd.s32 v5, v8  }
0x20f: {  	v63 =	vadd.s32 v6, v8;
	v14 =	vld [tilespmem:s17+$0x70]  }
0x210: {  	v9 =	vmul.f32 $8.000000000e+00, v9  }
0x211: {  	v8 =	vadd.s32 v7, v8;
	v10 =	vmul.f32 $8.000000000e+00, v10  }
0x212: {  	v11 =	vmul.f32 $8.000000000e+00, v11;
	[tilespmem:v61+s29+$0x0] =	vst.idx.msk $0xffff, v9  }
0x213: {  	[tilespmem:v62+s29+$0x0] =	vst.idx.msk $0xffff, v10  }
0x214: {  	s19 =	simm.s32 $0x2;
	v9 =	vmul.f32 $8.000000000e+00, v14;
	[tilespmem:v63+s29+$0x0] =	vst.idx.msk $0xffff, v11  }
.LBB2_16:
0x215: {  	p0 =	slt.u32 s19, $0x7E  }
0x216: {  	[tilespmem:v8+s29+$0x0] =	vst.idx.msk $0xffff, v9;
	s17 =	sadd.s32 $0x80, s17;
	s0 =	smov.u32 s19;
	s19 =	sadd.s32 $0x2, s19  }
0x217: {  	v8 =	vmov s0;
	v9 =	vld [tilespmem:s17+$0xFFFFE000]  }
0x218: {  	v10 =	vld [tilespmem:s17+$0xFFFFE010];
	v8 =	vand.u32 $0x7E, v8  }
0x219: {  	v11 =	vld [tilespmem:s17+$0xFFFFE020];
	v12 =	vadd.s32 v0, v8  }
0x21a: {  	v14 =	vadd.s32 v1, v8;
	v13 =	vld [tilespmem:s17+$0xFFFFE030]  }
0x21b: {  	v15 =	vadd.s32 v2, v8  }
0x21c: {  	v16 =	vadd.s32 v3, v8;
	v9 =	vmul.f32 $8.000000000e+00, v9  }
0x21d: {  	v10 =	vmul.f32 $8.000000000e+00, v10  }
0x21e: {  	v11 =	vmul.f32 $8.000000000e+00, v11;
	[tilespmem:v12+s29+$0x0] =	vst.idx.msk $0xffff, v9  }
0x21f: {  	v9 =	vmul.f32 $8.000000000e+00, v13;
	[tilespmem:v14+s29+$0x0] =	vst.idx.msk $0xffff, v10  }
0x220: {  	[tilespmem:v15+s29+$0x0] =	vst.idx.msk $0xffff, v11  }
0x221: {  	[tilespmem:v16+s29+$0x0] =	vst.idx.msk $0xffff, v9  }
0x222: {  	v9 =	vld [tilespmem:s17+$0x0]  }
0x223: {  	v10 =	vld [tilespmem:s17+$0x10]  }
0x224: {  	v12 =	vadd.s32 v4, v8;
	v11 =	vld [tilespmem:s17+$0x20]  }
0x225: {  	v14 =	vadd.s32 v5, v8;
	v13 =	vld [tilespmem:s17+$0x30]  }
0x226: {  	v15 =	vadd.s32 v6, v8  }
0x227: {  	v8 =	vadd.s32 v7, v8;
	v9 =	vmul.f32 $8.000000000e+00, v9  }
0x228: {  	v10 =	vmul.f32 $8.000000000e+00, v10  }
0x229: {  	v11 =	vmul.f32 $8.000000000e+00, v11;
	[tilespmem:v12+s29+$0x0] =	vst.idx.msk $0xffff, v9  }
0x22a: {  	v9 =	vmul.f32 $8.000000000e+00, v13;
	[tilespmem:v14+s29+$0x0] =	vst.idx.msk $0xffff, v10  }
0x22b: {  	[tilespmem:v15+s29+$0x0] =	vst.idx.msk $0xffff, v11  }
0x22c: {  	s0 =	sadd.s32 $0x1, s0;
	[tilespmem:v8+s29+$0x0] =	vst.idx.msk $0xffff, v9  }
0x22d: {  	v8 =	vmov s0;
	v9 =	vld [tilespmem:s17+$0xFFFFE040]  }
0x22e: {  	v8 =	vand.u32 $0x7F, v8;
	v10 =	vld [tilespmem:s17+$0xFFFFE050]  }
0x22f: {  	v12 =	vadd.s32 v0, v8;
	v11 =	vld [tilespmem:s17+$0xFFFFE060]  }
0x230: {  	v14 =	vadd.s32 v1, v8;
	v13 =	vld [tilespmem:s17+$0xFFFFE070]  }
0x231: {  	v15 =	vadd.s32 v2, v8  }
0x232: {  	v16 =	vadd.s32 v3, v8;
	v9 =	vmul.f32 $8.000000000e+00, v9  }
0x233: {  	v10 =	vmul.f32 $8.000000000e+00, v10  }
0x234: {  	v11 =	vmul.f32 $8.000000000e+00, v11;
	[tilespmem:v12+s29+$0x0] =	vst.idx.msk $0xffff, v9  }
0x235: {  	v9 =	vmul.f32 $8.000000000e+00, v13;
	[tilespmem:v14+s29+$0x0] =	vst.idx.msk $0xffff, v10  }
0x236: {  	[tilespmem:v15+s29+$0x0] =	vst.idx.msk $0xffff, v11  }
0x237: {  	[tilespmem:v16+s29+$0x0] =	vst.idx.msk $0xffff, v9  }
0x238: {  	v9 =	vld [tilespmem:s17+$0x40]  }
0x239: {  	v10 =	vld [tilespmem:s17+$0x50]  }
0x23a: {  	v12 =	vadd.s32 v4, v8;
	v11 =	vld [tilespmem:s17+$0x60]  }
0x23b: {  	v14 =	vadd.s32 v5, v8;
	v13 =	vld [tilespmem:s17+$0x70]  }
0x23c: {  	v15 =	vadd.s32 v6, v8  }
.Ltmp6:
0x23d: {  	v8 =	vadd.s32 v7, v8;
	v9 =	vmul.f32 $8.000000000e+00, v9;
	(pc) =	sbr.rel @p0 .LBB2_16-.Ltmp6, $4  }
0x23e: {  	v10 =	vmul.f32 $8.000000000e+00, v10  }
0x23f: {  	v11 =	vmul.f32 $8.000000000e+00, v11;
	[tilespmem:v12+s29+$0x0] =	vst.idx.msk $0xffff, v9  }
0x240: {  	v9 =	vmul.f32 $8.000000000e+00, v13;
	[tilespmem:v14+s29+$0x0] =	vst.idx.msk $0xffff, v10  }
0x241: {  	[tilespmem:v15+s29+$0x0] =	vst.idx.msk $0xffff, v11  }
0x242: {  	_ = 	snop  }
0x243: {  	s0 =	sshll.u32 s13, $0x12  }
0x244: {  	s0 =	sor.u32 s4, s0  }
0x245: {  	s0 =	sshrl.u32 s0, $0x3  }
0x246: {  	[tilespmem:v8+s29+$0x0] =	vst.idx.msk $0xffff, v9;
	s31 =	simm.s32 $0x12800;
	s7 =	sadd.s32 s2, s0  }
0x247: {  	[hbm4b:s7+s3] =	stream.linear.scatter [tilespmem:s31], [sflag:$0x4], $0x80, $0x38;
	[tilespmem:$0x16C00] =	vst v63  }
0x248: {  	s13 =	simm.s32 $0x12888;
	s17 =	sadd.s32 $0x10, s7  }
0x249: {  	[hbm4b:s17+s3] =	stream.linear.scatter [tilespmem:s13], [sflag:$0x4], $0x80, $0x38;
	[tilespmem:$0x16C00] =	vst v63  }
0x24a: {  	s19 =	simm.s32 $0x12910;
	s25 =	simm.s32 $0x12998;
	s24 =	sadd.s32 $0x20, s7  }
0x24b: {  	[hbm4b:s24+s3] =	stream.linear.scatter [tilespmem:s19], [sflag:$0x4], $0x80, $0x38;
	[tilespmem:$0x16C00] =	vst v63  }
0x24c: {  	s31 =	sadd.s32 $0x30, s7;
	s0 =	sadd.s32 $0x70, s7;
	s13 =	simm.s32 $0x12A20  }
0x24d: {  	[hbm4b:s31+s3] =	stream.linear.scatter [tilespmem:s25], [sflag:$0x4], $0x80, $0x38;
	[tilespmem:$0x16C00] =	vst v63  }
0x24e: {  	s17 =	sadd.s32 $0x40, s7;
	s19 =	simm.s32 $0x12AA8;
	s24 =	sadd.s32 $0x50, s7  }
0x24f: {  	[hbm4b:s17+s3] =	stream.linear.scatter [tilespmem:s13], [sflag:$0x4], $0x80, $0x38;
	[tilespmem:$0x16C00] =	vst v63  }
0x250: {  	s25 =	simm.s32 $0x12B30;
	s31 =	sadd.s32 $0x60, s7;
	s13 =	simm.s32 $0x440  }
0x251: {  	[hbm4b:s24+s3] =	stream.linear.scatter [tilespmem:s19], [sflag:$0x4], $0x80, $0x38;
	[tilespmem:$0x16C00] =	vst v63  }
0x252: {  	s17 =	sadd.s32 $0x1000, s7;
	s19 =	simm.s32 $0x2200;
	s24 =	simm.s32 $0x12BB8  }
0x253: {  	[hbm4b:s31+s3] =	stream.linear.scatter [tilespmem:s25], [sflag:$0x4], $0x80, $0x38;
	[tilespmem:$0x16C00] =	vst v63  }
.LBB2_18:
0x254: {  	[hbm4b:s0+s3] =	stream.linear.scatter [tilespmem:s24], [sflag:$0x4], $0x80, $0x38;
	[tilespmem:$0x16C00] =	vst v63  }
0x255: {  	s0 =	smov.u32 s13;
	s7 =	smov.u32 s19  }
0x256: {  	s13 =	sshra.s32 s7, $0x2;
	s7 =	sadd.s32 $0x1100, s19;
	s24 =	sadd.s32 $0x12800, s0  }
0x257: {  	[hbm4b:s17+s3] =	stream.linear.scatter [tilespmem:s24], [sflag:$0x4], $0x80, $0x38;
	[tilespmem:$0x16C00] =	vst v63  }
0x258: {  	p0 =	seq.s32 s19, $0xFF00;
	s19 =	sadd.s32 $0x12888, s0;
	s24 =	sadd.s32 $0x10, s17  }
0x259: {  	[hbm4b:s24+s3] =	stream.linear.scatter [tilespmem:s19], [sflag:$0x4], $0x80, $0x38;
	[tilespmem:$0x16C00] =	vst v63  }
0x25a: {  	s19 =	sadd.s32 $0x12910, s0;
	s24 =	sadd.s32 $0x20, s17  }
0x25b: {  	[hbm4b:s24+s3] =	stream.linear.scatter [tilespmem:s19], [sflag:$0x4], $0x80, $0x38;
	[tilespmem:$0x16C00] =	vst v63  }
0x25c: {  	s19 =	sadd.s32 $0x12998, s0;
	s24 =	sadd.s32 $0x30, s17  }
0x25d: {  	[hbm4b:s24+s3] =	stream.linear.scatter [tilespmem:s19], [sflag:$0x4], $0x80, $0x38;
	[tilespmem:$0x16C00] =	vst v63  }
0x25e: {  	s19 =	sadd.s32 $0x12A20, s0;
	s24 =	sadd.s32 $0x40, s17  }
0x25f: {  	[hbm4b:s24+s3] =	stream.linear.scatter [tilespmem:s19], [sflag:$0x4], $0x80, $0x38;
	[tilespmem:$0x16C00] =	vst v63  }
0x260: {  	s19 =	sadd.s32 $0x12AA8, s0;
	s24 =	sadd.s32 $0x50, s17  }
0x261: {  	[hbm4b:s24+s3] =	stream.linear.scatter [tilespmem:s19], [sflag:$0x4], $0x80, $0x38;
	[tilespmem:$0x16C00] =	vst v63  }
.Ltmp7:
0x262: {  	_ = 	snop;
	(pc) =	sbr.rel @!p0 .LBB2_18-.Ltmp7, $4  }
0x263: {  	s19 =	sadd.s32 $0x12B30, s0;
	s24 =	sadd.s32 $0x60, s17  }
0x264: {  	[hbm4b:s24+s3] =	stream.linear.scatter [tilespmem:s19], [sflag:$0x4], $0x80, $0x38;
	[tilespmem:$0x16C00] =	vst v63  }
0x265: {  	s24 =	sadd.s32 $0x12BB8, s0  }
0x266: {  	s0 =	sadd.s32 $0x70, s17;
	s17 =	sadd.s32 $0x1000, s17;
	s19 =	smov.u32 s7  }
0x267: {  	[hbm4b:s0+s3] =	stream.linear.scatter [tilespmem:s24], [sflag:$0x4], $0x80, $0x38;
	[tilespmem:$0x16C00] =	vst v63  }
0x268: {  	s25 =	sadd.s32 $0x12800, s13  }
0x269: {  	[hbm4b:s17+s3] =	stream.linear.scatter [tilespmem:s25], [sflag:$0x4], $0x80, $0x38;
	[tilespmem:$0x16C00] =	vst v63  }
0x26a: {  	s31 =	sadd.s32 $0x12888, s13;
	s7 =	sadd.s32 $0x10, s17  }
0x26b: {  	[hbm4b:s7+s3] =	stream.linear.scatter [tilespmem:s31], [sflag:$0x4], $0x80, $0x38;
	[tilespmem:$0x16C00] =	vst v63  }
0x26c: {  	s19 =	sadd.s32 $0x12910, s13;
	s24 =	sadd.s32 $0x20, s17  }
0x26d: {  	[hbm4b:s24+s3] =	stream.linear.scatter [tilespmem:s19], [sflag:$0x4], $0x80, $0x38;
	[tilespmem:$0x16C00] =	vst v63  }
0x26e: {  	s25 =	sadd.s32 $0x12998, s13;
	s31 =	sadd.s32 $0x30, s17  }
0x26f: {  	[hbm4b:s31+s3] =	stream.linear.scatter [tilespmem:s25], [sflag:$0x4], $0x80, $0x38;
	[tilespmem:$0x16C00] =	vst v63  }
0x270: {  	s19 =	sadd.s32 $0x12A20, s13;
	s24 =	sadd.s32 $0x40, s17  }
0x271: {  	[hbm4b:s24+s3] =	stream.linear.scatter [tilespmem:s19], [sflag:$0x4], $0x80, $0x38;
	[tilespmem:$0x16C00] =	vst v63  }
0x272: {  	s25 =	sadd.s32 $0x12AA8, s13;
	s31 =	sadd.s32 $0x50, s17  }
0x273: {  	[hbm4b:s31+s3] =	stream.linear.scatter [tilespmem:s25], [sflag:$0x4], $0x80, $0x38;
	[tilespmem:$0x16C00] =	vst v63  }
0x274: {  	s19 =	sadd.s32 $0x12B30, s13;
	s24 =	sadd.s32 $0x60, s17  }
0x275: {  	[hbm4b:s24+s3] =	stream.linear.scatter [tilespmem:s19], [sflag:$0x4], $0x80, $0x38;
	[tilespmem:$0x16C00] =	vst v63  }
0x276: {  	s25 =	sadd.s32 $0x12BB8, s13;
	s31 =	sadd.s32 $0x70, s17  }
0x277: {  	[hbm4b:s31+s3] =	stream.linear.scatter [tilespmem:s25], [sflag:$0x4], $0x80, $0x38;
	[tilespmem:$0x16C00] =	vst v63  }
0x278: {  	p0 =	seq.s32 s12, $0x30  }
.Ltmp8:
0x279: {  	_ = 	snop;
	(pc) =	sbr.rel @!p0 .LBB2_11-.Ltmp8, $1  }
0x27a: {  	_ =	sdelay $0x3  }
0x27b: {  	_ =	swait.ge [sflag:s30], $0x4000  }
0x27c: {  	[sflag:s30] =	ssyncset.done $0x0  }
0x27d: {  	s0 =	simm.s32 $0x6300;
	[sflag:s30] =	ssyncadd.s32 $0xFFFFC000  }
0x27e: {  	[tilespmem:s18], [sflag:$0x2] =	stream.indirect.gather [hbm4b:s5+s15], $0x40, s0, s15, $0xb8;
	[tilespmem:$0x16C00] =	vst v63  }
0x27f: {  	s24 =	simm.s32 $0x6380  }
0x280: {  	[tilespmem:s20], [sflag:$0x2] =	stream.indirect.gather [hbm4b:s5+s15], $0x40, s24, s15, $0xb8;
	[tilespmem:$0x16C00] =	vst v63  }
0x281: {  	_ =	swait.ge [sflag:s21], $0x2000  }
0x282: {  	[sflag:s21] =	ssyncset.done $0x0  }
0x283: {  	[sflag:s21] =	ssyncadd.s32 $0xFFFFE000  }
0x284: {  	_ =	swait.ge [sflag:s21], $0x2000  }
0x285: {  	[sflag:s21] =	ssyncset.done $0x0  }
0x286: {  	s25 =	simm.s32 $0x0;
	s12 =	simm.s32 $0x8400;
	[sflag:s21] =	ssyncadd.s32 $0xFFFFE000  }
0x287: {  	v8 =	vmov s25;
	v9 =	vld [tilespmem:s12+$0xFFFFE000]  }
0x288: {  	v8 =	vand.u32 $0x7E, v8;
	v10 =	vld [tilespmem:s12+$0xFFFFE010]  }
0x289: {  	v12 =	vadd.s32 v0, v8;
	v11 =	vld [tilespmem:s12+$0xFFFFE020]  }
0x28a: {  	v14 =	vadd.s32 v1, v8;
	v13 =	vld [tilespmem:s12+$0xFFFFE030]  }
0x28b: {  	v15 =	vadd.s32 v2, v8  }
0x28c: {  	v16 =	vadd.s32 v3, v8;
	v9 =	vmul.f32 $8.000000000e+00, v9  }
0x28d: {  	v10 =	vmul.f32 $8.000000000e+00, v10  }
0x28e: {  	v11 =	vmul.f32 $8.000000000e+00, v11;
	[tilespmem:v12+s22+$0x0] =	vst.idx.msk $0xffff, v9  }
0x28f: {  	v9 =	vmul.f32 $8.000000000e+00, v13;
	[tilespmem:v14+s22+$0x0] =	vst.idx.msk $0xffff, v10  }
0x290: {  	[tilespmem:v15+s22+$0x0] =	vst.idx.msk $0xffff, v11  }
0x291: {  	[tilespmem:v16+s22+$0x0] =	vst.idx.msk $0xffff, v9  }
0x292: {  	v9 =	vld [tilespmem:s12+$0x0]  }
0x293: {  	v10 =	vld [tilespmem:s12+$0x10]  }
0x294: {  	v52 =	vadd.s32 v4, v8;
	v11 =	vld [tilespmem:s12+$0x20]  }
0x295: {  	v54 =	vadd.s32 v5, v8;
	v53 =	vld [tilespmem:s12+$0x30]  }
0x296: {  	v55 =	vadd.s32 v6, v8  }
0x297: {  	v8 =	vadd.s32 v7, v8;
	v9 =	vmul.f32 $8.000000000e+00, v9  }
0x298: {  	v10 =	vmul.f32 $8.000000000e+00, v10  }
0x299: {  	v11 =	vmul.f32 $8.000000000e+00, v11;
	[tilespmem:v52+s22+$0x0] =	vst.idx.msk $0xffff, v9  }
0x29a: {  	v9 =	vmul.f32 $8.000000000e+00, v53;
	[tilespmem:v54+s22+$0x0] =	vst.idx.msk $0xffff, v10  }
0x29b: {  	[tilespmem:v55+s22+$0x0] =	vst.idx.msk $0xffff, v11  }
0x29c: {  	s31 =	simm.s32 $0x1;
	[tilespmem:v8+s22+$0x0] =	vst.idx.msk $0xffff, v9  }
0x29d: {  	v8 =	vmov s31;
	v9 =	vld [tilespmem:s12+$0xFFFFE040]  }
0x29e: {  	v10 =	vld [tilespmem:s12+$0xFFFFE050];
	v8 =	vand.u32 $0x7F, v8  }
0x29f: {  	v11 =	vld [tilespmem:s12+$0xFFFFE060];
	v56 =	vadd.s32 v0, v8  }
0x2a0: {  	v57 =	vld [tilespmem:s12+$0xFFFFE070];
	v58 =	vadd.s32 v1, v8  }
0x2a1: {  	v59 =	vadd.s32 v2, v8  }
0x2a2: {  	v60 =	vadd.s32 v3, v8;
	v9 =	vmul.f32 $8.000000000e+00, v9  }
0x2a3: {  	v10 =	vmul.f32 $8.000000000e+00, v10  }
0x2a4: {  	v11 =	vmul.f32 $8.000000000e+00, v11;
	[tilespmem:v56+s22+$0x0] =	vst.idx.msk $0xffff, v9  }
0x2a5: {  	v9 =	vmul.f32 $8.000000000e+00, v57;
	[tilespmem:v58+s22+$0x0] =	vst.idx.msk $0xffff, v10  }
0x2a6: {  	[tilespmem:v59+s22+$0x0] =	vst.idx.msk $0xffff, v11  }
0x2a7: {  	[tilespmem:v60+s22+$0x0] =	vst.idx.msk $0xffff, v9  }
0x2a8: {  	v9 =	vld [tilespmem:s12+$0x40]  }
0x2a9: {  	v10 =	vld [tilespmem:s12+$0x50]  }
0x2aa: {  	v61 =	vadd.s32 v4, v8;
	v11 =	vld [tilespmem:s12+$0x60]  }
0x2ab: {  	v62 =	vadd.s32 v5, v8  }
0x2ac: {  	v63 =	vadd.s32 v6, v8;
	v14 =	vld [tilespmem:s12+$0x70]  }
0x2ad: {  	v9 =	vmul.f32 $8.000000000e+00, v9  }
0x2ae: {  	v8 =	vadd.s32 v7, v8;
	v10 =	vmul.f32 $8.000000000e+00, v10  }
0x2af: {  	v11 =	vmul.f32 $8.000000000e+00, v11;
	[tilespmem:v61+s22+$0x0] =	vst.idx.msk $0xffff, v9  }
0x2b0: {  	[tilespmem:v62+s22+$0x0] =	vst.idx.msk $0xffff, v10  }
0x2b1: {  	s13 =	simm.s32 $0x2;
	v9 =	vmul.f32 $8.000000000e+00, v14;
	[tilespmem:v63+s22+$0x0] =	vst.idx.msk $0xffff, v11  }
.LBB2_21:
0x2b2: {  	p0 =	slt.u32 s13, $0x7E  }
0x2b3: {  	[tilespmem:v8+s22+$0x0] =	vst.idx.msk $0xffff, v9;
	s12 =	sadd.s32 $0x80, s12;
	s0 =	smov.u32 s13;
	s13 =	sadd.s32 $0x2, s13  }
0x2b4: {  	v8 =	vmov s0;
	v9 =	vld [tilespmem:s12+$0xFFFFE000]  }
0x2b5: {  	v10 =	vld [tilespmem:s12+$0xFFFFE010];
	v8 =	vand.u32 $0x7E, v8  }
0x2b6: {  	v11 =	vld [tilespmem:s12+$0xFFFFE020];
	v12 =	vadd.s32 v0, v8  }
0x2b7: {  	v14 =	vadd.s32 v1, v8;
	v13 =	vld [tilespmem:s12+$0xFFFFE030]  }
0x2b8: {  	v15 =	vadd.s32 v2, v8  }
0x2b9: {  	v16 =	vadd.s32 v3, v8;
	v9 =	vmul.f32 $8.000000000e+00, v9  }
0x2ba: {  	v10 =	vmul.f32 $8.000000000e+00, v10  }
0x2bb: {  	v11 =	vmul.f32 $8.000000000e+00, v11;
	[tilespmem:v12+s22+$0x0] =	vst.idx.msk $0xffff, v9  }
0x2bc: {  	v9 =	vmul.f32 $8.000000000e+00, v13;
	[tilespmem:v14+s22+$0x0] =	vst.idx.msk $0xffff, v10  }
0x2bd: {  	[tilespmem:v15+s22+$0x0] =	vst.idx.msk $0xffff, v11  }
0x2be: {  	[tilespmem:v16+s22+$0x0] =	vst.idx.msk $0xffff, v9  }
0x2bf: {  	v9 =	vld [tilespmem:s12+$0x0]  }
0x2c0: {  	v10 =	vld [tilespmem:s12+$0x10]  }
0x2c1: {  	v12 =	vadd.s32 v4, v8;
	v11 =	vld [tilespmem:s12+$0x20]  }
0x2c2: {  	v14 =	vadd.s32 v5, v8;
	v13 =	vld [tilespmem:s12+$0x30]  }
0x2c3: {  	v15 =	vadd.s32 v6, v8  }
0x2c4: {  	v8 =	vadd.s32 v7, v8;
	v9 =	vmul.f32 $8.000000000e+00, v9  }
0x2c5: {  	v10 =	vmul.f32 $8.000000000e+00, v10  }
0x2c6: {  	v11 =	vmul.f32 $8.000000000e+00, v11;
	[tilespmem:v12+s22+$0x0] =	vst.idx.msk $0xffff, v9  }
0x2c7: {  	v9 =	vmul.f32 $8.000000000e+00, v13;
	[tilespmem:v14+s22+$0x0] =	vst.idx.msk $0xffff, v10  }
0x2c8: {  	[tilespmem:v15+s22+$0x0] =	vst.idx.msk $0xffff, v11  }
0x2c9: {  	s0 =	sadd.s32 $0x1, s0;
	[tilespmem:v8+s22+$0x0] =	vst.idx.msk $0xffff, v9  }
0x2ca: {  	v8 =	vmov s0;
	v9 =	vld [tilespmem:s12+$0xFFFFE040]  }
0x2cb: {  	v8 =	vand.u32 $0x7F, v8;
	v10 =	vld [tilespmem:s12+$0xFFFFE050]  }
0x2cc: {  	v12 =	vadd.s32 v0, v8;
	v11 =	vld [tilespmem:s12+$0xFFFFE060]  }
0x2cd: {  	v14 =	vadd.s32 v1, v8;
	v13 =	vld [tilespmem:s12+$0xFFFFE070]  }
0x2ce: {  	v15 =	vadd.s32 v2, v8  }
0x2cf: {  	v16 =	vadd.s32 v3, v8;
	v9 =	vmul.f32 $8.000000000e+00, v9  }
0x2d0: {  	v10 =	vmul.f32 $8.000000000e+00, v10  }
0x2d1: {  	v11 =	vmul.f32 $8.000000000e+00, v11;
	[tilespmem:v12+s22+$0x0] =	vst.idx.msk $0xffff, v9  }
0x2d2: {  	v9 =	vmul.f32 $8.000000000e+00, v13;
	[tilespmem:v14+s22+$0x0] =	vst.idx.msk $0xffff, v10  }
0x2d3: {  	[tilespmem:v15+s22+$0x0] =	vst.idx.msk $0xffff, v11  }
0x2d4: {  	[tilespmem:v16+s22+$0x0] =	vst.idx.msk $0xffff, v9  }
0x2d5: {  	v9 =	vld [tilespmem:s12+$0x40]  }
0x2d6: {  	v10 =	vld [tilespmem:s12+$0x50]  }
0x2d7: {  	v12 =	vadd.s32 v4, v8;
	v11 =	vld [tilespmem:s12+$0x60]  }
0x2d8: {  	v14 =	vadd.s32 v5, v8;
	v13 =	vld [tilespmem:s12+$0x70]  }
0x2d9: {  	v15 =	vadd.s32 v6, v8  }
.Ltmp9:
0x2da: {  	v8 =	vadd.s32 v7, v8;
	v9 =	vmul.f32 $8.000000000e+00, v9;
	(pc) =	sbr.rel @p0 .LBB2_21-.Ltmp9, $4  }
0x2db: {  	v10 =	vmul.f32 $8.000000000e+00, v10  }
0x2dc: {  	v11 =	vmul.f32 $8.000000000e+00, v11;
	[tilespmem:v12+s22+$0x0] =	vst.idx.msk $0xffff, v9  }
0x2dd: {  	v9 =	vmul.f32 $8.000000000e+00, v13;
	[tilespmem:v14+s22+$0x0] =	vst.idx.msk $0xffff, v10  }
0x2de: {  	[tilespmem:v15+s22+$0x0] =	vst.idx.msk $0xffff, v11  }
0x2df: {  	_ =	sdelay $0x3  }
0x2e0: {  	[tilespmem:v8+s22+$0x0] =	vst.idx.msk $0xffff, v9;
	s0 =	simm.s32 $0xE400  }
0x2e1: {  	[hbm4b:s9+s3] =	stream.linear.scatter [tilespmem:s0], [sflag:$0x3], $0x80, $0x38;
	[tilespmem:$0x16C00] =	vst v63  }
0x2e2: {  	s24 =	simm.s32 $0xE488;
	s7 =	sadd.s32 $0x10, s9  }
0x2e3: {  	[hbm4b:s7+s3] =	stream.linear.scatter [tilespmem:s24], [sflag:$0x3], $0x80, $0x38;
	[tilespmem:$0x16C00] =	vst v63  }
0x2e4: {  	s25 =	simm.s32 $0xE510;
	s31 =	sadd.s32 $0x20, s9;
	s12 =	sadd.s32 $0x30, s9  }
0x2e5: {  	[hbm4b:s31+s3] =	stream.linear.scatter [tilespmem:s25], [sflag:$0x3], $0x80, $0x38;
	[tilespmem:$0x16C00] =	vst v63  }
0x2e6: {  	s13 =	simm.s32 $0xE620;
	s17 =	sadd.s32 $0x40, s9;
	s7 =	simm.s32 $0xE598  }
0x2e7: {  	[hbm4b:s12+s3] =	stream.linear.scatter [tilespmem:s7], [sflag:$0x3], $0x80, $0x38;
	[tilespmem:$0x16C00] =	vst v63  }
0x2e8: {  	s19 =	simm.s32 $0xE6A8;
	s0 =	sadd.s32 $0x70, s9;
	s24 =	sadd.s32 $0x50, s9  }
0x2e9: {  	[hbm4b:s17+s3] =	stream.linear.scatter [tilespmem:s13], [sflag:$0x3], $0x80, $0x38;
	[tilespmem:$0x16C00] =	vst v63  }
0x2ea: {  	s25 =	simm.s32 $0xE730;
	s31 =	sadd.s32 $0x60, s9;
	s12 =	simm.s32 $0x440  }
0x2eb: {  	[hbm4b:s24+s3] =	stream.linear.scatter [tilespmem:s19], [sflag:$0x3], $0x80, $0x38;
	[tilespmem:$0x16C00] =	vst v63  }
0x2ec: {  	s17 =	simm.s32 $0x2200;
	s13 =	sadd.s32 $0x1000, s9;
	s19 =	simm.s32 $0xE7B8  }
0x2ed: {  	[hbm4b:s31+s3] =	stream.linear.scatter [tilespmem:s25], [sflag:$0x3], $0x80, $0x38;
	[tilespmem:$0x16C00] =	vst v63  }
.LBB2_23:
0x2ee: {  	[hbm4b:s0+s3] =	stream.linear.scatter [tilespmem:s19], [sflag:$0x3], $0x80, $0x38;
	[tilespmem:$0x16C00] =	vst v63  }
0x2ef: {  	s0 =	smov.u32 s12;
	s7 =	smov.u32 s17  }
0x2f0: {  	s12 =	sshra.s32 s7, $0x2;
	s7 =	sadd.s32 $0x1100, s17;
	s19 =	sadd.s32 $0xE400, s0  }
0x2f1: {  	[hbm4b:s13+s3] =	stream.linear.scatter [tilespmem:s19], [sflag:$0x3], $0x80, $0x38;
	[tilespmem:$0x16C00] =	vst v63  }
0x2f2: {  	p0 =	sne.s32 s17, $0xFF00;
	s17 =	sadd.s32 $0xE488, s0;
	s19 =	sadd.s32 $0x10, s13  }
0x2f3: {  	[hbm4b:s19+s3] =	stream.linear.scatter [tilespmem:s17], [sflag:$0x3], $0x80, $0x38;
	[tilespmem:$0x16C00] =	vst v63  }
0x2f4: {  	s17 =	sadd.s32 $0xE510, s0;
	s19 =	sadd.s32 $0x20, s13  }
0x2f5: {  	[hbm4b:s19+s3] =	stream.linear.scatter [tilespmem:s17], [sflag:$0x3], $0x80, $0x38;
	[tilespmem:$0x16C00] =	vst v63  }
0x2f6: {  	s17 =	sadd.s32 $0xE598, s0;
	s19 =	sadd.s32 $0x30, s13  }
0x2f7: {  	[hbm4b:s19+s3] =	stream.linear.scatter [tilespmem:s17], [sflag:$0x3], $0x80, $0x38;
	[tilespmem:$0x16C00] =	vst v63  }
0x2f8: {  	s17 =	sadd.s32 $0xE620, s0;
	s19 =	sadd.s32 $0x40, s13  }
0x2f9: {  	[hbm4b:s19+s3] =	stream.linear.scatter [tilespmem:s17], [sflag:$0x3], $0x80, $0x38;
	[tilespmem:$0x16C00] =	vst v63  }
0x2fa: {  	s17 =	sadd.s32 $0xE6A8, s0;
	s19 =	sadd.s32 $0x50, s13  }
0x2fb: {  	[hbm4b:s19+s3] =	stream.linear.scatter [tilespmem:s17], [sflag:$0x3], $0x80, $0x38;
	[tilespmem:$0x16C00] =	vst v63  }
.Ltmp10:
0x2fc: {  	_ = 	snop;
	(pc) =	sbr.rel @p0 .LBB2_23-.Ltmp10, $4  }
0x2fd: {  	s17 =	sadd.s32 $0xE730, s0;
	s19 =	sadd.s32 $0x60, s13  }
0x2fe: {  	[hbm4b:s19+s3] =	stream.linear.scatter [tilespmem:s17], [sflag:$0x3], $0x80, $0x38;
	[tilespmem:$0x16C00] =	vst v63  }
0x2ff: {  	s19 =	sadd.s32 $0xE7B8, s0  }
0x300: {  	s0 =	sadd.s32 $0x70, s13;
	s13 =	sadd.s32 $0x1000, s13;
	s17 =	smov.u32 s7  }
0x301: {  	[hbm4b:s0+s3] =	stream.linear.scatter [tilespmem:s19], [sflag:$0x3], $0x80, $0x38;
	[tilespmem:$0x16C00] =	vst v63  }
0x302: {  	s19 =	sadd.s32 $0xE400, s12  }
0x303: {  	[hbm4b:s13+s3] =	stream.linear.scatter [tilespmem:s19], [sflag:$0x3], $0x80, $0x38;
	[tilespmem:$0x16C00] =	vst v63  }
0x304: {  	s24 =	sadd.s32 $0xE488, s12;
	s7 =	sadd.s32 $0x10, s13  }
0x305: {  	[hbm4b:s7+s3] =	stream.linear.scatter [tilespmem:s24], [sflag:$0x3], $0x80, $0x38;
	[tilespmem:$0x16C00] =	vst v63  }
0x306: {  	s25 =	sadd.s32 $0xE510, s12;
	s31 =	sadd.s32 $0x20, s13  }
0x307: {  	[hbm4b:s31+s3] =	stream.linear.scatter [tilespmem:s25], [sflag:$0x3], $0x80, $0x38;
	[tilespmem:$0x16C00] =	vst v63  }
0x308: {  	s17 =	sadd.s32 $0x30, s13;
	s7 =	sadd.s32 $0xE598, s12  }
0x309: {  	[hbm4b:s17+s3] =	stream.linear.scatter [tilespmem:s7], [sflag:$0x3], $0x80, $0x38;
	[tilespmem:$0x16C00] =	vst v63  }
0x30a: {  	s19 =	sadd.s32 $0xE620, s12;
	s24 =	sadd.s32 $0x40, s13  }
0x30b: {  	[hbm4b:s24+s3] =	stream.linear.scatter [tilespmem:s19], [sflag:$0x3], $0x80, $0x38;
	[tilespmem:$0x16C00] =	vst v63  }
0x30c: {  	s25 =	sadd.s32 $0xE6A8, s12;
	s31 =	sadd.s32 $0x50, s13  }
0x30d: {  	[hbm4b:s31+s3] =	stream.linear.scatter [tilespmem:s25], [sflag:$0x3], $0x80, $0x38;
	[tilespmem:$0x16C00] =	vst v63  }
0x30e: {  	s7 =	sadd.s32 $0xE730, s12;
	s17 =	sadd.s32 $0x60, s13  }
0x30f: {  	[hbm4b:s17+s3] =	stream.linear.scatter [tilespmem:s7], [sflag:$0x3], $0x80, $0x38;
	[tilespmem:$0x16C00] =	vst v63  }
0x310: {  	s19 =	sadd.s32 $0xE7B8, s12;
	s24 =	sadd.s32 $0x70, s13  }
0x311: {  	[hbm4b:s24+s3] =	stream.linear.scatter [tilespmem:s19], [sflag:$0x3], $0x80, $0x38;
	[tilespmem:$0x16C00] =	vst v63  }
0x312: {  	_ =	swait.ge [sflag:s23], $0x4000  }
0x313: {  	[sflag:s23] =	ssyncset.done $0x0  }
0x314: {  	[sflag:s23] =	ssyncadd.s32 $0xFFFFC000  }
0x315: {  	_ =	swait.ge [sflag:s28], $0x2000  }
0x316: {  	[sflag:s28] =	ssyncset.done $0x0  }
0x317: {  	[sflag:s28] =	ssyncadd.s32 $0xFFFFE000  }
0x318: {  	_ =	swait.ge [sflag:s28], $0x2000  }
0x319: {  	[sflag:s28] =	ssyncset.done $0x0  }
0x31a: {  	s12 =	simm.s32 $0xC400;
	s25 =	simm.s32 $0x0;
	[sflag:s28] =	ssyncadd.s32 $0xFFFFE000  }
0x31b: {  	v8 =	vmov s25;
	v9 =	vld [tilespmem:s12+$0xFFFFE000]  }
0x31c: {  	v8 =	vand.u32 $0x7E, v8;
	v10 =	vld [tilespmem:s12+$0xFFFFE010]  }
0x31d: {  	v12 =	vadd.s32 v0, v8;
	v11 =	vld [tilespmem:s12+$0xFFFFE020]  }
0x31e: {  	v14 =	vadd.s32 v1, v8;
	v13 =	vld [tilespmem:s12+$0xFFFFE030]  }
0x31f: {  	v15 =	vadd.s32 v2, v8  }
0x320: {  	v16 =	vadd.s32 v3, v8;
	v9 =	vmul.f32 $8.000000000e+00, v9  }
0x321: {  	v10 =	vmul.f32 $8.000000000e+00, v10  }
0x322: {  	v11 =	vmul.f32 $8.000000000e+00, v11;
	[tilespmem:v12+s29+$0x0] =	vst.idx.msk $0xffff, v9  }
0x323: {  	v9 =	vmul.f32 $8.000000000e+00, v13;
	[tilespmem:v14+s29+$0x0] =	vst.idx.msk $0xffff, v10  }
0x324: {  	[tilespmem:v15+s29+$0x0] =	vst.idx.msk $0xffff, v11  }
0x325: {  	[tilespmem:v16+s29+$0x0] =	vst.idx.msk $0xffff, v9  }
0x326: {  	v9 =	vld [tilespmem:s12+$0x0]  }
0x327: {  	v10 =	vld [tilespmem:s12+$0x10]  }
0x328: {  	v52 =	vadd.s32 v4, v8;
	v11 =	vld [tilespmem:s12+$0x20]  }
0x329: {  	v54 =	vadd.s32 v5, v8;
	v53 =	vld [tilespmem:s12+$0x30]  }
0x32a: {  	v55 =	vadd.s32 v6, v8  }
0x32b: {  	v8 =	vadd.s32 v7, v8;
	v9 =	vmul.f32 $8.000000000e+00, v9  }
0x32c: {  	v10 =	vmul.f32 $8.000000000e+00, v10  }
0x32d: {  	v11 =	vmul.f32 $8.000000000e+00, v11;
	[tilespmem:v52+s29+$0x0] =	vst.idx.msk $0xffff, v9  }
0x32e: {  	v9 =	vmul.f32 $8.000000000e+00, v53;
	[tilespmem:v54+s29+$0x0] =	vst.idx.msk $0xffff, v10  }
0x32f: {  	[tilespmem:v55+s29+$0x0] =	vst.idx.msk $0xffff, v11  }
0x330: {  	s31 =	simm.s32 $0x1;
	[tilespmem:v8+s29+$0x0] =	vst.idx.msk $0xffff, v9  }
0x331: {  	v8 =	vmov s31;
	v9 =	vld [tilespmem:s12+$0xFFFFE040]  }
0x332: {  	v10 =	vld [tilespmem:s12+$0xFFFFE050];
	v8 =	vand.u32 $0x7F, v8  }
0x333: {  	v11 =	vld [tilespmem:s12+$0xFFFFE060];
	v56 =	vadd.s32 v0, v8  }
0x334: {  	v57 =	vld [tilespmem:s12+$0xFFFFE070];
	v58 =	vadd.s32 v1, v8  }
0x335: {  	v59 =	vadd.s32 v2, v8  }
0x336: {  	v60 =	vadd.s32 v3, v8;
	v9 =	vmul.f32 $8.000000000e+00, v9  }
0x337: {  	v10 =	vmul.f32 $8.000000000e+00, v10  }
0x338: {  	v11 =	vmul.f32 $8.000000000e+00, v11;
	[tilespmem:v56+s29+$0x0] =	vst.idx.msk $0xffff, v9  }
0x339: {  	v9 =	vmul.f32 $8.000000000e+00, v57;
	[tilespmem:v58+s29+$0x0] =	vst.idx.msk $0xffff, v10  }
0x33a: {  	[tilespmem:v59+s29+$0x0] =	vst.idx.msk $0xffff, v11  }
0x33b: {  	[tilespmem:v60+s29+$0x0] =	vst.idx.msk $0xffff, v9  }
0x33c: {  	v9 =	vld [tilespmem:s12+$0x40]  }
0x33d: {  	v10 =	vld [tilespmem:s12+$0x50]  }
0x33e: {  	v61 =	vadd.s32 v4, v8;
	v11 =	vld [tilespmem:s12+$0x60]  }
0x33f: {  	v62 =	vadd.s32 v5, v8  }
0x340: {  	v63 =	vadd.s32 v6, v8;
	v14 =	vld [tilespmem:s12+$0x70]  }
0x341: {  	v9 =	vmul.f32 $8.000000000e+00, v9  }
0x342: {  	v8 =	vadd.s32 v7, v8;
	v10 =	vmul.f32 $8.000000000e+00, v10  }
0x343: {  	v11 =	vmul.f32 $8.000000000e+00, v11;
	[tilespmem:v61+s29+$0x0] =	vst.idx.msk $0xffff, v9  }
0x344: {  	[tilespmem:v62+s29+$0x0] =	vst.idx.msk $0xffff, v10  }
0x345: {  	s13 =	simm.s32 $0x2;
	v9 =	vmul.f32 $8.000000000e+00, v14;
	[tilespmem:v63+s29+$0x0] =	vst.idx.msk $0xffff, v11  }
.LBB2_25:
0x346: {  	p0 =	slt.u32 s13, $0x7E  }
0x347: {  	[tilespmem:v8+s29+$0x0] =	vst.idx.msk $0xffff, v9;
	s12 =	sadd.s32 $0x80, s12;
	s0 =	smov.u32 s13;
	s13 =	sadd.s32 $0x2, s13  }
0x348: {  	v8 =	vmov s0;
	v9 =	vld [tilespmem:s12+$0xFFFFE000]  }
0x349: {  	v10 =	vld [tilespmem:s12+$0xFFFFE010];
	v8 =	vand.u32 $0x7E, v8  }
0x34a: {  	v11 =	vld [tilespmem:s12+$0xFFFFE020];
	v12 =	vadd.s32 v0, v8  }
0x34b: {  	v14 =	vadd.s32 v1, v8;
	v13 =	vld [tilespmem:s12+$0xFFFFE030]  }
0x34c: {  	v15 =	vadd.s32 v2, v8  }
0x34d: {  	v16 =	vadd.s32 v3, v8;
	v9 =	vmul.f32 $8.000000000e+00, v9  }
0x34e: {  	v10 =	vmul.f32 $8.000000000e+00, v10  }
0x34f: {  	v11 =	vmul.f32 $8.000000000e+00, v11;
	[tilespmem:v12+s29+$0x0] =	vst.idx.msk $0xffff, v9  }
0x350: {  	v9 =	vmul.f32 $8.000000000e+00, v13;
	[tilespmem:v14+s29+$0x0] =	vst.idx.msk $0xffff, v10  }
0x351: {  	[tilespmem:v15+s29+$0x0] =	vst.idx.msk $0xffff, v11  }
0x352: {  	[tilespmem:v16+s29+$0x0] =	vst.idx.msk $0xffff, v9  }
0x353: {  	v9 =	vld [tilespmem:s12+$0x0]  }
0x354: {  	v10 =	vld [tilespmem:s12+$0x10]  }
0x355: {  	v12 =	vadd.s32 v4, v8;
	v11 =	vld [tilespmem:s12+$0x20]  }
0x356: {  	v14 =	vadd.s32 v5, v8;
	v13 =	vld [tilespmem:s12+$0x30]  }
0x357: {  	v15 =	vadd.s32 v6, v8  }
0x358: {  	v8 =	vadd.s32 v7, v8;
	v9 =	vmul.f32 $8.000000000e+00, v9  }
0x359: {  	v10 =	vmul.f32 $8.000000000e+00, v10  }
0x35a: {  	v11 =	vmul.f32 $8.000000000e+00, v11;
	[tilespmem:v12+s29+$0x0] =	vst.idx.msk $0xffff, v9  }
0x35b: {  	v9 =	vmul.f32 $8.000000000e+00, v13;
	[tilespmem:v14+s29+$0x0] =	vst.idx.msk $0xffff, v10  }
0x35c: {  	[tilespmem:v15+s29+$0x0] =	vst.idx.msk $0xffff, v11  }
0x35d: {  	s0 =	sadd.s32 $0x1, s0;
	[tilespmem:v8+s29+$0x0] =	vst.idx.msk $0xffff, v9  }
0x35e: {  	v8 =	vmov s0;
	v9 =	vld [tilespmem:s12+$0xFFFFE040]  }
0x35f: {  	v8 =	vand.u32 $0x7F, v8;
	v10 =	vld [tilespmem:s12+$0xFFFFE050]  }
0x360: {  	v12 =	vadd.s32 v0, v8;
	v11 =	vld [tilespmem:s12+$0xFFFFE060]  }
0x361: {  	v14 =	vadd.s32 v1, v8;
	v13 =	vld [tilespmem:s12+$0xFFFFE070]  }
0x362: {  	v15 =	vadd.s32 v2, v8  }
0x363: {  	v16 =	vadd.s32 v3, v8;
	v9 =	vmul.f32 $8.000000000e+00, v9  }
0x364: {  	v10 =	vmul.f32 $8.000000000e+00, v10  }
0x365: {  	v11 =	vmul.f32 $8.000000000e+00, v11;
	[tilespmem:v12+s29+$0x0] =	vst.idx.msk $0xffff, v9  }
0x366: {  	v9 =	vmul.f32 $8.000000000e+00, v13;
	[tilespmem:v14+s29+$0x0] =	vst.idx.msk $0xffff, v10  }
0x367: {  	[tilespmem:v15+s29+$0x0] =	vst.idx.msk $0xffff, v11  }
0x368: {  	[tilespmem:v16+s29+$0x0] =	vst.idx.msk $0xffff, v9  }
0x369: {  	v9 =	vld [tilespmem:s12+$0x40]  }
0x36a: {  	v10 =	vld [tilespmem:s12+$0x50]  }
0x36b: {  	v12 =	vadd.s32 v4, v8;
	v11 =	vld [tilespmem:s12+$0x60]  }
0x36c: {  	v14 =	vadd.s32 v5, v8;
	v13 =	vld [tilespmem:s12+$0x70]  }
0x36d: {  	v15 =	vadd.s32 v6, v8  }
.Ltmp11:
0x36e: {  	v8 =	vadd.s32 v7, v8;
	v9 =	vmul.f32 $8.000000000e+00, v9;
	(pc) =	sbr.rel @p0 .LBB2_25-.Ltmp11, $4  }
0x36f: {  	v10 =	vmul.f32 $8.000000000e+00, v10  }
0x370: {  	v11 =	vmul.f32 $8.000000000e+00, v11;
	[tilespmem:v12+s29+$0x0] =	vst.idx.msk $0xffff, v9  }
0x371: {  	v9 =	vmul.f32 $8.000000000e+00, v13;
	[tilespmem:v14+s29+$0x0] =	vst.idx.msk $0xffff, v10  }
0x372: {  	[tilespmem:v15+s29+$0x0] =	vst.idx.msk $0xffff, v11  }
0x373: {  	_ =	sdelay $0x3  }
0x374: {  	[tilespmem:v8+s29+$0x0] =	vst.idx.msk $0xffff, v9;
	s0 =	simm.s32 $0x12800  }
0x375: {  	[hbm4b:s10+s3] =	stream.linear.scatter [tilespmem:s0], [sflag:$0x4], $0x80, $0x38;
	[tilespmem:$0x16C00] =	vst v63  }
0x376: {  	s24 =	simm.s32 $0x12888;
	s7 =	sadd.s32 $0x10, s10  }
0x377: {  	[hbm4b:s7+s3] =	stream.linear.scatter [tilespmem:s24], [sflag:$0x4], $0x80, $0x38;
	[tilespmem:$0x16C00] =	vst v63  }
0x378: {  	s25 =	simm.s32 $0x12910;
	s31 =	sadd.s32 $0x20, s10;
	s12 =	sadd.s32 $0x30, s10  }
0x379: {  	[hbm4b:s31+s3] =	stream.linear.scatter [tilespmem:s25], [sflag:$0x4], $0x80, $0x38;
	[tilespmem:$0x16C00] =	vst v63  }
0x37a: {  	s13 =	simm.s32 $0x12A20;
	s17 =	sadd.s32 $0x40, s10;
	s7 =	simm.s32 $0x12998  }
0x37b: {  	[hbm4b:s12+s3] =	stream.linear.scatter [tilespmem:s7], [sflag:$0x4], $0x80, $0x38;
	[tilespmem:$0x16C00] =	vst v63  }
0x37c: {  	s19 =	simm.s32 $0x12AA8;
	s0 =	sadd.s32 $0x70, s10;
	s24 =	sadd.s32 $0x50, s10  }
0x37d: {  	[hbm4b:s17+s3] =	stream.linear.scatter [tilespmem:s13], [sflag:$0x4], $0x80, $0x38;
	[tilespmem:$0x16C00] =	vst v63  }
0x37e: {  	s25 =	simm.s32 $0x12B30;
	s31 =	sadd.s32 $0x60, s10;
	s12 =	simm.s32 $0x440  }
0x37f: {  	[hbm4b:s24+s3] =	stream.linear.scatter [tilespmem:s19], [sflag:$0x4], $0x80, $0x38;
	[tilespmem:$0x16C00] =	vst v63  }
0x380: {  	s17 =	simm.s32 $0x2200;
	s13 =	sadd.s32 $0x1000, s10;
	s19 =	simm.s32 $0x12BB8  }
0x381: {  	[hbm4b:s31+s3] =	stream.linear.scatter [tilespmem:s25], [sflag:$0x4], $0x80, $0x38;
	[tilespmem:$0x16C00] =	vst v63  }
.LBB2_27:
0x382: {  	[hbm4b:s0+s3] =	stream.linear.scatter [tilespmem:s19], [sflag:$0x4], $0x80, $0x38;
	[tilespmem:$0x16C00] =	vst v63  }
0x383: {  	s0 =	smov.u32 s12;
	s7 =	smov.u32 s17  }
0x384: {  	s12 =	sshra.s32 s7, $0x2;
	s7 =	sadd.s32 $0x1100, s17;
	s19 =	sadd.s32 $0x12800, s0  }
0x385: {  	[hbm4b:s13+s3] =	stream.linear.scatter [tilespmem:s19], [sflag:$0x4], $0x80, $0x38;
	[tilespmem:$0x16C00] =	vst v63  }
0x386: {  	p0 =	sne.s32 s17, $0xFF00;
	s17 =	sadd.s32 $0x12888, s0;
	s19 =	sadd.s32 $0x10, s13  }
0x387: {  	[hbm4b:s19+s3] =	stream.linear.scatter [tilespmem:s17], [sflag:$0x4], $0x80, $0x38;
	[tilespmem:$0x16C00] =	vst v63  }
0x388: {  	s17 =	sadd.s32 $0x12910, s0;
	s19 =	sadd.s32 $0x20, s13  }
0x389: {  	[hbm4b:s19+s3] =	stream.linear.scatter [tilespmem:s17], [sflag:$0x4], $0x80, $0x38;
	[tilespmem:$0x16C00] =	vst v63  }
0x38a: {  	s17 =	sadd.s32 $0x12998, s0;
	s19 =	sadd.s32 $0x30, s13  }
0x38b: {  	[hbm4b:s19+s3] =	stream.linear.scatter [tilespmem:s17], [sflag:$0x4], $0x80, $0x38;
	[tilespmem:$0x16C00] =	vst v63  }
0x38c: {  	s17 =	sadd.s32 $0x12A20, s0;
	s19 =	sadd.s32 $0x40, s13  }
0x38d: {  	[hbm4b:s19+s3] =	stream.linear.scatter [tilespmem:s17], [sflag:$0x4], $0x80, $0x38;
	[tilespmem:$0x16C00] =	vst v63  }
0x38e: {  	s17 =	sadd.s32 $0x12AA8, s0;
	s19 =	sadd.s32 $0x50, s13  }
0x38f: {  	[hbm4b:s19+s3] =	stream.linear.scatter [tilespmem:s17], [sflag:$0x4], $0x80, $0x38;
	[tilespmem:$0x16C00] =	vst v63  }
.Ltmp12:
0x390: {  	_ = 	snop;
	(pc) =	sbr.rel @p0 .LBB2_27-.Ltmp12, $4  }
0x391: {  	s17 =	sadd.s32 $0x12B30, s0;
	s19 =	sadd.s32 $0x60, s13  }
0x392: {  	[hbm4b:s19+s3] =	stream.linear.scatter [tilespmem:s17], [sflag:$0x4], $0x80, $0x38;
	[tilespmem:$0x16C00] =	vst v63  }
0x393: {  	s19 =	sadd.s32 $0x12BB8, s0  }
0x394: {  	s0 =	sadd.s32 $0x70, s13;
	s13 =	sadd.s32 $0x1000, s13;
	s17 =	smov.u32 s7  }
0x395: {  	[hbm4b:s0+s3] =	stream.linear.scatter [tilespmem:s19], [sflag:$0x4], $0x80, $0x38;
	[tilespmem:$0x16C00] =	vst v63  }
0x396: {  	s25 =	sadd.s32 $0x12800, s12  }
0x397: {  	[hbm4b:s13+s3] =	stream.linear.scatter [tilespmem:s25], [sflag:$0x4], $0x80, $0x38;
	[tilespmem:$0x16C00] =	vst v63  }
0x398: {  	s31 =	sadd.s32 $0x12888, s12;
	s7 =	sadd.s32 $0x10, s13  }
0x399: {  	[hbm4b:s7+s3] =	stream.linear.scatter [tilespmem:s31], [sflag:$0x4], $0x80, $0x38;
	[tilespmem:$0x16C00] =	vst v63  }
0x39a: {  	s17 =	sadd.s32 $0x20, s13;
	s7 =	sadd.s32 $0x12910, s12  }
0x39b: {  	[hbm4b:s17+s3] =	stream.linear.scatter [tilespmem:s7], [sflag:$0x4], $0x80, $0x38;
	[tilespmem:$0x16C00] =	vst v63  }
0x39c: {  	s19 =	sadd.s32 $0x12998, s12;
	s24 =	sadd.s32 $0x30, s13  }
0x39d: {  	[hbm4b:s24+s3] =	stream.linear.scatter [tilespmem:s19], [sflag:$0x4], $0x80, $0x38;
	[tilespmem:$0x16C00] =	vst v63  }
0x39e: {  	s25 =	sadd.s32 $0x12A20, s12;
	s31 =	sadd.s32 $0x40, s13  }
0x39f: {  	[hbm4b:s31+s3] =	stream.linear.scatter [tilespmem:s25], [sflag:$0x4], $0x80, $0x38;
	[tilespmem:$0x16C00] =	vst v63  }
0x3a0: {  	s1 =	sadd.s32 $0x1, s1;
	s7 =	sadd.s32 $0x12AA8, s12;
	s17 =	sadd.s32 $0x50, s13  }
0x3a1: {  	[hbm4b:s17+s3] =	stream.linear.scatter [tilespmem:s7], [sflag:$0x4], $0x80, $0x38;
	[tilespmem:$0x16C00] =	vst v63  }
0x3a2: {  	p0 =	sne.s32 s1, s11;
	s19 =	sadd.s32 $0x12B30, s12;
	s24 =	sadd.s32 $0x60, s13  }
0x3a3: {  	[hbm4b:s24+s3] =	stream.linear.scatter [tilespmem:s19], [sflag:$0x4], $0x80, $0x38;
	[tilespmem:$0x16C00] =	vst v63  }
.Ltmp13:
0x3a4: {  	s25 =	sadd.s32 $0x12BB8, s12;
	s31 =	sadd.s32 $0x70, s13;
	(pc) =	sbr.rel @p0 .LBB2_1-.Ltmp13, $4  }
0x3a5: {  	[hbm4b:s31+s3] =	stream.linear.scatter [tilespmem:s25], [sflag:$0x4], $0x80, $0x38;
	[tilespmem:$0x16C00] =	vst v63  }
0x3a6: {  	_ =	swait.ge [sflag:s30], $0x4000  }
0x3a7: {  	[sflag:s30] =	ssyncset.done $0x0  }
0x3a8: {  	[sflag:s30] =	ssyncadd.s32 $0xFFFFC000  }
0x3a9: {  	_ =	sfence.sel $0x180000  }
0x3aa: {  	[bflag:$0x0] =	sbarrier.arrive $0xFFFF  }
0x3ab: {  	_ =	strace $0x90000047  }
0x3ac: {  	s0 =	stileid.u32;
	[bflag:$0x2] =	sbarrier.arrive $0xFFFF  }
0x3ad: {  	p0 =	sne.s32 s0, $0x0;
	s0 =	rddreg [dreg:$0x3]  }
0x3ae: {  	s0 =	sadd.s32 @!p0 $0x100000, s0  }
0x3af: {  	[sflag:s0] =	ssyncadd.tile.s32 @!p0 $0x1;
	_ =	shalt  }
.Lfunc_end2:
_tile_overlayer_lowered:
.L_overlay_start_2:
0x3b0: {  	(tag) =	ssettag $0x2  }
0x3b1: {  	s0 =	rddreg [dreg:$0x0];
	s2 =	stileid.u32  }
0x3b2: {  	s1 =	rddreg [dreg:$0x1];
	p0 =	sne.s32 s2, $0x0  }
0x3b3: {  	s3 =	rddreg [dreg:$0x2];
	[bflag:$0x3] =	sbarrier.arrive $0xFFFF;
	s2 =	simm.s32 @!p0 $0x1C05  }
0x3b4: {  	[timem:s3], [sflag:s2] =	dma.local @!p0 [hbm:s0], s1  }
0x3b5: {  	s0 =	simm.s32 @!p0 $0x5  }
0x3b6: {  	_ =	swait.ge @!p0 [sflag:s0], s1  }
0x3b7: {  	s1 =	ssub.s32 @!p0 $0x0, s1;
	[sflag:s0] =	ssyncset.done @!p0 $0x0  }
0x3b8: {  	[sflag:s0] =	ssyncadd.s32 @!p0 s1  }
0x3b9: {  	[bflag:$0x3] =	sbarrier.arrive $0xFFFF  }
0x3ba: {  	_ =	shalt  }

</sc_bundles>
